<compile_context>
chip_gen: v7x
topology: tpu7x:2x2x1
jax: 0.10.2.dev20260603
libtpu: 0.0.44.dev20260713+nightly
codegen_flags: <defaults>
</compile_context>

<pallas_src>
import functools

import jax
import jax.numpy as jnp
from jax import lax
from jax.experimental import pallas as pl
from jax.experimental.pallas import tpu as pltpu
from jax.experimental.pallas import tpu_sc as plsc

N = 10000
E = 320000
D = 128

NC = 2
NS = 16
NW = NC * NS
CHUNK = 128
EPT = E // NW
FULL = EPT // CHUNK
TAIL = EPT - FULL * CHUNK
NTAB = 10112
RPT = NTAB // NS

BN = 2000


@functools.partial(
    pl.kernel,
    out_type=jax.ShapeDtypeStruct((NC * NTAB, D), jnp.float32),
    mesh=plsc.VectorSubcoreMesh(core_axis_name="c", subcore_axis_name="s"),
    scratch_types=[
        pltpu.VMEM((CHUNK,), jnp.int32),
        pltpu.VMEM((CHUNK,), jnp.int32),
        pltpu.VMEM((CHUNK,), jnp.int32),
        pltpu.VMEM((CHUNK,), jnp.int32),
        pltpu.VMEM((CHUNK,), jnp.int32),
        pltpu.VMEM((CHUNK,), jnp.int32),
        pltpu.VMEM((TAIL,), jnp.int32),
        pltpu.VMEM((TAIL,), jnp.int32),
        pltpu.VMEM((CHUNK, D), jnp.float32),
        pltpu.VMEM((CHUNK, D), jnp.float32),
        pltpu.VMEM((CHUNK, D), jnp.float32),
        pltpu.VMEM_SHARED((NTAB, D), jnp.float32),
        pltpu.SemaphoreType.DMA,
        pltpu.SemaphoreType.DMA,
        pltpu.SemaphoreType.DMA,
        pltpu.SemaphoreType.DMA,
        pltpu.SemaphoreType.DMA,
        pltpu.SemaphoreType.DMA,
        pltpu.SemaphoreType.DMA,
        pltpu.SemaphoreType.DMA,
        pltpu.SemaphoreType.DMA,
        pltpu.SemaphoreType.DMA,
    ],
)
def _sc_edge_agg(h_hbm, src_hbm, dst_hbm, out_hbm,
                 srcA, srcB, srcC, dstA, dstB, dstC, srcT, dstT,
                 rows0_v, rows1_v, rows2_v, agg_sh,
                 sg0, sg1, sg2, si0, si1, si2, sd0, sd1, sd2, sem_s):
    c = lax.axis_index("c")
    s = lax.axis_index("s")
    tid = s * NC + c
    base = tid * EPT
    srcs = (srcA, srcB, srcC)
    dsts = (dstA, dstB, dstC)
    rows = (rows0_v, rows1_v, rows2_v)
    sem_g = (sg0, sg1, sg2)
    sem_si = (si0, si1, si2)
    sem_di = (sd0, sd1, sd2)

    def idx_off(i):
        return pl.multiple_of(base + i * CHUNK, 8)

    def src_issue(i, q):
        pltpu.async_copy(src_hbm.at[pl.ds(idx_off(i), CHUNK)], srcs[q], sem_si[q])

    def src_wait(i, q):
        pltpu.make_async_copy(
            src_hbm.at[pl.ds(idx_off(i), CHUNK)], srcs[q], sem_si[q]).wait()

    def dst_issue(i, q):
        pltpu.async_copy(dst_hbm.at[pl.ds(idx_off(i), CHUNK)], dsts[q], sem_di[q])

    def dst_wait(i, q):
        pltpu.make_async_copy(
            dst_hbm.at[pl.ds(idx_off(i), CHUNK)], dsts[q], sem_di[q]).wait()

    def gath_issue(q):
        return pltpu.async_copy(h_hbm.at[srcs[q]], rows[q], sem_g[q])

    def gath_wait(q):
        pltpu.make_async_copy(h_hbm.at[srcs[q]], rows[q], sem_g[q]).wait()

    def scat_issue(q):
        pltpu.async_copy(rows[q], agg_sh.at[dsts[q]], sem_s, add=True)

    def scat_wait(q):
        pltpu.make_async_copy(rows[q], agg_sh.at[dsts[q]], sem_s).wait()

    src_issue(0, 0)
    src_issue(1, 1)
    src_issue(2, 2)
    dst_issue(0, 0)
    dst_issue(1, 1)
    zeros16 = jnp.zeros((16,), jnp.float32)

    def zero_row(i, carry):
        for j in range(D // 16):
            rows2_v[i, pl.ds(j * 16, 16)] = zeros16
        return carry

    lax.fori_loop(0, CHUNK, zero_row, 0)
    zcop = []
    for k in range(RPT // CHUNK):
        zcop.append(pltpu.async_copy(
            rows2_v, agg_sh.at[pl.ds(s * RPT + k * CHUNK, CHUNK)], sem_s))
    zcop.append(pltpu.async_copy(
        rows2_v.at[pl.ds(0, RPT % CHUNK)],
        agg_sh.at[pl.ds(s * RPT + (RPT // CHUNK) * CHUNK, RPT % CHUNK)],
        sem_s))
    src_wait(0, 0)
    gd0 = gath_issue(0)
    src_wait(1, 1)
    gd1 = gath_issue(1)
    for zd in zcop:
        zd.wait()
    plsc.subcore_barrier()
    gd0.wait()
    src_issue(3, 0)

    def step(i, k, first=False, swait=True, siss=True, giss=True,
             gwait=True, diss=True):
        if swait:
            src_wait(i + 2, (k + 2) % 3)
        if not first:
            scat_wait((k - 1) % 3)
        if giss:
            gath_issue((k + 2) % 3)
        dst_wait(i, k % 3)
        scat_issue(k % 3)
        if diss:
            dst_issue(i + 2, (k + 2) % 3)
        if gwait:
            gath_wait((k + 1) % 3)
        if siss:
            src_issue(i + 4, (k + 1) % 3)

    step(0, 0, first=True)

    def three_steps(it, carry):
        for kk in range(3):
            step(1 + it * 3 + kk, 1 + kk)
        return carry

    lax.fori_loop(0, (FULL - 6) // 3, three_steps, 0)
    step(FULL - 5, FULL - 5)
    offt = pl.multiple_of(base + FULL * CHUNK, 8)
    pltpu.async_copy(src_hbm.at[pl.ds(offt, TAIL)], srcT, si0)
    pltpu.async_copy(dst_hbm.at[pl.ds(offt, TAIL)], dstT, sd0)
    step(FULL - 4, FULL - 4, siss=False)
    step(FULL - 3, FULL - 3, siss=False)
    step(FULL - 2, FULL - 2, swait=False, siss=False, giss=False, diss=False)
    step(FULL - 1, FULL - 1, swait=False, siss=False, giss=False,
         gwait=False, diss=False)
    pltpu.make_async_copy(src_hbm.at[pl.ds(offt, TAIL)], srcT, si0).wait()
    gd = pltpu.async_copy(h_hbm.at[srcT], rows0_v.at[pl.ds(0, TAIL)], sg0)
    pltpu.make_async_copy(dst_hbm.at[pl.ds(offt, TAIL)], dstT, sd0).wait()
    gd.wait()
    scat_wait((FULL - 1) % 3)
    pltpu.sync_copy(rows0_v.at[pl.ds(0, TAIL)], agg_sh.at[dstT], add=True)
    plsc.subcore_barrier()

    row0 = c * NTAB + s * RPT
    pltpu.sync_copy(agg_sh.at[pl.ds(s * RPT, RPT)], out_hbm.at[pl.ds(row0, RPT)])


def _mlp1_body(x_ref, agg_ref, wa_ref, ba_ref, wb_ref, bb_ref, o_ref):
    h = x_ref[...] + agg_ref[0] + agg_ref[1]
    t = jnp.dot(h, wa_ref[...], preferred_element_type=jnp.float32) + ba_ref[...]
    t = jnp.maximum(t, 0.0)
    u = jnp.dot(t, wb_ref[...], preferred_element_type=jnp.float32) + bb_ref[...]
    o_ref[...] = jnp.maximum(u, 0.0)


def _mlp2_body(x_ref, agg_ref, wa_ref, ba_ref, wb_ref, bb_ref,
               wo_ref, bo_ref, o_ref):
    h = x_ref[...] + agg_ref[0] + agg_ref[1]
    t = jnp.dot(h, wa_ref[...], preferred_element_type=jnp.float32) + ba_ref[...]
    t = jnp.maximum(t, 0.0)
    u = jnp.dot(t, wb_ref[...], preferred_element_type=jnp.float32) + bb_ref[...]
    u = jnp.maximum(u, 0.0)
    o_ref[...] = (jnp.dot(u, wo_ref[...], preferred_element_type=jnp.float32)
                  + bo_ref[...])


_row_spec = pl.BlockSpec((BN, D), lambda i: (i, 0))
_agg_spec = pl.BlockSpec((NC, BN, D), lambda i: (0, i, 0))
_w_spec = pl.BlockSpec((D, D), lambda i: (0, 0))
_b_spec = pl.BlockSpec((1, D), lambda i: (0, 0))

_mlp1 = pl.pallas_call(
    _mlp1_body,
    grid=(N // BN,),
    in_specs=[_row_spec, _agg_spec, _w_spec, _b_spec, _w_spec, _b_spec],
    out_specs=_row_spec,
    out_shape=jax.ShapeDtypeStruct((N, D), jnp.float32),
)

_mlp2 = pl.pallas_call(
    _mlp2_body,
    grid=(N // BN,),
    in_specs=[_row_spec, _agg_spec, _w_spec, _b_spec, _w_spec, _b_spec,
              _w_spec, _b_spec],
    out_specs=_row_spec,
    out_shape=jax.ShapeDtypeStruct((N, D), jnp.float32),
)


def kernel(x, edge_index, W1a, b1a, W1b, b1b, W2a, b2a, W2b, b2b, Wo, bo):
    src = edge_index[0]
    dst = edge_index[1]
    agg1 = _sc_edge_agg(x, src, dst).reshape(NC, NTAB, D)
    h1 = _mlp1(x, agg1, W1a, b1a.reshape(1, D), W1b, b1b.reshape(1, D))
    agg2 = _sc_edge_agg(h1, src, dst).reshape(NC, NTAB, D)
    return _mlp2(h1, agg2, W2a, b2a.reshape(1, D), W2b, b2b.reshape(1, D),
                 Wo, bo.reshape(1, D))

# --- scband reference (transcript-rebuilt; emitter-appended) ---
"""Pipeline reference for scband-gin-4423816315318 (READ-ONLY COPY).

The authoritative reference and input builder live on the scoring server;
editing this copy changes nothing except your own understanding.
"""

import jax, jax.numpy as jnp
import numpy as np

N = 10000
E = 320000
D_IN = 128
D_H = 128
D_OUT = 128


def setup_inputs(seed: int = 0) -> dict:
    key = jax.random.key(seed)
    ks = jax.random.split(key, 12)
    x = jax.random.normal(ks[0], (N, D_IN), dtype=jnp.float32)
    edge_index = jax.random.randint(ks[1], (2, E), 0, N, dtype=jnp.int32)
    # GINConv 1 MLP: Linear(D_IN, D_H), ReLU, Linear(D_H, D_H)
    W1a = jax.random.normal(ks[2], (D_IN, D_H), dtype=jnp.float32) * 0.05
    b1a = jnp.zeros((D_H,), dtype=jnp.float32)
    W1b = jax.random.normal(ks[3], (D_H, D_H), dtype=jnp.float32) * 0.05
    b1b = jnp.zeros((D_H,), dtype=jnp.float32)
    # GINConv 2 MLP: Linear(D_H, D_H), ReLU, Linear(D_H, D_H)
    W2a = jax.random.normal(ks[4], (D_H, D_H), dtype=jnp.float32) * 0.05
    b2a = jnp.zeros((D_H,), dtype=jnp.float32)
    W2b = jax.random.normal(ks[5], (D_H, D_H), dtype=jnp.float32) * 0.05
    b2b = jnp.zeros((D_H,), dtype=jnp.float32)
    # Output Linear(D_H, D_OUT)
    Wo = jax.random.normal(ks[6], (D_H, D_OUT), dtype=jnp.float32) * 0.05
    bo = jnp.zeros((D_OUT,), dtype=jnp.float32)
    return {"x": x, "edge_index": edge_index,
            "W1a": W1a, "b1a": b1a, "W1b": W1b, "b1b": b1b,
            "W2a": W2a, "b2a": b2a, "W2b": W2b, "b2b": b2b,
            "Wo": Wo, "bo": bo}


def reference(x, edge_index, W1a, b1a, W1b, b1b, W2a, b2a, W2b, b2b, Wo, bo):
    src = edge_index[0]
    dst = edge_index[1]

    def gin_conv(h, Wa, ba, Wb, bb):
        # message: gather source node features along edges
        msg = jnp.take(h, src, axis=0)
        # aggregate: scatter-add messages into destination nodes
        agg = jax.ops.segment_sum(msg, dst, num_segments=N)
        # GIN update: (1 + eps) * x + agg, with default eps = 0
        out = h + agg
        # MLP: Linear -> ReLU -> Linear
        out = jnp.maximum(out @ Wa + ba, 0.0)
        out = out @ Wb + bb
        return out

    h = gin_conv(x, W1a, b1a, W1b, b1b)
    h = jnp.maximum(h, 0.0)
    h = gin_conv(h, W2a, b2a, W2b, b2b)
    h = jnp.maximum(h, 0.0)
    return h @ Wo + bo

if __name__ == "__main__":
    import jax
    _d = setup_inputs()
    print(jax.jit(kernel)(*tuple(_d.values())))

</pallas_src>

<mosaic_0001>
#map = affine_map<(d0, d1) -> (0, 0)>
#map1 = affine_map<(d0, d1) -> (0)>
module attributes {stable_mosaic.version = 14 : i64} {
  func.func @_sc_edge_agg(%arg0: i32, %arg1: i32, %arg2: memref<10000x128xf32, #tpu.memory_space<hbm>>, %arg3: memref<320000xi32, #tpu.memory_space<hbm>>, %arg4: memref<320000xi32, #tpu.memory_space<hbm>>, %arg5: memref<20224x128xf32, #tpu.memory_space<hbm>>, %arg6: memref<128xi32, #tpu.memory_space<vmem>>, %arg7: memref<128xi32, #tpu.memory_space<vmem>>, %arg8: memref<128xi32, #tpu.memory_space<vmem>>, %arg9: memref<128xi32, #tpu.memory_space<vmem>>, %arg10: memref<128xi32, #tpu.memory_space<vmem>>, %arg11: memref<128xi32, #tpu.memory_space<vmem>>, %arg12: memref<16xi32, #tpu.memory_space<vmem>>, %arg13: memref<16xi32, #tpu.memory_space<vmem>>, %arg14: memref<128x128xf32, #tpu.memory_space<vmem>>, %arg15: memref<128x128xf32, #tpu.memory_space<vmem>>, %arg16: memref<128x128xf32, #tpu.memory_space<vmem>>, %arg17: memref<10112x128xf32, #tpu.memory_space<vmem_shared>>, %arg18: memref<!tpu.dma_semaphore, #tpu.memory_space<semaphore_mem>>, %arg19: memref<!tpu.dma_semaphore, #tpu.memory_space<semaphore_mem>>, %arg20: memref<!tpu.dma_semaphore, #tpu.memory_space<semaphore_mem>>, %arg21: memref<!tpu.dma_semaphore, #tpu.memory_space<semaphore_mem>>, %arg22: memref<!tpu.dma_semaphore, #tpu.memory_space<semaphore_mem>>, %arg23: memref<!tpu.dma_semaphore, #tpu.memory_space<semaphore_mem>>, %arg24: memref<!tpu.dma_semaphore, #tpu.memory_space<semaphore_mem>>, %arg25: memref<!tpu.dma_semaphore, #tpu.memory_space<semaphore_mem>>, %arg26: memref<!tpu.dma_semaphore, #tpu.memory_space<semaphore_mem>>, %arg27: memref<!tpu.dma_semaphore, #tpu.memory_space<semaphore_mem>>) attributes {dimension_semantics = [#tpu.dimension_semantics<core_parallel>, #tpu.dimension_semantics<subcore_parallel>], iteration_bounds = array<i64: 2, 16>, scalar_prefetch = 0 : i64, scratch_operands = 22 : i64, tpu.core_type = #tpu.core_type<sc_vector_subcore>, window_params = [{transform_indices = #map}, {transform_indices = #map1}, {transform_indices = #map1}, {transform_indices = #map}]} {
    %mul3A = arith.constant 2 : i32
    %mul3A_0 = arith.muli %arg1, %mul3A : i32
    %add3A = arith.addi %mul3A_0, %arg0 : i32
    %mul3A_1 = arith.constant 10000 : i32
    %mul3A_2 = arith.muli %add3A, %mul3A_1 : i32
    %add3A_3 = arith.constant 0 : i32
    %add3A_4 = arith.addi %mul3A_2, %add3A_3 : i32
    %multiple_of3A = tpu.assume_multiple %add3A_4, 8 : i32
    %dma_start3A = tpu.memref_slice %arg3[%multiple_of3A] : memref<320000xi32, #tpu.memory_space<hbm>> -> memref<128xi32, #tpu.memory_space<hbm>>
    %dma_start3A_5 = tpu.memref_slice %arg3[%multiple_of3A] : memref<320000xi32, #tpu.memory_space<hbm>> -> memref<128xi32, #tpu.memory_space<hbm>>
    tpu.enqueue_dma source(%dma_start3A_5 : memref<128xi32, #tpu.memory_space<hbm>>) target(%arg6 : memref<128xi32, #tpu.memory_space<vmem>>) target_semaphore(%arg21 : memref<!tpu.dma_semaphore, #tpu.memory_space<semaphore_mem>>)
    %add3A_6 = arith.constant 128 : i32
    %add3A_7 = arith.addi %mul3A_2, %add3A_6 : i32
    %multiple_of3A_8 = tpu.assume_multiple %add3A_7, 8 : i32
    %dma_start3A_9 = tpu.memref_slice %arg3[%multiple_of3A_8] : memref<320000xi32, #tpu.memory_space<hbm>> -> memref<128xi32, #tpu.memory_space<hbm>>
    %dma_start3A_10 = tpu.memref_slice %arg3[%multiple_of3A_8] : memref<320000xi32, #tpu.memory_space<hbm>> -> memref<128xi32, #tpu.memory_space<hbm>>
    tpu.enqueue_dma source(%dma_start3A_10 : memref<128xi32, #tpu.memory_space<hbm>>) target(%arg7 : memref<128xi32, #tpu.memory_space<vmem>>) target_semaphore(%arg22 : memref<!tpu.dma_semaphore, #tpu.memory_space<semaphore_mem>>)
    %add3A_11 = arith.constant 256 : i32
    %add3A_12 = arith.addi %mul3A_2, %add3A_11 : i32
    %multiple_of3A_13 = tpu.assume_multiple %add3A_12, 8 : i32
    %dma_start3A_14 = tpu.memref_slice %arg3[%multiple_of3A_13] : memref<320000xi32, #tpu.memory_space<hbm>> -> memref<128xi32, #tpu.memory_space<hbm>>
    %dma_start3A_15 = tpu.memref_slice %arg3[%multiple_of3A_13] : memref<320000xi32, #tpu.memory_space<hbm>> -> memref<128xi32, #tpu.memory_space<hbm>>
    tpu.enqueue_dma source(%dma_start3A_15 : memref<128xi32, #tpu.memory_space<hbm>>) target(%arg8 : memref<128xi32, #tpu.memory_space<vmem>>) target_semaphore(%arg23 : memref<!tpu.dma_semaphore, #tpu.memory_space<semaphore_mem>>)
    %add3A_16 = arith.constant 0 : i32
    %add3A_17 = arith.addi %mul3A_2, %add3A_16 : i32
    %multiple_of3A_18 = tpu.assume_multiple %add3A_17, 8 : i32
    %dma_start3A_19 = tpu.memref_slice %arg4[%multiple_of3A_18] : memref<320000xi32, #tpu.memory_space<hbm>> -> memref<128xi32, #tpu.memory_space<hbm>>
    %dma_start3A_20 = tpu.memref_slice %arg4[%multiple_of3A_18] : memref<320000xi32, #tpu.memory_space<hbm>> -> memref<128xi32, #tpu.memory_space<hbm>>
    tpu.enqueue_dma source(%dma_start3A_20 : memref<128xi32, #tpu.memory_space<hbm>>) target(%arg9 : memref<128xi32, #tpu.memory_space<vmem>>) target_semaphore(%arg24 : memref<!tpu.dma_semaphore, #tpu.memory_space<semaphore_mem>>)
    %add3A_21 = arith.constant 128 : i32
    %add3A_22 = arith.addi %mul3A_2, %add3A_21 : i32
    %multiple_of3A_23 = tpu.assume_multiple %add3A_22, 8 : i32
    %dma_start3A_24 = tpu.memref_slice %arg4[%multiple_of3A_23] : memref<320000xi32, #tpu.memory_space<hbm>> -> memref<128xi32, #tpu.memory_space<hbm>>
    %dma_start3A_25 = tpu.memref_slice %arg4[%multiple_of3A_23] : memref<320000xi32, #tpu.memory_space<hbm>> -> memref<128xi32, #tpu.memory_space<hbm>>
    tpu.enqueue_dma source(%dma_start3A_25 : memref<128xi32, #tpu.memory_space<hbm>>) target(%arg10 : memref<128xi32, #tpu.memory_space<vmem>>) target_semaphore(%arg25 : memref<!tpu.dma_semaphore, #tpu.memory_space<semaphore_mem>>)
    %broadcast_in_dim3A = arith.constant 0.000000e+00 : f32
    %broadcast_in_dim3A_26 = vector.broadcast %broadcast_in_dim3A : f32 to vector<16xf32>
    %scan3A = arith.constant 0 : i32
    %scan3A_27 = arith.constant 0 : i32
    %scan3A_28 = arith.constant 128 : i32
    %scan3A_29 = arith.addi %scan3A_27, %scan3A_28 : i32
    %scan3A_30 = arith.constant 1 : i32
    scf.for %scan3A_307 = %scan3A_27 to %scan3A_29 step %scan3A_30  : i32 {
      %swap3A = arith.index_cast %scan3A_307 : i32 to index
      %swap3A_308 = arith.constant 0 : index
      %swap3A_309 = tpu.vector_load %arg16[%swap3A, %swap3A_308] {strides = array<i32>} : memref<128x128xf32, #tpu.memory_space<vmem>>, vector<1x16xf32>,
      %swap3A_310 = vector.shape_cast %swap3A_309 : vector<1x16xf32> to vector<16xf32>
      %swap3A_311 = vector.shape_cast %broadcast_in_dim3A_26 : vector<16xf32> to vector<1x16xf32>
      tpu.vector_store %arg16[%swap3A, %swap3A_308], %swap3A_311 {strides = array<i32>} : memref<128x128xf32, #tpu.memory_space<vmem>>, vector<1x16xf32>,
      %swap3A_312 = arith.index_cast %scan3A_307 : i32 to index
      %swap3A_313 = arith.constant 16 : index
      %swap3A_314 = tpu.vector_load %arg16[%swap3A_312, %swap3A_313] {strides = array<i32>} : memref<128x128xf32, #tpu.memory_space<vmem>>, vector<1x16xf32>,
      %swap3A_315 = vector.shape_cast %swap3A_314 : vector<1x16xf32> to vector<16xf32>
      %swap3A_316 = vector.shape_cast %broadcast_in_dim3A_26 : vector<16xf32> to vector<1x16xf32>
      tpu.vector_store %arg16[%swap3A_312, %swap3A_313], %swap3A_316 {strides = array<i32>} : memref<128x128xf32, #tpu.memory_space<vmem>>, vector<1x16xf32>,
      %swap3A_317 = arith.index_cast %scan3A_307 : i32 to index
      %swap3A_318 = arith.constant 32 : index
      %swap3A_319 = tpu.vector_load %arg16[%swap3A_317, %swap3A_318] {strides = array<i32>} : memref<128x128xf32, #tpu.memory_space<vmem>>, vector<1x16xf32>,
      %swap3A_320 = vector.shape_cast %swap3A_319 : vector<1x16xf32> to vector<16xf32>
      %swap3A_321 = vector.shape_cast %broadcast_in_dim3A_26 : vector<16xf32> to vector<1x16xf32>
      tpu.vector_store %arg16[%swap3A_317, %swap3A_318], %swap3A_321 {strides = array<i32>} : memref<128x128xf32, #tpu.memory_space<vmem>>, vector<1x16xf32>,
      %swap3A_322 = arith.index_cast %scan3A_307 : i32 to index
      %swap3A_323 = arith.constant 48 : index
      %swap3A_324 = tpu.vector_load %arg16[%swap3A_322, %swap3A_323] {strides = array<i32>} : memref<128x128xf32, #tpu.memory_space<vmem>>, vector<1x16xf32>,
      %swap3A_325 = vector.shape_cast %swap3A_324 : vector<1x16xf32> to vector<16xf32>
      %swap3A_326 = vector.shape_cast %broadcast_in_dim3A_26 : vector<16xf32> to vector<1x16xf32>
      tpu.vector_store %arg16[%swap3A_322, %swap3A_323], %swap3A_326 {strides = array<i32>} : memref<128x128xf32, #tpu.memory_space<vmem>>, vector<1x16xf32>,
      %swap3A_327 = arith.index_cast %scan3A_307 : i32 to index
      %swap3A_328 = arith.constant 64 : index
      %swap3A_329 = tpu.vector_load %arg16[%swap3A_327, %swap3A_328] {strides = array<i32>} : memref<128x128xf32, #tpu.memory_space<vmem>>, vector<1x16xf32>,
      %swap3A_330 = vector.shape_cast %swap3A_329 : vector<1x16xf32> to vector<16xf32>
      %swap3A_331 = vector.shape_cast %broadcast_in_dim3A_26 : vector<16xf32> to vector<1x16xf32>
      tpu.vector_store %arg16[%swap3A_327, %swap3A_328], %swap3A_331 {strides = array<i32>} : memref<128x128xf32, #tpu.memory_space<vmem>>, vector<1x16xf32>,
      %swap3A_332 = arith.index_cast %scan3A_307 : i32 to index
      %swap3A_333 = arith.constant 80 : index
      %swap3A_334 = tpu.vector_load %arg16[%swap3A_332, %swap3A_333] {strides = array<i32>} : memref<128x128xf32, #tpu.memory_space<vmem>>, vector<1x16xf32>,
      %swap3A_335 = vector.shape_cast %swap3A_334 : vector<1x16xf32> to vector<16xf32>
      %swap3A_336 = vector.shape_cast %broadcast_in_dim3A_26 : vector<16xf32> to vector<1x16xf32>
      tpu.vector_store %arg16[%swap3A_332, %swap3A_333], %swap3A_336 {strides = array<i32>} : memref<128x128xf32, #tpu.memory_space<vmem>>, vector<1x16xf32>,
      %swap3A_337 = arith.index_cast %scan3A_307 : i32 to index
      %swap3A_338 = arith.constant 96 : index
      %swap3A_339 = tpu.vector_load %arg16[%swap3A_337, %swap3A_338] {strides = array<i32>} : memref<128x128xf32, #tpu.memory_space<vmem>>, vector<1x16xf32>,
      %swap3A_340 = vector.shape_cast %swap3A_339 : vector<1x16xf32> to vector<16xf32>
      %swap3A_341 = vector.shape_cast %broadcast_in_dim3A_26 : vector<16xf32> to vector<1x16xf32>
      tpu.vector_store %arg16[%swap3A_337, %swap3A_338], %swap3A_341 {strides = array<i32>} : memref<128x128xf32, #tpu.memory_space<vmem>>, vector<1x16xf32>,
      %swap3A_342 = arith.index_cast %scan3A_307 : i32 to index
      %swap3A_343 = arith.constant 112 : index
      %swap3A_344 = tpu.vector_load %arg16[%swap3A_342, %swap3A_343] {strides = array<i32>} : memref<128x128xf32, #tpu.memory_space<vmem>>, vector<1x16xf32>,
      %swap3A_345 = vector.shape_cast %swap3A_344 : vector<1x16xf32> to vector<16xf32>
      %swap3A_346 = vector.shape_cast %broadcast_in_dim3A_26 : vector<16xf32> to vector<1x16xf32>
      tpu.vector_store %arg16[%swap3A_342, %swap3A_343], %swap3A_346 {strides = array<i32>} : memref<128x128xf32, #tpu.memory_space<vmem>>, vector<1x16xf32>,
    }
    %scan3A_31 = arith.constant 128 : i32
    %mul3A_32 = arith.constant 632 : i32
    %mul3A_33 = arith.muli %arg1, %mul3A_32 : i32
    %add3A_34 = arith.constant 0 : i32
    %add3A_35 = arith.addi %mul3A_33, %add3A_34 : i32
    %dma_start3A_36 = arith.constant 0 : i32
    %dma_start3A_37 = tpu.memref_slice %arg17[%add3A_35, %dma_start3A_36] : memref<10112x128xf32, #tpu.memory_space<vmem_shared>> -> memref<128x128xf32, #tpu.memory_space<vmem_shared>>
    %dma_start3A_38 = arith.constant 0 : i32
    %dma_start3A_39 = tpu.memref_slice %arg17[%add3A_35, %dma_start3A_38] : memref<10112x128xf32, #tpu.memory_space<vmem_shared>> -> memref<128x128xf32, #tpu.memory_space<vmem_shared>>
    tpu.enqueue_dma source(%arg16 : memref<128x128xf32, #tpu.memory_space<vmem>>) target(%dma_start3A_39 : memref<128x128xf32, #tpu.memory_space<vmem_shared>>) target_semaphore(%arg27 : memref<!tpu.dma_semaphore, #tpu.memory_space<semaphore_mem>>)
    %mul3A_40 = arith.constant 632 : i32
    %mul3A_41 = arith.muli %arg1, %mul3A_40 : i32
    %add3A_42 = arith.constant 128 : i32
    %add3A_43 = arith.addi %mul3A_41, %add3A_42 : i32
    %dma_start3A_44 = arith.constant 0 : i32
    %dma_start3A_45 = tpu.memref_slice %arg17[%add3A_43, %dma_start3A_44] : memref<10112x128xf32, #tpu.memory_space<vmem_shared>> -> memref<128x128xf32, #tpu.memory_space<vmem_shared>>
    %dma_start3A_46 = arith.constant 0 : i32
    %dma_start3A_47 = tpu.memref_slice %arg17[%add3A_43, %dma_start3A_46] : memref<10112x128xf32, #tpu.memory_space<vmem_shared>> -> memref<128x128xf32, #tpu.memory_space<vmem_shared>>
    tpu.enqueue_dma source(%arg16 : memref<128x128xf32, #tpu.memory_space<vmem>>) target(%dma_start3A_47 : memref<128x128xf32, #tpu.memory_space<vmem_shared>>) target_semaphore(%arg27 : memref<!tpu.dma_semaphore, #tpu.memory_space<semaphore_mem>>)
    %mul3A_48 = arith.constant 632 : i32
    %mul3A_49 = arith.muli %arg1, %mul3A_48 : i32
    %add3A_50 = arith.constant 256 : i32
    %add3A_51 = arith.addi %mul3A_49, %add3A_50 : i32
    %dma_start3A_52 = arith.constant 0 : i32
    %dma_start3A_53 = tpu.memref_slice %arg17[%add3A_51, %dma_start3A_52] : memref<10112x128xf32, #tpu.memory_space<vmem_shared>> -> memref<128x128xf32, #tpu.memory_space<vmem_shared>>
    %dma_start3A_54 = arith.constant 0 : i32
    %dma_start3A_55 = tpu.memref_slice %arg17[%add3A_51, %dma_start3A_54] : memref<10112x128xf32, #tpu.memory_space<vmem_shared>> -> memref<128x128xf32, #tpu.memory_space<vmem_shared>>
    tpu.enqueue_dma source(%arg16 : memref<128x128xf32, #tpu.memory_space<vmem>>) target(%dma_start3A_55 : memref<128x128xf32, #tpu.memory_space<vmem_shared>>) target_semaphore(%arg27 : memref<!tpu.dma_semaphore, #tpu.memory_space<semaphore_mem>>)
    %mul3A_56 = arith.constant 632 : i32
    %mul3A_57 = arith.muli %arg1, %mul3A_56 : i32
    %add3A_58 = arith.constant 384 : i32
    %add3A_59 = arith.addi %mul3A_57, %add3A_58 : i32
    %dma_start3A_60 = arith.constant 0 : i32
    %dma_start3A_61 = tpu.memref_slice %arg17[%add3A_59, %dma_start3A_60] : memref<10112x128xf32, #tpu.memory_space<vmem_shared>> -> memref<128x128xf32, #tpu.memory_space<vmem_shared>>
    %dma_start3A_62 = arith.constant 0 : i32
    %dma_start3A_63 = tpu.memref_slice %arg17[%add3A_59, %dma_start3A_62] : memref<10112x128xf32, #tpu.memory_space<vmem_shared>> -> memref<128x128xf32, #tpu.memory_space<vmem_shared>>
    tpu.enqueue_dma source(%arg16 : memref<128x128xf32, #tpu.memory_space<vmem>>) target(%dma_start3A_63 : memref<128x128xf32, #tpu.memory_space<vmem_shared>>) target_semaphore(%arg27 : memref<!tpu.dma_semaphore, #tpu.memory_space<semaphore_mem>>)
    %mul3A_64 = arith.constant 632 : i32
    %mul3A_65 = arith.muli %arg1, %mul3A_64 : i32
    %add3A_66 = arith.constant 512 : i32
    %add3A_67 = arith.addi %mul3A_65, %add3A_66 : i32
    %dma_start3A_68 = arith.constant 0 : i32
    %dma_start3A_69 = arith.constant 0 : i32
    %dma_start3A_70 = tpu.memref_slice %arg16[%dma_start3A_68, %dma_start3A_69] : memref<128x128xf32, #tpu.memory_space<vmem>> -> memref<120x128xf32, #tpu.memory_space<vmem>>
    %dma_start3A_71 = arith.constant 0 : i32
    %dma_start3A_72 = tpu.memref_slice %arg17[%add3A_67, %dma_start3A_71] : memref<10112x128xf32, #tpu.memory_space<vmem_shared>> -> memref<120x128xf32, #tpu.memory_space<vmem_shared>>
    %dma_start3A_73 = arith.constant 0 : i32
    %dma_start3A_74 = tpu.memref_slice %arg17[%add3A_67, %dma_start3A_73] : memref<10112x128xf32, #tpu.memory_space<vmem_shared>> -> memref<120x128xf32, #tpu.memory_space<vmem_shared>>
    %dma_start3A_75 = arith.constant 0 : i32
    %dma_start3A_76 = arith.constant 0 : i32
    %dma_start3A_77 = tpu.memref_slice %arg16[%dma_start3A_75, %dma_start3A_76] : memref<128x128xf32, #tpu.memory_space<vmem>> -> memref<120x128xf32, #tpu.memory_space<vmem>>
    tpu.enqueue_dma source(%dma_start3A_77 : memref<120x128xf32, #tpu.memory_space<vmem>>) target(%dma_start3A_74 : memref<120x128xf32, #tpu.memory_space<vmem_shared>>) target_semaphore(%arg27 : memref<!tpu.dma_semaphore, #tpu.memory_space<semaphore_mem>>)
    %add3A_78 = arith.constant 0 : i32
    %add3A_79 = arith.addi %mul3A_2, %add3A_78 : i32
    %multiple_of3A_80 = tpu.assume_multiple %add3A_79, 8 : i32
    %dma_wait3A = tpu.memref_slice %arg3[%multiple_of3A_80] : memref<320000xi32, #tpu.memory_space<hbm>> -> memref<128xi32, #tpu.memory_space<hbm>>
    %dma_wait3A_81 = tpu.memref_slice %arg3[%multiple_of3A_80] : memref<320000xi32, #tpu.memory_space<hbm>> -> memref<128xi32, #tpu.memory_space<hbm>>
    tpu.wait_dma2 semaphore(%arg21 : memref<!tpu.dma_semaphore, #tpu.memory_space<semaphore_mem>>) src(%dma_wait3A_81 : memref<128xi32, #tpu.memory_space<hbm>>) dst(%arg6 : memref<128xi32, #tpu.memory_space<vmem>>)
    %dma_start3A_82 = arith.constant 0 : i32
    %dma_start3A_83 = arith.constant 0 : i32
    %dma_start3A_84 = tpu.memref_slice %arg2[%dma_start3A_82, %dma_start3A_83] : memref<10000x128xf32, #tpu.memory_space<hbm>> -> memref<10000x128xf32, #tpu.memory_space<hbm>>
    tpu.enqueue_indirect_dma source(%dma_start3A_84 : memref<10000x128xf32, #tpu.memory_space<hbm>>) target(%arg14 : memref<128x128xf32, #tpu.memory_space<vmem>>) offsets(%arg6 : memref<128xi32, #tpu.memory_space<vmem>>) semaphore(%arg18 : memref<!tpu.dma_semaphore, #tpu.memory_space<semaphore_mem>>)
    %add3A_85 = arith.constant 128 : i32
    %add3A_86 = arith.addi %mul3A_2, %add3A_85 : i32
    %multiple_of3A_87 = tpu.assume_multiple %add3A_86, 8 : i32
    %dma_wait3A_88 = tpu.memref_slice %arg3[%multiple_of3A_87] : memref<320000xi32, #tpu.memory_space<hbm>> -> memref<128xi32, #tpu.memory_space<hbm>>
    %dma_wait3A_89 = tpu.memref_slice %arg3[%multiple_of3A_87] : memref<320000xi32, #tpu.memory_space<hbm>> -> memref<128xi32, #tpu.memory_space<hbm>>
    tpu.wait_dma2 semaphore(%arg22 : memref<!tpu.dma_semaphore, #tpu.memory_space<semaphore_mem>>) src(%dma_wait3A_89 : memref<128xi32, #tpu.memory_space<hbm>>) dst(%arg7 : memref<128xi32, #tpu.memory_space<vmem>>)
    %dma_start3A_90 = arith.constant 0 : i32
    %dma_start3A_91 = arith.constant 0 : i32
    %dma_start3A_92 = tpu.memref_slice %arg2[%dma_start3A_90, %dma_start3A_91] : memref<10000x128xf32, #tpu.memory_space<hbm>> -> memref<10000x128xf32, #tpu.memory_space<hbm>>
    tpu.enqueue_indirect_dma source(%dma_start3A_92 : memref<10000x128xf32, #tpu.memory_space<hbm>>) target(%arg15 : memref<128x128xf32, #tpu.memory_space<vmem>>) offsets(%arg7 : memref<128xi32, #tpu.memory_space<vmem>>) semaphore(%arg19 : memref<!tpu.dma_semaphore, #tpu.memory_space<semaphore_mem>>)
    %dma_wait3A_93 = arith.constant 0 : i32
    %dma_wait3A_94 = tpu.memref_slice %arg17[%add3A_35, %dma_wait3A_93] : memref<10112x128xf32, #tpu.memory_space<vmem_shared>> -> memref<128x128xf32, #tpu.memory_space<vmem_shared>>
    %dma_wait3A_95 = arith.constant 0 : i32
    %dma_wait3A_96 = tpu.memref_slice %arg17[%add3A_35, %dma_wait3A_95] : memref<10112x128xf32, #tpu.memory_space<vmem_shared>> -> memref<128x128xf32, #tpu.memory_space<vmem_shared>>
    tpu.wait_dma2 semaphore(%arg27 : memref<!tpu.dma_semaphore, #tpu.memory_space<semaphore_mem>>) src(%arg16 : memref<128x128xf32, #tpu.memory_space<vmem>>) dst(%dma_wait3A_96 : memref<128x128xf32, #tpu.memory_space<vmem_shared>>)
    %dma_wait3A_97 = arith.constant 0 : i32
    %dma_wait3A_98 = tpu.memref_slice %arg17[%add3A_43, %dma_wait3A_97] : memref<10112x128xf32, #tpu.memory_space<vmem_shared>> -> memref<128x128xf32, #tpu.memory_space<vmem_shared>>
    %dma_wait3A_99 = arith.constant 0 : i32
    %dma_wait3A_100 = tpu.memref_slice %arg17[%add3A_43, %dma_wait3A_99] : memref<10112x128xf32, #tpu.memory_space<vmem_shared>> -> memref<128x128xf32, #tpu.memory_space<vmem_shared>>
    tpu.wait_dma2 semaphore(%arg27 : memref<!tpu.dma_semaphore, #tpu.memory_space<semaphore_mem>>) src(%arg16 : memref<128x128xf32, #tpu.memory_space<vmem>>) dst(%dma_wait3A_100 : memref<128x128xf32, #tpu.memory_space<vmem_shared>>)
    %dma_wait3A_101 = arith.constant 0 : i32
    %dma_wait3A_102 = tpu.memref_slice %arg17[%add3A_51, %dma_wait3A_101] : memref<10112x128xf32, #tpu.memory_space<vmem_shared>> -> memref<128x128xf32, #tpu.memory_space<vmem_shared>>
    %dma_wait3A_103 = arith.constant 0 : i32
    %dma_wait3A_104 = tpu.memref_slice %arg17[%add3A_51, %dma_wait3A_103] : memref<10112x128xf32, #tpu.memory_space<vmem_shared>> -> memref<128x128xf32, #tpu.memory_space<vmem_shared>>
    tpu.wait_dma2 semaphore(%arg27 : memref<!tpu.dma_semaphore, #tpu.memory_space<semaphore_mem>>) src(%arg16 : memref<128x128xf32, #tpu.memory_space<vmem>>) dst(%dma_wait3A_104 : memref<128x128xf32, #tpu.memory_space<vmem_shared>>)
    %dma_wait3A_105 = arith.constant 0 : i32
    %dma_wait3A_106 = tpu.memref_slice %arg17[%add3A_59, %dma_wait3A_105] : memref<10112x128xf32, #tpu.memory_space<vmem_shared>> -> memref<128x128xf32, #tpu.memory_space<vmem_shared>>
    %dma_wait3A_107 = arith.constant 0 : i32
    %dma_wait3A_108 = tpu.memref_slice %arg17[%add3A_59, %dma_wait3A_107] : memref<10112x128xf32, #tpu.memory_space<vmem_shared>> -> memref<128x128xf32, #tpu.memory_space<vmem_shared>>
    tpu.wait_dma2 semaphore(%arg27 : memref<!tpu.dma_semaphore, #tpu.memory_space<semaphore_mem>>) src(%arg16 : memref<128x128xf32, #tpu.memory_space<vmem>>) dst(%dma_wait3A_108 : memref<128x128xf32, #tpu.memory_space<vmem_shared>>)
    %dma_wait3A_109 = arith.constant 0 : i32
    %dma_wait3A_110 = arith.constant 0 : i32
    %dma_wait3A_111 = tpu.memref_slice %arg16[%dma_wait3A_109, %dma_wait3A_110] : memref<128x128xf32, #tpu.memory_space<vmem>> -> memref<120x128xf32, #tpu.memory_space<vmem>>
    %dma_wait3A_112 = arith.constant 0 : i32
    %dma_wait3A_113 = tpu.memref_slice %arg17[%add3A_67, %dma_wait3A_112] : memref<10112x128xf32, #tpu.memory_space<vmem_shared>> -> memref<120x128xf32, #tpu.memory_space<vmem_shared>>
    %dma_wait3A_114 = arith.constant 0 : i32
    %dma_wait3A_115 = tpu.memref_slice %arg17[%add3A_67, %dma_wait3A_114] : memref<10112x128xf32, #tpu.memory_space<vmem_shared>> -> memref<120x128xf32, #tpu.memory_space<vmem_shared>>
    %dma_wait3A_116 = arith.constant 0 : i32
    %dma_wait3A_117 = arith.constant 0 : i32
    %dma_wait3A_118 = tpu.memref_slice %arg16[%dma_wait3A_116, %dma_wait3A_117] : memref<128x128xf32, #tpu.memory_space<vmem>> -> memref<120x128xf32, #tpu.memory_space<vmem>>
    tpu.wait_dma2 semaphore(%arg27 : memref<!tpu.dma_semaphore, #tpu.memory_space<semaphore_mem>>) src(%dma_wait3A_118 : memref<120x128xf32, #tpu.memory_space<vmem>>) dst(%dma_wait3A_115 : memref<120x128xf32, #tpu.memory_space<vmem_shared>>)
    %barrier3A = arith.constant 0 : index
    tpu.barrier barrier_id(%barrier3A)
    %dma_wait3A_119 = arith.constant 0 : i32
    %dma_wait3A_120 = arith.constant 0 : i32
    %dma_wait3A_121 = tpu.memref_slice %arg2[%dma_wait3A_119, %dma_wait3A_120] : memref<10000x128xf32, #tpu.memory_space<hbm>> -> memref<10000x128xf32, #tpu.memory_space<hbm>>
    tpu.wait_indirect_dma semaphore(%arg18 : memref<!tpu.dma_semaphore, #tpu.memory_space<semaphore_mem>>) src(%dma_wait3A_121 : memref<10000x128xf32, #tpu.memory_space<hbm>>) dst(%arg14 : memref<128x128xf32, #tpu.memory_space<vmem>>)
    %add3A_122 = arith.constant 384 : i32
    %add3A_123 = arith.addi %mul3A_2, %add3A_122 : i32
    %multiple_of3A_124 = tpu.assume_multiple %add3A_123, 8 : i32
    %dma_start3A_125 = tpu.memref_slice %arg3[%multiple_of3A_124] : memref<320000xi32, #tpu.memory_space<hbm>> -> memref<128xi32, #tpu.memory_space<hbm>>
    %dma_start3A_126 = tpu.memref_slice %arg3[%multiple_of3A_124] : memref<320000xi32, #tpu.memory_space<hbm>> -> memref<128xi32, #tpu.memory_space<hbm>>
    tpu.enqueue_dma source(%dma_start3A_126 : memref<128xi32, #tpu.memory_space<hbm>>) target(%arg6 : memref<128xi32, #tpu.memory_space<vmem>>) target_semaphore(%arg21 : memref<!tpu.dma_semaphore, #tpu.memory_space<semaphore_mem>>)
    %add3A_127 = arith.constant 256 : i32
    %add3A_128 = arith.addi %mul3A_2, %add3A_127 : i32
    %multiple_of3A_129 = tpu.assume_multiple %add3A_128, 8 : i32
    %dma_wait3A_130 = tpu.memref_slice %arg3[%multiple_of3A_129] : memref<320000xi32, #tpu.memory_space<hbm>> -> memref<128xi32, #tpu.memory_space<hbm>>
    %dma_wait3A_131 = tpu.memref_slice %arg3[%multiple_of3A_129] : memref<320000xi32, #tpu.memory_space<hbm>> -> memref<128xi32, #tpu.memory_space<hbm>>
    tpu.wait_dma2 semaphore(%arg23 : memref<!tpu.dma_semaphore, #tpu.memory_space<semaphore_mem>>) src(%dma_wait3A_131 : memref<128xi32, #tpu.memory_space<hbm>>) dst(%arg8 : memref<128xi32, #tpu.memory_space<vmem>>)
    %dma_start3A_132 = arith.constant 0 : i32
    %dma_start3A_133 = arith.constant 0 : i32
    %dma_start3A_134 = tpu.memref_slice %arg2[%dma_start3A_132, %dma_start3A_133] : memref<10000x128xf32, #tpu.memory_space<hbm>> -> memref<10000x128xf32, #tpu.memory_space<hbm>>
    tpu.enqueue_indirect_dma source(%dma_start3A_134 : memref<10000x128xf32, #tpu.memory_space<hbm>>) target(%arg16 : memref<128x128xf32, #tpu.memory_space<vmem>>) offsets(%arg8 : memref<128xi32, #tpu.memory_space<vmem>>) semaphore(%arg20 : memref<!tpu.dma_semaphore, #tpu.memory_space<semaphore_mem>>)
    %add3A_135 = arith.constant 0 : i32
    %add3A_136 = arith.addi %mul3A_2, %add3A_135 : i32
    %multiple_of3A_137 = tpu.assume_multiple %add3A_136, 8 : i32
    %dma_wait3A_138 = tpu.memref_slice %arg4[%multiple_of3A_137] : memref<320000xi32, #tpu.memory_space<hbm>> -> memref<128xi32, #tpu.memory_space<hbm>>
    %dma_wait3A_139 = tpu.memref_slice %arg4[%multiple_of3A_137] : memref<320000xi32, #tpu.memory_space<hbm>> -> memref<128xi32, #tpu.memory_space<hbm>>
    tpu.wait_dma2 semaphore(%arg24 : memref<!tpu.dma_semaphore, #tpu.memory_space<semaphore_mem>>) src(%dma_wait3A_139 : memref<128xi32, #tpu.memory_space<hbm>>) dst(%arg9 : memref<128xi32, #tpu.memory_space<vmem>>)
    %dma_start3A_140 = arith.constant 0 : i32
    %dma_start3A_141 = arith.constant 0 : i32
    %dma_start3A_142 = tpu.memref_slice %arg17[%dma_start3A_140, %dma_start3A_141] : memref<10112x128xf32, #tpu.memory_space<vmem_shared>> -> memref<10112x128xf32, #tpu.memory_space<vmem_shared>>
    tpu.enqueue_indirect_dma source(%arg14 : memref<128x128xf32, #tpu.memory_space<vmem>>) target(%dma_start3A_142 : memref<10112x128xf32, #tpu.memory_space<vmem_shared>>) offsets(%arg9 : memref<128xi32, #tpu.memory_space<vmem>>) semaphore(%arg27 : memref<!tpu.dma_semaphore, #tpu.memory_space<semaphore_mem>>) {add = true}
    %add3A_143 = arith.constant 256 : i32
    %add3A_144 = arith.addi %mul3A_2, %add3A_143 : i32
    %multiple_of3A_145 = tpu.assume_multiple %add3A_144, 8 : i32
    %dma_start3A_146 = tpu.memref_slice %arg4[%multiple_of3A_145] : memref<320000xi32, #tpu.memory_space<hbm>> -> memref<128xi32, #tpu.memory_space<hbm>>
    %dma_start3A_147 = tpu.memref_slice %arg4[%multiple_of3A_145] : memref<320000xi32, #tpu.memory_space<hbm>> -> memref<128xi32, #tpu.memory_space<hbm>>
    tpu.enqueue_dma source(%dma_start3A_147 : memref<128xi32, #tpu.memory_space<hbm>>) target(%arg11 : memref<128xi32, #tpu.memory_space<vmem>>) target_semaphore(%arg26 : memref<!tpu.dma_semaphore, #tpu.memory_space<semaphore_mem>>)
    %dma_wait3A_148 = arith.constant 0 : i32
    %dma_wait3A_149 = arith.constant 0 : i32
    %dma_wait3A_150 = tpu.memref_slice %arg2[%dma_wait3A_148, %dma_wait3A_149] : memref<10000x128xf32, #tpu.memory_space<hbm>> -> memref<10000x128xf32, #tpu.memory_space<hbm>>
    tpu.wait_indirect_dma semaphore(%arg19 : memref<!tpu.dma_semaphore, #tpu.memory_space<semaphore_mem>>) src(%dma_wait3A_150 : memref<10000x128xf32, #tpu.memory_space<hbm>>) dst(%arg15 : memref<128x128xf32, #tpu.memory_space<vmem>>)
    %add3A_151 = arith.constant 512 : i32
    %add3A_152 = arith.addi %mul3A_2, %add3A_151 : i32
    %multiple_of3A_153 = tpu.assume_multiple %add3A_152, 8 : i32
    %dma_start3A_154 = tpu.memref_slice %arg3[%multiple_of3A_153] : memref<320000xi32, #tpu.memory_space<hbm>> -> memref<128xi32, #tpu.memory_space<hbm>>
    %dma_start3A_155 = tpu.memref_slice %arg3[%multiple_of3A_153] : memref<320000xi32, #tpu.memory_space<hbm>> -> memref<128xi32, #tpu.memory_space<hbm>>
    tpu.enqueue_dma source(%dma_start3A_155 : memref<128xi32, #tpu.memory_space<hbm>>) target(%arg7 : memref<128xi32, #tpu.memory_space<vmem>>) target_semaphore(%arg22 : memref<!tpu.dma_semaphore, #tpu.memory_space<semaphore_mem>>)
    %scan3A_156 = arith.constant 0 : i32
    %scan3A_157 = arith.constant 0 : i32
    %scan3A_158 = arith.constant 24 : i32
    %scan3A_159 = arith.addi %scan3A_157, %scan3A_158 : i32
    %scan3A_160 = arith.constant 1 : i32
    scf.for %scan3A_307 = %scan3A_157 to %scan3A_159 step %scan3A_160  : i32 {
      %mul3A_308 = arith.constant 3 : i32
      %mul3A_309 = arith.muli %scan3A_307, %mul3A_308 : i32
      %add3A_310 = arith.constant 1 : i32
      %add3A_311 = arith.addi %add3A_310, %mul3A_309 : i32
      %add3A_312 = arith.constant 0 : i32
      %add3A_313 = arith.addi %add3A_311, %add3A_312 : i32
      %add3A_314 = arith.constant 2 : i32
      %add3A_315 = arith.addi %add3A_313, %add3A_314 : i32
      %mul3A_316 = arith.constant 128 : i32
      %mul3A_317 = arith.muli %add3A_315, %mul3A_316 : i32
      %add3A_318 = arith.addi %mul3A_2, %mul3A_317 : i32
      %multiple_of3A_319 = tpu.assume_multiple %add3A_318, 8 : i32
      %dma_wait3A_320 = tpu.memref_slice %arg3[%multiple_of3A_319] : memref<320000xi32, #tpu.memory_space<hbm>> -> memref<128xi32, #tpu.memory_space<hbm>>
      %dma_wait3A_321 = tpu.memref_slice %arg3[%multiple_of3A_319] : memref<320000xi32, #tpu.memory_space<hbm>> -> memref<128xi32, #tpu.memory_space<hbm>>
      tpu.wait_dma2 semaphore(%arg21 : memref<!tpu.dma_semaphore, #tpu.memory_space<semaphore_mem>>) src(%dma_wait3A_321 : memref<128xi32, #tpu.memory_space<hbm>>) dst(%arg6 : memref<128xi32, #tpu.memory_space<vmem>>)
      %dma_wait3A_322 = arith.constant 0 : i32
      %dma_wait3A_323 = arith.constant 0 : i32
      %dma_wait3A_324 = tpu.memref_slice %arg17[%dma_wait3A_322, %dma_wait3A_323] : memref<10112x128xf32, #tpu.memory_space<vmem_shared>> -> memref<10112x128xf32, #tpu.memory_space<vmem_shared>>
      tpu.wait_indirect_dma semaphore(%arg27 : memref<!tpu.dma_semaphore, #tpu.memory_space<semaphore_mem>>) src(%arg14 : memref<128x128xf32, #tpu.memory_space<vmem>>) dst(%dma_wait3A_324 : memref<10112x128xf32, #tpu.memory_space<vmem_shared>>)
      %dma_start3A_325 = arith.constant 0 : i32
      %dma_start3A_326 = arith.constant 0 : i32
      %dma_start3A_327 = tpu.memref_slice %arg2[%dma_start3A_325, %dma_start3A_326] : memref<10000x128xf32, #tpu.memory_space<hbm>> -> memref<10000x128xf32, #tpu.memory_space<hbm>>
      tpu.enqueue_indirect_dma source(%dma_start3A_327 : memref<10000x128xf32, #tpu.memory_space<hbm>>) target(%arg14 : memref<128x128xf32, #tpu.memory_space<vmem>>) offsets(%arg6 : memref<128xi32, #tpu.memory_space<vmem>>) semaphore(%arg18 : memref<!tpu.dma_semaphore, #tpu.memory_space<semaphore_mem>>)
      %mul3A_328 = arith.constant 128 : i32
      %mul3A_329 = arith.muli %add3A_313, %mul3A_328 : i32
      %add3A_330 = arith.addi %mul3A_2, %mul3A_329 : i32
      %multiple_of3A_331 = tpu.assume_multiple %add3A_330, 8 : i32
      %dma_wait3A_332 = tpu.memref_slice %arg4[%multiple_of3A_331] : memref<320000xi32, #tpu.memory_space<hbm>> -> memref<128xi32, #tpu.memory_space<hbm>>
      %dma_wait3A_333 = tpu.memref_slice %arg4[%multiple_of3A_331] : memref<320000xi32, #tpu.memory_space<hbm>> -> memref<128xi32, #tpu.memory_space<hbm>>
      tpu.wait_dma2 semaphore(%arg25 : memref<!tpu.dma_semaphore, #tpu.memory_space<semaphore_mem>>) src(%dma_wait3A_333 : memref<128xi32, #tpu.memory_space<hbm>>) dst(%arg10 : memref<128xi32, #tpu.memory_space<vmem>>)
      %dma_start3A_334 = arith.constant 0 : i32
      %dma_start3A_335 = arith.constant 0 : i32
      %dma_start3A_336 = tpu.memref_slice %arg17[%dma_start3A_334, %dma_start3A_335] : memref<10112x128xf32, #tpu.memory_space<vmem_shared>> -> memref<10112x128xf32, #tpu.memory_space<vmem_shared>>
      tpu.enqueue_indirect_dma source(%arg15 : memref<128x128xf32, #tpu.memory_space<vmem>>) target(%dma_start3A_336 : memref<10112x128xf32, #tpu.memory_space<vmem_shared>>) offsets(%arg10 : memref<128xi32, #tpu.memory_space<vmem>>) semaphore(%arg27 : memref<!tpu.dma_semaphore, #tpu.memory_space<semaphore_mem>>) {add = true}
      %add3A_337 = arith.constant 2 : i32
      %add3A_338 = arith.addi %add3A_313, %add3A_337 : i32
      %mul3A_339 = arith.constant 128 : i32
      %mul3A_340 = arith.muli %add3A_338, %mul3A_339 : i32
      %add3A_341 = arith.addi %mul3A_2, %mul3A_340 : i32
      %multiple_of3A_342 = tpu.assume_multiple %add3A_341, 8 : i32
      %dma_start3A_343 = tpu.memref_slice %arg4[%multiple_of3A_342] : memref<320000xi32, #tpu.memory_space<hbm>> -> memref<128xi32, #tpu.memory_space<hbm>>
      %dma_start3A_344 = tpu.memref_slice %arg4[%multiple_of3A_342] : memref<320000xi32, #tpu.memory_space<hbm>> -> memref<128xi32, #tpu.memory_space<hbm>>
      tpu.enqueue_dma source(%dma_start3A_344 : memref<128xi32, #tpu.memory_space<hbm>>) target(%arg9 : memref<128xi32, #tpu.memory_space<vmem>>) target_semaphore(%arg24 : memref<!tpu.dma_semaphore, #tpu.memory_space<semaphore_mem>>)
      %dma_wait3A_345 = arith.constant 0 : i32
      %dma_wait3A_346 = arith.constant 0 : i32
      %dma_wait3A_347 = tpu.memref_slice %arg2[%dma_wait3A_345, %dma_wait3A_346] : memref<10000x128xf32, #tpu.memory_space<hbm>> -> memref<10000x128xf32, #tpu.memory_space<hbm>>
      tpu.wait_indirect_dma semaphore(%arg20 : memref<!tpu.dma_semaphore, #tpu.memory_space<semaphore_mem>>) src(%dma_wait3A_347 : memref<10000x128xf32, #tpu.memory_space<hbm>>) dst(%arg16 : memref<128x128xf32, #tpu.memory_space<vmem>>)
      %add3A_348 = arith.constant 4 : i32
      %add3A_349 = arith.addi %add3A_313, %add3A_348 : i32
      %mul3A_350 = arith.constant 128 : i32
      %mul3A_351 = arith.muli %add3A_349, %mul3A_350 : i32
      %add3A_352 = arith.addi %mul3A_2, %mul3A_351 : i32
      %multiple_of3A_353 = tpu.assume_multiple %add3A_352, 8 : i32
      %dma_start3A_354 = tpu.memref_slice %arg3[%multiple_of3A_353] : memref<320000xi32, #tpu.memory_space<hbm>> -> memref<128xi32, #tpu.memory_space<hbm>>
      %dma_start3A_355 = tpu.memref_slice %arg3[%multiple_of3A_353] : memref<320000xi32, #tpu.memory_space<hbm>> -> memref<128xi32, #tpu.memory_space<hbm>>
      tpu.enqueue_dma source(%dma_start3A_355 : memref<128xi32, #tpu.memory_space<hbm>>) target(%arg8 : memref<128xi32, #tpu.memory_space<vmem>>) target_semaphore(%arg23 : memref<!tpu.dma_semaphore, #tpu.memory_space<semaphore_mem>>)
      %mul3A_356 = arith.constant 3 : i32
      %mul3A_357 = arith.muli %scan3A_307, %mul3A_356 : i32
      %add3A_358 = arith.constant 1 : i32
      %add3A_359 = arith.addi %add3A_358, %mul3A_357 : i32
      %add3A_360 = arith.constant 1 : i32
      %add3A_361 = arith.addi %add3A_359, %add3A_360 : i32
      %add3A_362 = arith.constant 2 : i32
      %add3A_363 = arith.addi %add3A_361, %add3A_362 : i32
      %mul3A_364 = arith.constant 128 : i32
      %mul3A_365 = arith.muli %add3A_363, %mul3A_364 : i32
      %add3A_366 = arith.addi %mul3A_2, %mul3A_365 : i32
      %multiple_of3A_367 = tpu.assume_multiple %add3A_366, 8 : i32
      %dma_wait3A_368 = tpu.memref_slice %arg3[%multiple_of3A_367] : memref<320000xi32, #tpu.memory_space<hbm>> -> memref<128xi32, #tpu.memory_space<hbm>>
      %dma_wait3A_369 = tpu.memref_slice %arg3[%multiple_of3A_367] : memref<320000xi32, #tpu.memory_space<hbm>> -> memref<128xi32, #tpu.memory_space<hbm>>
      tpu.wait_dma2 semaphore(%arg22 : memref<!tpu.dma_semaphore, #tpu.memory_space<semaphore_mem>>) src(%dma_wait3A_369 : memref<128xi32, #tpu.memory_space<hbm>>) dst(%arg7 : memref<128xi32, #tpu.memory_space<vmem>>)
      %dma_wait3A_370 = arith.constant 0 : i32
      %dma_wait3A_371 = arith.constant 0 : i32
      %dma_wait3A_372 = tpu.memref_slice %arg17[%dma_wait3A_370, %dma_wait3A_371] : memref<10112x128xf32, #tpu.memory_space<vmem_shared>> -> memref<10112x128xf32, #tpu.memory_space<vmem_shared>>
      tpu.wait_indirect_dma semaphore(%arg27 : memref<!tpu.dma_semaphore, #tpu.memory_space<semaphore_mem>>) src(%arg15 : memref<128x128xf32, #tpu.memory_space<vmem>>) dst(%dma_wait3A_372 : memref<10112x128xf32, #tpu.memory_space<vmem_shared>>)
      %dma_start3A_373 = arith.constant 0 : i32
      %dma_start3A_374 = arith.constant 0 : i32
      %dma_start3A_375 = tpu.memref_slice %arg2[%dma_start3A_373, %dma_start3A_374] : memref<10000x128xf32, #tpu.memory_space<hbm>> -> memref<10000x128xf32, #tpu.memory_space<hbm>>
      tpu.enqueue_indirect_dma source(%dma_start3A_375 : memref<10000x128xf32, #tpu.memory_space<hbm>>) target(%arg15 : memref<128x128xf32, #tpu.memory_space<vmem>>) offsets(%arg7 : memref<128xi32, #tpu.memory_space<vmem>>) semaphore(%arg19 : memref<!tpu.dma_semaphore, #tpu.memory_space<semaphore_mem>>)
      %mul3A_376 = arith.constant 128 : i32
      %mul3A_377 = arith.muli %add3A_361, %mul3A_376 : i32
      %add3A_378 = arith.addi %mul3A_2, %mul3A_377 : i32
      %multiple_of3A_379 = tpu.assume_multiple %add3A_378, 8 : i32
      %dma_wait3A_380 = tpu.memref_slice %arg4[%multiple_of3A_379] : memref<320000xi32, #tpu.memory_space<hbm>> -> memref<128xi32, #tpu.memory_space<hbm>>
      %dma_wait3A_381 = tpu.memref_slice %arg4[%multiple_of3A_379] : memref<320000xi32, #tpu.memory_space<hbm>> -> memref<128xi32, #tpu.memory_space<hbm>>
      tpu.wait_dma2 semaphore(%arg26 : memref<!tpu.dma_semaphore, #tpu.memory_space<semaphore_mem>>) src(%dma_wait3A_381 : memref<128xi32, #tpu.memory_space<hbm>>) dst(%arg11 : memref<128xi32, #tpu.memory_space<vmem>>)
      %dma_start3A_382 = arith.constant 0 : i32
      %dma_start3A_383 = arith.constant 0 : i32
      %dma_start3A_384 = tpu.memref_slice %arg17[%dma_start3A_382, %dma_start3A_383] : memref<10112x128xf32, #tpu.memory_space<vmem_shared>> -> memref<10112x128xf32, #tpu.memory_space<vmem_shared>>
      tpu.enqueue_indirect_dma source(%arg16 : memref<128x128xf32, #tpu.memory_space<vmem>>) target(%dma_start3A_384 : memref<10112x128xf32, #tpu.memory_space<vmem_shared>>) offsets(%arg11 : memref<128xi32, #tpu.memory_space<vmem>>) semaphore(%arg27 : memref<!tpu.dma_semaphore, #tpu.memory_space<semaphore_mem>>) {add = true}
      %add3A_385 = arith.constant 2 : i32
      %add3A_386 = arith.addi %add3A_361, %add3A_385 : i32
      %mul3A_387 = arith.constant 128 : i32
      %mul3A_388 = arith.muli %add3A_386, %mul3A_387 : i32
      %add3A_389 = arith.addi %mul3A_2, %mul3A_388 : i32
      %multiple_of3A_390 = tpu.assume_multiple %add3A_389, 8 : i32
      %dma_start3A_391 = tpu.memref_slice %arg4[%multiple_of3A_390] : memref<320000xi32, #tpu.memory_space<hbm>> -> memref<128xi32, #tpu.memory_space<hbm>>
      %dma_start3A_392 = tpu.memref_slice %arg4[%multiple_of3A_390] : memref<320000xi32, #tpu.memory_space<hbm>> -> memref<128xi32, #tpu.memory_space<hbm>>
      tpu.enqueue_dma source(%dma_start3A_392 : memref<128xi32, #tpu.memory_space<hbm>>) target(%arg10 : memref<128xi32, #tpu.memory_space<vmem>>) target_semaphore(%arg25 : memref<!tpu.dma_semaphore, #tpu.memory_space<semaphore_mem>>)
      %dma_wait3A_393 = arith.constant 0 : i32
      %dma_wait3A_394 = arith.constant 0 : i32
      %dma_wait3A_395 = tpu.memref_slice %arg2[%dma_wait3A_393, %dma_wait3A_394] : memref<10000x128xf32, #tpu.memory_space<hbm>> -> memref<10000x128xf32, #tpu.memory_space<hbm>>
      tpu.wait_indirect_dma semaphore(%arg18 : memref<!tpu.dma_semaphore, #tpu.memory_space<semaphore_mem>>) src(%dma_wait3A_395 : memref<10000x128xf32, #tpu.memory_space<hbm>>) dst(%arg14 : memref<128x128xf32, #tpu.memory_space<vmem>>)
      %add3A_396 = arith.constant 4 : i32
      %add3A_397 = arith.addi %add3A_361, %add3A_396 : i32
      %mul3A_398 = arith.constant 128 : i32
      %mul3A_399 = arith.muli %add3A_397, %mul3A_398 : i32
      %add3A_400 = arith.addi %mul3A_2, %mul3A_399 : i32
      %multiple_of3A_401 = tpu.assume_multiple %add3A_400, 8 : i32
      %dma_start3A_402 = tpu.memref_slice %arg3[%multiple_of3A_401] : memref<320000xi32, #tpu.memory_space<hbm>> -> memref<128xi32, #tpu.memory_space<hbm>>
      %dma_start3A_403 = tpu.memref_slice %arg3[%multiple_of3A_401] : memref<320000xi32, #tpu.memory_space<hbm>> -> memref<128xi32, #tpu.memory_space<hbm>>
      tpu.enqueue_dma source(%dma_start3A_403 : memref<128xi32, #tpu.memory_space<hbm>>) target(%arg6 : memref<128xi32, #tpu.memory_space<vmem>>) target_semaphore(%arg21 : memref<!tpu.dma_semaphore, #tpu.memory_space<semaphore_mem>>)
      %mul3A_404 = arith.constant 3 : i32
      %mul3A_405 = arith.muli %scan3A_307, %mul3A_404 : i32
      %add3A_406 = arith.constant 1 : i32
      %add3A_407 = arith.addi %add3A_406, %mul3A_405 : i32
      %add3A_408 = arith.constant 2 : i32
      %add3A_409 = arith.addi %add3A_407, %add3A_408 : i32
      %add3A_410 = arith.constant 2 : i32
      %add3A_411 = arith.addi %add3A_409, %add3A_410 : i32
      %mul3A_412 = arith.constant 128 : i32
      %mul3A_413 = arith.muli %add3A_411, %mul3A_412 : i32
      %add3A_414 = arith.addi %mul3A_2, %mul3A_413 : i32
      %multiple_of3A_415 = tpu.assume_multiple %add3A_414, 8 : i32
      %dma_wait3A_416 = tpu.memref_slice %arg3[%multiple_of3A_415] : memref<320000xi32, #tpu.memory_space<hbm>> -> memref<128xi32, #tpu.memory_space<hbm>>
      %dma_wait3A_417 = tpu.memref_slice %arg3[%multiple_of3A_415] : memref<320000xi32, #tpu.memory_space<hbm>> -> memref<128xi32, #tpu.memory_space<hbm>>
      tpu.wait_dma2 semaphore(%arg23 : memref<!tpu.dma_semaphore, #tpu.memory_space<semaphore_mem>>) src(%dma_wait3A_417 : memref<128xi32, #tpu.memory_space<hbm>>) dst(%arg8 : memref<128xi32, #tpu.memory_space<vmem>>)
      %dma_wait3A_418 = arith.constant 0 : i32
      %dma_wait3A_419 = arith.constant 0 : i32
      %dma_wait3A_420 = tpu.memref_slice %arg17[%dma_wait3A_418, %dma_wait3A_419] : memref<10112x128xf32, #tpu.memory_space<vmem_shared>> -> memref<10112x128xf32, #tpu.memory_space<vmem_shared>>
      tpu.wait_indirect_dma semaphore(%arg27 : memref<!tpu.dma_semaphore, #tpu.memory_space<semaphore_mem>>) src(%arg16 : memref<128x128xf32, #tpu.memory_space<vmem>>) dst(%dma_wait3A_420 : memref<10112x128xf32, #tpu.memory_space<vmem_shared>>)
      %dma_start3A_421 = arith.constant 0 : i32
      %dma_start3A_422 = arith.constant 0 : i32
      %dma_start3A_423 = tpu.memref_slice %arg2[%dma_start3A_421, %dma_start3A_422] : memref<10000x128xf32, #tpu.memory_space<hbm>> -> memref<10000x128xf32, #tpu.memory_space<hbm>>
      tpu.enqueue_indirect_dma source(%dma_start3A_423 : memref<10000x128xf32, #tpu.memory_space<hbm>>) target(%arg16 : memref<128x128xf32, #tpu.memory_space<vmem>>) offsets(%arg8 : memref<128xi32, #tpu.memory_space<vmem>>) semaphore(%arg20 : memref<!tpu.dma_semaphore, #tpu.memory_space<semaphore_mem>>)
      %mul3A_424 = arith.constant 128 : i32
      %mul3A_425 = arith.muli %add3A_409, %mul3A_424 : i32
      %add3A_426 = arith.addi %mul3A_2, %mul3A_425 : i32
      %multiple_of3A_427 = tpu.assume_multiple %add3A_426, 8 : i32
      %dma_wait3A_428 = tpu.memref_slice %arg4[%multiple_of3A_427] : memref<320000xi32, #tpu.memory_space<hbm>> -> memref<128xi32, #tpu.memory_space<hbm>>
      %dma_wait3A_429 = tpu.memref_slice %arg4[%multiple_of3A_427] : memref<320000xi32, #tpu.memory_space<hbm>> -> memref<128xi32, #tpu.memory_space<hbm>>
      tpu.wait_dma2 semaphore(%arg24 : memref<!tpu.dma_semaphore, #tpu.memory_space<semaphore_mem>>) src(%dma_wait3A_429 : memref<128xi32, #tpu.memory_space<hbm>>) dst(%arg9 : memref<128xi32, #tpu.memory_space<vmem>>)
      %dma_start3A_430 = arith.constant 0 : i32
      %dma_start3A_431 = arith.constant 0 : i32
      %dma_start3A_432 = tpu.memref_slice %arg17[%dma_start3A_430, %dma_start3A_431] : memref<10112x128xf32, #tpu.memory_space<vmem_shared>> -> memref<10112x128xf32, #tpu.memory_space<vmem_shared>>
      tpu.enqueue_indirect_dma source(%arg14 : memref<128x128xf32, #tpu.memory_space<vmem>>) target(%dma_start3A_432 : memref<10112x128xf32, #tpu.memory_space<vmem_shared>>) offsets(%arg9 : memref<128xi32, #tpu.memory_space<vmem>>) semaphore(%arg27 : memref<!tpu.dma_semaphore, #tpu.memory_space<semaphore_mem>>) {add = true}
      %add3A_433 = arith.constant 2 : i32
      %add3A_434 = arith.addi %add3A_409, %add3A_433 : i32
      %mul3A_435 = arith.constant 128 : i32
      %mul3A_436 = arith.muli %add3A_434, %mul3A_435 : i32
      %add3A_437 = arith.addi %mul3A_2, %mul3A_436 : i32
      %multiple_of3A_438 = tpu.assume_multiple %add3A_437, 8 : i32
      %dma_start3A_439 = tpu.memref_slice %arg4[%multiple_of3A_438] : memref<320000xi32, #tpu.memory_space<hbm>> -> memref<128xi32, #tpu.memory_space<hbm>>
      %dma_start3A_440 = tpu.memref_slice %arg4[%multiple_of3A_438] : memref<320000xi32, #tpu.memory_space<hbm>> -> memref<128xi32, #tpu.memory_space<hbm>>
      tpu.enqueue_dma source(%dma_start3A_440 : memref<128xi32, #tpu.memory_space<hbm>>) target(%arg11 : memref<128xi32, #tpu.memory_space<vmem>>) target_semaphore(%arg26 : memref<!tpu.dma_semaphore, #tpu.memory_space<semaphore_mem>>)
      %dma_wait3A_441 = arith.constant 0 : i32
      %dma_wait3A_442 = arith.constant 0 : i32
      %dma_wait3A_443 = tpu.memref_slice %arg2[%dma_wait3A_441, %dma_wait3A_442] : memref<10000x128xf32, #tpu.memory_space<hbm>> -> memref<10000x128xf32, #tpu.memory_space<hbm>>
      tpu.wait_indirect_dma semaphore(%arg19 : memref<!tpu.dma_semaphore, #tpu.memory_space<semaphore_mem>>) src(%dma_wait3A_443 : memref<10000x128xf32, #tpu.memory_space<hbm>>) dst(%arg15 : memref<128x128xf32, #tpu.memory_space<vmem>>)
      %add3A_444 = arith.constant 4 : i32
      %add3A_445 = arith.addi %add3A_409, %add3A_444 : i32
      %mul3A_446 = arith.constant 128 : i32
      %mul3A_447 = arith.muli %add3A_445, %mul3A_446 : i32
      %add3A_448 = arith.addi %mul3A_2, %mul3A_447 : i32
      %multiple_of3A_449 = tpu.assume_multiple %add3A_448, 8 : i32
      %dma_start3A_450 = tpu.memref_slice %arg3[%multiple_of3A_449] : memref<320000xi32, #tpu.memory_space<hbm>> -> memref<128xi32, #tpu.memory_space<hbm>>
      %dma_start3A_451 = tpu.memref_slice %arg3[%multiple_of3A_449] : memref<320000xi32, #tpu.memory_space<hbm>> -> memref<128xi32, #tpu.memory_space<hbm>>
      tpu.enqueue_dma source(%dma_start3A_451 : memref<128xi32, #tpu.memory_space<hbm>>) target(%arg7 : memref<128xi32, #tpu.memory_space<vmem>>) target_semaphore(%arg22 : memref<!tpu.dma_semaphore, #tpu.memory_space<semaphore_mem>>)
    }
    %scan3A_161 = arith.constant 24 : i32
    %add3A_162 = arith.constant 9600 : i32
    %add3A_163 = arith.addi %mul3A_2, %add3A_162 : i32
    %multiple_of3A_164 = tpu.assume_multiple %add3A_163, 8 : i32
    %dma_wait3A_165 = tpu.memref_slice %arg3[%multiple_of3A_164] : memref<320000xi32, #tpu.memory_space<hbm>> -> memref<128xi32, #tpu.memory_space<hbm>>
    %dma_wait3A_166 = tpu.memref_slice %arg3[%multiple_of3A_164] : memref<320000xi32, #tpu.memory_space<hbm>> -> memref<128xi32, #tpu.memory_space<hbm>>
    tpu.wait_dma2 semaphore(%arg21 : memref<!tpu.dma_semaphore, #tpu.memory_space<semaphore_mem>>) src(%dma_wait3A_166 : memref<128xi32, #tpu.memory_space<hbm>>) dst(%arg6 : memref<128xi32, #tpu.memory_space<vmem>>)
    %dma_wait3A_167 = arith.constant 0 : i32
    %dma_wait3A_168 = arith.constant 0 : i32
    %dma_wait3A_169 = tpu.memref_slice %arg17[%dma_wait3A_167, %dma_wait3A_168] : memref<10112x128xf32, #tpu.memory_space<vmem_shared>> -> memref<10112x128xf32, #tpu.memory_space<vmem_shared>>
    tpu.wait_indirect_dma semaphore(%arg27 : memref<!tpu.dma_semaphore, #tpu.memory_space<semaphore_mem>>) src(%arg14 : memref<128x128xf32, #tpu.memory_space<vmem>>) dst(%dma_wait3A_169 : memref<10112x128xf32, #tpu.memory_space<vmem_shared>>)
    %dma_start3A_170 = arith.constant 0 : i32
    %dma_start3A_171 = arith.constant 0 : i32
    %dma_start3A_172 = tpu.memref_slice %arg2[%dma_start3A_170, %dma_start3A_171] : memref<10000x128xf32, #tpu.memory_space<hbm>> -> memref<10000x128xf32, #tpu.memory_space<hbm>>
    tpu.enqueue_indirect_dma source(%dma_start3A_172 : memref<10000x128xf32, #tpu.memory_space<hbm>>) target(%arg14 : memref<128x128xf32, #tpu.memory_space<vmem>>) offsets(%arg6 : memref<128xi32, #tpu.memory_space<vmem>>) semaphore(%arg18 : memref<!tpu.dma_semaphore, #tpu.memory_space<semaphore_mem>>)
    %add3A_173 = arith.constant 9344 : i32
    %add3A_174 = arith.addi %mul3A_2, %add3A_173 : i32
    %multiple_of3A_175 = tpu.assume_multiple %add3A_174, 8 : i32
    %dma_wait3A_176 = tpu.memref_slice %arg4[%multiple_of3A_175] : memref<320000xi32, #tpu.memory_space<hbm>> -> memref<128xi32, #tpu.memory_space<hbm>>
    %dma_wait3A_177 = tpu.memref_slice %arg4[%multiple_of3A_175] : memref<320000xi32, #tpu.memory_space<hbm>> -> memref<128xi32, #tpu.memory_space<hbm>>
    tpu.wait_dma2 semaphore(%arg25 : memref<!tpu.dma_semaphore, #tpu.memory_space<semaphore_mem>>) src(%dma_wait3A_177 : memref<128xi32, #tpu.memory_space<hbm>>) dst(%arg10 : memref<128xi32, #tpu.memory_space<vmem>>)
    %dma_start3A_178 = arith.constant 0 : i32
    %dma_start3A_179 = arith.constant 0 : i32
    %dma_start3A_180 = tpu.memref_slice %arg17[%dma_start3A_178, %dma_start3A_179] : memref<10112x128xf32, #tpu.memory_space<vmem_shared>> -> memref<10112x128xf32, #tpu.memory_space<vmem_shared>>
    tpu.enqueue_indirect_dma source(%arg15 : memref<128x128xf32, #tpu.memory_space<vmem>>) target(%dma_start3A_180 : memref<10112x128xf32, #tpu.memory_space<vmem_shared>>) offsets(%arg10 : memref<128xi32, #tpu.memory_space<vmem>>) semaphore(%arg27 : memref<!tpu.dma_semaphore, #tpu.memory_space<semaphore_mem>>) {add = true}
    %add3A_181 = arith.constant 9600 : i32
    %add3A_182 = arith.addi %mul3A_2, %add3A_181 : i32
    %multiple_of3A_183 = tpu.assume_multiple %add3A_182, 8 : i32
    %dma_start3A_184 = tpu.memref_slice %arg4[%multiple_of3A_183] : memref<320000xi32, #tpu.memory_space<hbm>> -> memref<128xi32, #tpu.memory_space<hbm>>
    %dma_start3A_185 = tpu.memref_slice %arg4[%multiple_of3A_183] : memref<320000xi32, #tpu.memory_space<hbm>> -> memref<128xi32, #tpu.memory_space<hbm>>
    tpu.enqueue_dma source(%dma_start3A_185 : memref<128xi32, #tpu.memory_space<hbm>>) target(%arg9 : memref<128xi32, #tpu.memory_space<vmem>>) target_semaphore(%arg24 : memref<!tpu.dma_semaphore, #tpu.memory_space<semaphore_mem>>)
    %dma_wait3A_186 = arith.constant 0 : i32
    %dma_wait3A_187 = arith.constant 0 : i32
    %dma_wait3A_188 = tpu.memref_slice %arg2[%dma_wait3A_186, %dma_wait3A_187] : memref<10000x128xf32, #tpu.memory_space<hbm>> -> memref<10000x128xf32, #tpu.memory_space<hbm>>
    tpu.wait_indirect_dma semaphore(%arg20 : memref<!tpu.dma_semaphore, #tpu.memory_space<semaphore_mem>>) src(%dma_wait3A_188 : memref<10000x128xf32, #tpu.memory_space<hbm>>) dst(%arg16 : memref<128x128xf32, #tpu.memory_space<vmem>>)
    %add3A_189 = arith.constant 9856 : i32
    %add3A_190 = arith.addi %mul3A_2, %add3A_189 : i32
    %multiple_of3A_191 = tpu.assume_multiple %add3A_190, 8 : i32
    %dma_start3A_192 = tpu.memref_slice %arg3[%multiple_of3A_191] : memref<320000xi32, #tpu.memory_space<hbm>> -> memref<128xi32, #tpu.memory_space<hbm>>
    %dma_start3A_193 = tpu.memref_slice %arg3[%multiple_of3A_191] : memref<320000xi32, #tpu.memory_space<hbm>> -> memref<128xi32, #tpu.memory_space<hbm>>
    tpu.enqueue_dma source(%dma_start3A_193 : memref<128xi32, #tpu.memory_space<hbm>>) target(%arg8 : memref<128xi32, #tpu.memory_space<vmem>>) target_semaphore(%arg23 : memref<!tpu.dma_semaphore, #tpu.memory_space<semaphore_mem>>)
    %add3A_194 = arith.constant 9984 : i32
    %add3A_195 = arith.addi %mul3A_2, %add3A_194 : i32
    %multiple_of3A_196 = tpu.assume_multiple %add3A_195, 8 : i32
    %dma_start3A_197 = tpu.memref_slice %arg3[%multiple_of3A_196] : memref<320000xi32, #tpu.memory_space<hbm>> -> memref<16xi32, #tpu.memory_space<hbm>>
    %dma_start3A_198 = tpu.memref_slice %arg3[%multiple_of3A_196] : memref<320000xi32, #tpu.memory_space<hbm>> -> memref<16xi32, #tpu.memory_space<hbm>>
    tpu.enqueue_dma source(%dma_start3A_198 : memref<16xi32, #tpu.memory_space<hbm>>) target(%arg12 : memref<16xi32, #tpu.memory_space<vmem>>) target_semaphore(%arg21 : memref<!tpu.dma_semaphore, #tpu.memory_space<semaphore_mem>>)
    %dma_start3A_199 = tpu.memref_slice %arg4[%multiple_of3A_196] : memref<320000xi32, #tpu.memory_space<hbm>> -> memref<16xi32, #tpu.memory_space<hbm>>
    %dma_start3A_200 = tpu.memref_slice %arg4[%multiple_of3A_196] : memref<320000xi32, #tpu.memory_space<hbm>> -> memref<16xi32, #tpu.memory_space<hbm>>
    tpu.enqueue_dma source(%dma_start3A_200 : memref<16xi32, #tpu.memory_space<hbm>>) target(%arg13 : memref<16xi32, #tpu.memory_space<vmem>>) target_semaphore(%arg24 : memref<!tpu.dma_semaphore, #tpu.memory_space<semaphore_mem>>)
    %add3A_201 = arith.constant 9728 : i32
    %add3A_202 = arith.addi %mul3A_2, %add3A_201 : i32
    %multiple_of3A_203 = tpu.assume_multiple %add3A_202, 8 : i32
    %dma_wait3A_204 = tpu.memref_slice %arg3[%multiple_of3A_203] : memref<320000xi32, #tpu.memory_space<hbm>> -> memref<128xi32, #tpu.memory_space<hbm>>
    %dma_wait3A_205 = tpu.memref_slice %arg3[%multiple_of3A_203] : memref<320000xi32, #tpu.memory_space<hbm>> -> memref<128xi32, #tpu.memory_space<hbm>>
    tpu.wait_dma2 semaphore(%arg22 : memref<!tpu.dma_semaphore, #tpu.memory_space<semaphore_mem>>) src(%dma_wait3A_205 : memref<128xi32, #tpu.memory_space<hbm>>) dst(%arg7 : memref<128xi32, #tpu.memory_space<vmem>>)
    %dma_wait3A_206 = arith.constant 0 : i32
    %dma_wait3A_207 = arith.constant 0 : i32
    %dma_wait3A_208 = tpu.memref_slice %arg17[%dma_wait3A_206, %dma_wait3A_207] : memref<10112x128xf32, #tpu.memory_space<vmem_shared>> -> memref<10112x128xf32, #tpu.memory_space<vmem_shared>>
    tpu.wait_indirect_dma semaphore(%arg27 : memref<!tpu.dma_semaphore, #tpu.memory_space<semaphore_mem>>) src(%arg15 : memref<128x128xf32, #tpu.memory_space<vmem>>) dst(%dma_wait3A_208 : memref<10112x128xf32, #tpu.memory_space<vmem_shared>>)
    %dma_start3A_209 = arith.constant 0 : i32
    %dma_start3A_210 = arith.constant 0 : i32
    %dma_start3A_211 = tpu.memref_slice %arg2[%dma_start3A_209, %dma_start3A_210] : memref<10000x128xf32, #tpu.memory_space<hbm>> -> memref<10000x128xf32, #tpu.memory_space<hbm>>
    tpu.enqueue_indirect_dma source(%dma_start3A_211 : memref<10000x128xf32, #tpu.memory_space<hbm>>) target(%arg15 : memref<128x128xf32, #tpu.memory_space<vmem>>) offsets(%arg7 : memref<128xi32, #tpu.memory_space<vmem>>) semaphore(%arg19 : memref<!tpu.dma_semaphore, #tpu.memory_space<semaphore_mem>>)
    %add3A_212 = arith.constant 9472 : i32
    %add3A_213 = arith.addi %mul3A_2, %add3A_212 : i32
    %multiple_of3A_214 = tpu.assume_multiple %add3A_213, 8 : i32
    %dma_wait3A_215 = tpu.memref_slice %arg4[%multiple_of3A_214] : memref<320000xi32, #tpu.memory_space<hbm>> -> memref<128xi32, #tpu.memory_space<hbm>>
    %dma_wait3A_216 = tpu.memref_slice %arg4[%multiple_of3A_214] : memref<320000xi32, #tpu.memory_space<hbm>> -> memref<128xi32, #tpu.memory_space<hbm>>
    tpu.wait_dma2 semaphore(%arg26 : memref<!tpu.dma_semaphore, #tpu.memory_space<semaphore_mem>>) src(%dma_wait3A_216 : memref<128xi32, #tpu.memory_space<hbm>>) dst(%arg11 : memref<128xi32, #tpu.memory_space<vmem>>)
    %dma_start3A_217 = arith.constant 0 : i32
    %dma_start3A_218 = arith.constant 0 : i32
    %dma_start3A_219 = tpu.memref_slice %arg17[%dma_start3A_217, %dma_start3A_218] : memref<10112x128xf32, #tpu.memory_space<vmem_shared>> -> memref<10112x128xf32, #tpu.memory_space<vmem_shared>>
    tpu.enqueue_indirect_dma source(%arg16 : memref<128x128xf32, #tpu.memory_space<vmem>>) target(%dma_start3A_219 : memref<10112x128xf32, #tpu.memory_space<vmem_shared>>) offsets(%arg11 : memref<128xi32, #tpu.memory_space<vmem>>) semaphore(%arg27 : memref<!tpu.dma_semaphore, #tpu.memory_space<semaphore_mem>>) {add = true}
    %add3A_220 = arith.constant 9728 : i32
    %add3A_221 = arith.addi %mul3A_2, %add3A_220 : i32
    %multiple_of3A_222 = tpu.assume_multiple %add3A_221, 8 : i32
    %dma_start3A_223 = tpu.memref_slice %arg4[%multiple_of3A_222] : memref<320000xi32, #tpu.memory_space<hbm>> -> memref<128xi32, #tpu.memory_space<hbm>>
    %dma_start3A_224 = tpu.memref_slice %arg4[%multiple_of3A_222] : memref<320000xi32, #tpu.memory_space<hbm>> -> memref<128xi32, #tpu.memory_space<hbm>>
    tpu.enqueue_dma source(%dma_start3A_224 : memref<128xi32, #tpu.memory_space<hbm>>) target(%arg10 : memref<128xi32, #tpu.memory_space<vmem>>) target_semaphore(%arg25 : memref<!tpu.dma_semaphore, #tpu.memory_space<semaphore_mem>>)
    %dma_wait3A_225 = arith.constant 0 : i32
    %dma_wait3A_226 = arith.constant 0 : i32
    %dma_wait3A_227 = tpu.memref_slice %arg2[%dma_wait3A_225, %dma_wait3A_226] : memref<10000x128xf32, #tpu.memory_space<hbm>> -> memref<10000x128xf32, #tpu.memory_space<hbm>>
    tpu.wait_indirect_dma semaphore(%arg18 : memref<!tpu.dma_semaphore, #tpu.memory_space<semaphore_mem>>) src(%dma_wait3A_227 : memref<10000x128xf32, #tpu.memory_space<hbm>>) dst(%arg14 : memref<128x128xf32, #tpu.memory_space<vmem>>)
    %add3A_228 = arith.constant 9856 : i32
    %add3A_229 = arith.addi %mul3A_2, %add3A_228 : i32
    %multiple_of3A_230 = tpu.assume_multiple %add3A_229, 8 : i32
    %dma_wait3A_231 = tpu.memref_slice %arg3[%multiple_of3A_230] : memref<320000xi32, #tpu.memory_space<hbm>> -> memref<128xi32, #tpu.memory_space<hbm>>
    %dma_wait3A_232 = tpu.memref_slice %arg3[%multiple_of3A_230] : memref<320000xi32, #tpu.memory_space<hbm>> -> memref<128xi32, #tpu.memory_space<hbm>>
    tpu.wait_dma2 semaphore(%arg23 : memref<!tpu.dma_semaphore, #tpu.memory_space<semaphore_mem>>) src(%dma_wait3A_232 : memref<128xi32, #tpu.memory_space<hbm>>) dst(%arg8 : memref<128xi32, #tpu.memory_space<vmem>>)
    %dma_wait3A_233 = arith.constant 0 : i32
    %dma_wait3A_234 = arith.constant 0 : i32
    %dma_wait3A_235 = tpu.memref_slice %arg17[%dma_wait3A_233, %dma_wait3A_234] : memref<10112x128xf32, #tpu.memory_space<vmem_shared>> -> memref<10112x128xf32, #tpu.memory_space<vmem_shared>>
    tpu.wait_indirect_dma semaphore(%arg27 : memref<!tpu.dma_semaphore, #tpu.memory_space<semaphore_mem>>) src(%arg16 : memref<128x128xf32, #tpu.memory_space<vmem>>) dst(%dma_wait3A_235 : memref<10112x128xf32, #tpu.memory_space<vmem_shared>>)
    %dma_start3A_236 = arith.constant 0 : i32
    %dma_start3A_237 = arith.constant 0 : i32
    %dma_start3A_238 = tpu.memref_slice %arg2[%dma_start3A_236, %dma_start3A_237] : memref<10000x128xf32, #tpu.memory_space<hbm>> -> memref<10000x128xf32, #tpu.memory_space<hbm>>
    tpu.enqueue_indirect_dma source(%dma_start3A_238 : memref<10000x128xf32, #tpu.memory_space<hbm>>) target(%arg16 : memref<128x128xf32, #tpu.memory_space<vmem>>) offsets(%arg8 : memref<128xi32, #tpu.memory_space<vmem>>) semaphore(%arg20 : memref<!tpu.dma_semaphore, #tpu.memory_space<semaphore_mem>>)
    %add3A_239 = arith.constant 9600 : i32
    %add3A_240 = arith.addi %mul3A_2, %add3A_239 : i32
    %multiple_of3A_241 = tpu.assume_multiple %add3A_240, 8 : i32
    %dma_wait3A_242 = tpu.memref_slice %arg4[%multiple_of3A_241] : memref<320000xi32, #tpu.memory_space<hbm>> -> memref<128xi32, #tpu.memory_space<hbm>>
    %dma_wait3A_243 = tpu.memref_slice %arg4[%multiple_of3A_241] : memref<320000xi32, #tpu.memory_space<hbm>> -> memref<128xi32, #tpu.memory_space<hbm>>
    tpu.wait_dma2 semaphore(%arg24 : memref<!tpu.dma_semaphore, #tpu.memory_space<semaphore_mem>>) src(%dma_wait3A_243 : memref<128xi32, #tpu.memory_space<hbm>>) dst(%arg9 : memref<128xi32, #tpu.memory_space<vmem>>)
    %dma_start3A_244 = arith.constant 0 : i32
    %dma_start3A_245 = arith.constant 0 : i32
    %dma_start3A_246 = tpu.memref_slice %arg17[%dma_start3A_244, %dma_start3A_245] : memref<10112x128xf32, #tpu.memory_space<vmem_shared>> -> memref<10112x128xf32, #tpu.memory_space<vmem_shared>>
    tpu.enqueue_indirect_dma source(%arg14 : memref<128x128xf32, #tpu.memory_space<vmem>>) target(%dma_start3A_246 : memref<10112x128xf32, #tpu.memory_space<vmem_shared>>) offsets(%arg9 : memref<128xi32, #tpu.memory_space<vmem>>) semaphore(%arg27 : memref<!tpu.dma_semaphore, #tpu.memory_space<semaphore_mem>>) {add = true}
    %add3A_247 = arith.constant 9856 : i32
    %add3A_248 = arith.addi %mul3A_2, %add3A_247 : i32
    %multiple_of3A_249 = tpu.assume_multiple %add3A_248, 8 : i32
    %dma_start3A_250 = tpu.memref_slice %arg4[%multiple_of3A_249] : memref<320000xi32, #tpu.memory_space<hbm>> -> memref<128xi32, #tpu.memory_space<hbm>>
    %dma_start3A_251 = tpu.memref_slice %arg4[%multiple_of3A_249] : memref<320000xi32, #tpu.memory_space<hbm>> -> memref<128xi32, #tpu.memory_space<hbm>>
    tpu.enqueue_dma source(%dma_start3A_251 : memref<128xi32, #tpu.memory_space<hbm>>) target(%arg11 : memref<128xi32, #tpu.memory_space<vmem>>) target_semaphore(%arg26 : memref<!tpu.dma_semaphore, #tpu.memory_space<semaphore_mem>>)
    %dma_wait3A_252 = arith.constant 0 : i32
    %dma_wait3A_253 = arith.constant 0 : i32
    %dma_wait3A_254 = tpu.memref_slice %arg2[%dma_wait3A_252, %dma_wait3A_253] : memref<10000x128xf32, #tpu.memory_space<hbm>> -> memref<10000x128xf32, #tpu.memory_space<hbm>>
    tpu.wait_indirect_dma semaphore(%arg19 : memref<!tpu.dma_semaphore, #tpu.memory_space<semaphore_mem>>) src(%dma_wait3A_254 : memref<10000x128xf32, #tpu.memory_space<hbm>>) dst(%arg15 : memref<128x128xf32, #tpu.memory_space<vmem>>)
    %dma_wait3A_255 = arith.constant 0 : i32
    %dma_wait3A_256 = arith.constant 0 : i32
    %dma_wait3A_257 = tpu.memref_slice %arg17[%dma_wait3A_255, %dma_wait3A_256] : memref<10112x128xf32, #tpu.memory_space<vmem_shared>> -> memref<10112x128xf32, #tpu.memory_space<vmem_shared>>
    tpu.wait_indirect_dma semaphore(%arg27 : memref<!tpu.dma_semaphore, #tpu.memory_space<semaphore_mem>>) src(%arg14 : memref<128x128xf32, #tpu.memory_space<vmem>>) dst(%dma_wait3A_257 : memref<10112x128xf32, #tpu.memory_space<vmem_shared>>)
    %add3A_258 = arith.constant 9728 : i32
    %add3A_259 = arith.addi %mul3A_2, %add3A_258 : i32
    %multiple_of3A_260 = tpu.assume_multiple %add3A_259, 8 : i32
    %dma_wait3A_261 = tpu.memref_slice %arg4[%multiple_of3A_260] : memref<320000xi32, #tpu.memory_space<hbm>> -> memref<128xi32, #tpu.memory_space<hbm>>
    %dma_wait3A_262 = tpu.memref_slice %arg4[%multiple_of3A_260] : memref<320000xi32, #tpu.memory_space<hbm>> -> memref<128xi32, #tpu.memory_space<hbm>>
    tpu.wait_dma2 semaphore(%arg25 : memref<!tpu.dma_semaphore, #tpu.memory_space<semaphore_mem>>) src(%dma_wait3A_262 : memref<128xi32, #tpu.memory_space<hbm>>) dst(%arg10 : memref<128xi32, #tpu.memory_space<vmem>>)
    %dma_start3A_263 = arith.constant 0 : i32
    %dma_start3A_264 = arith.constant 0 : i32
    %dma_start3A_265 = tpu.memref_slice %arg17[%dma_start3A_263, %dma_start3A_264] : memref<10112x128xf32, #tpu.memory_space<vmem_shared>> -> memref<10112x128xf32, #tpu.memory_space<vmem_shared>>
    tpu.enqueue_indirect_dma source(%arg15 : memref<128x128xf32, #tpu.memory_space<vmem>>) target(%dma_start3A_265 : memref<10112x128xf32, #tpu.memory_space<vmem_shared>>) offsets(%arg10 : memref<128xi32, #tpu.memory_space<vmem>>) semaphore(%arg27 : memref<!tpu.dma_semaphore, #tpu.memory_space<semaphore_mem>>) {add = true}
    %dma_wait3A_266 = arith.constant 0 : i32
    %dma_wait3A_267 = arith.constant 0 : i32
    %dma_wait3A_268 = tpu.memref_slice %arg2[%dma_wait3A_266, %dma_wait3A_267] : memref<10000x128xf32, #tpu.memory_space<hbm>> -> memref<10000x128xf32, #tpu.memory_space<hbm>>
    tpu.wait_indirect_dma semaphore(%arg20 : memref<!tpu.dma_semaphore, #tpu.memory_space<semaphore_mem>>) src(%dma_wait3A_268 : memref<10000x128xf32, #tpu.memory_space<hbm>>) dst(%arg16 : memref<128x128xf32, #tpu.memory_space<vmem>>)
    %dma_wait3A_269 = arith.constant 0 : i32
    %dma_wait3A_270 = arith.constant 0 : i32
    %dma_wait3A_271 = tpu.memref_slice %arg17[%dma_wait3A_269, %dma_wait3A_270] : memref<10112x128xf32, #tpu.memory_space<vmem_shared>> -> memref<10112x128xf32, #tpu.memory_space<vmem_shared>>
    tpu.wait_indirect_dma semaphore(%arg27 : memref<!tpu.dma_semaphore, #tpu.memory_space<semaphore_mem>>) src(%arg15 : memref<128x128xf32, #tpu.memory_space<vmem>>) dst(%dma_wait3A_271 : memref<10112x128xf32, #tpu.memory_space<vmem_shared>>)
    %add3A_272 = arith.constant 9856 : i32
    %add3A_273 = arith.addi %mul3A_2, %add3A_272 : i32
    %multiple_of3A_274 = tpu.assume_multiple %add3A_273, 8 : i32
    %dma_wait3A_275 = tpu.memref_slice %arg4[%multiple_of3A_274] : memref<320000xi32, #tpu.memory_space<hbm>> -> memref<128xi32, #tpu.memory_space<hbm>>
    %dma_wait3A_276 = tpu.memref_slice %arg4[%multiple_of3A_274] : memref<320000xi32, #tpu.memory_space<hbm>> -> memref<128xi32, #tpu.memory_space<hbm>>
    tpu.wait_dma2 semaphore(%arg26 : memref<!tpu.dma_semaphore, #tpu.memory_space<semaphore_mem>>) src(%dma_wait3A_276 : memref<128xi32, #tpu.memory_space<hbm>>) dst(%arg11 : memref<128xi32, #tpu.memory_space<vmem>>)
    %dma_start3A_277 = arith.constant 0 : i32
    %dma_start3A_278 = arith.constant 0 : i32
    %dma_start3A_279 = tpu.memref_slice %arg17[%dma_start3A_277, %dma_start3A_278] : memref<10112x128xf32, #tpu.memory_space<vmem_shared>> -> memref<10112x128xf32, #tpu.memory_space<vmem_shared>>
    tpu.enqueue_indirect_dma source(%arg16 : memref<128x128xf32, #tpu.memory_space<vmem>>) target(%dma_start3A_279 : memref<10112x128xf32, #tpu.memory_space<vmem_shared>>) offsets(%arg11 : memref<128xi32, #tpu.memory_space<vmem>>) semaphore(%arg27 : memref<!tpu.dma_semaphore, #tpu.memory_space<semaphore_mem>>) {add = true}
    %dma_wait3A_280 = tpu.memref_slice %arg3[%multiple_of3A_196] : memref<320000xi32, #tpu.memory_space<hbm>> -> memref<16xi32, #tpu.memory_space<hbm>>
    %dma_wait3A_281 = tpu.memref_slice %arg3[%multiple_of3A_196] : memref<320000xi32, #tpu.memory_space<hbm>> -> memref<16xi32, #tpu.memory_space<hbm>>
    tpu.wait_dma2 semaphore(%arg21 : memref<!tpu.dma_semaphore, #tpu.memory_space<semaphore_mem>>) src(%dma_wait3A_281 : memref<16xi32, #tpu.memory_space<hbm>>) dst(%arg12 : memref<16xi32, #tpu.memory_space<vmem>>)
    %dma_start3A_282 = arith.constant 0 : i32
    %dma_start3A_283 = arith.constant 0 : i32
    %dma_start3A_284 = tpu.memref_slice %arg14[%dma_start3A_282, %dma_start3A_283] : memref<128x128xf32, #tpu.memory_space<vmem>> -> memref<16x128xf32, #tpu.memory_space<vmem>>
    %dma_start3A_285 = arith.constant 0 : i32
    %dma_start3A_286 = arith.constant 0 : i32
    %dma_start3A_287 = tpu.memref_slice %arg2[%dma_start3A_285, %dma_start3A_286] : memref<10000x128xf32, #tpu.memory_space<hbm>> -> memref<10000x128xf32, #tpu.memory_space<hbm>>
    tpu.enqueue_indirect_dma source(%dma_start3A_287 : memref<10000x128xf32, #tpu.memory_space<hbm>>) target(%dma_start3A_284 : memref<16x128xf32, #tpu.memory_space<vmem>>) offsets(%arg12 : memref<16xi32, #tpu.memory_space<vmem>>) semaphore(%arg18 : memref<!tpu.dma_semaphore, #tpu.memory_space<semaphore_mem>>)
    %dma_wait3A_288 = tpu.memref_slice %arg4[%multiple_of3A_196] : memref<320000xi32, #tpu.memory_space<hbm>> -> memref<16xi32, #tpu.memory_space<hbm>>
    %dma_wait3A_289 = tpu.memref_slice %arg4[%multiple_of3A_196] : memref<320000xi32, #tpu.memory_space<hbm>> -> memref<16xi32, #tpu.memory_space<hbm>>
    tpu.wait_dma2 semaphore(%arg24 : memref<!tpu.dma_semaphore, #tpu.memory_space<semaphore_mem>>) src(%dma_wait3A_289 : memref<16xi32, #tpu.memory_space<hbm>>) dst(%arg13 : memref<16xi32, #tpu.memory_space<vmem>>)
    %dma_wait3A_290 = arith.constant 0 : i32
    %dma_wait3A_291 = arith.constant 0 : i32
    %dma_wait3A_292 = tpu.memref_slice %arg14[%dma_wait3A_290, %dma_wait3A_291] : memref<128x128xf32, #tpu.memory_space<vmem>> -> memref<16x128xf32, #tpu.memory_space<vmem>>
    %dma_wait3A_293 = arith.constant 0 : i32
    %dma_wait3A_294 = arith.constant 0 : i32
    %dma_wait3A_295 = tpu.memref_slice %arg2[%dma_wait3A_293, %dma_wait3A_294] : memref<10000x128xf32, #tpu.memory_space<hbm>> -> memref<10000x128xf32, #tpu.memory_space<hbm>>
    tpu.wait_indirect_dma semaphore(%arg18 : memref<!tpu.dma_semaphore, #tpu.memory_space<semaphore_mem>>) src(%dma_wait3A_295 : memref<10000x128xf32, #tpu.memory_space<hbm>>) dst(%dma_wait3A_292 : memref<16x128xf32, #tpu.memory_space<vmem>>)
    %dma_wait3A_296 = arith.constant 0 : i32
    %dma_wait3A_297 = arith.constant 0 : i32
    %dma_wait3A_298 = tpu.memref_slice %arg17[%dma_wait3A_296, %dma_wait3A_297] : memref<10112x128xf32, #tpu.memory_space<vmem_shared>> -> memref<10112x128xf32, #tpu.memory_space<vmem_shared>>
    tpu.wait_indirect_dma semaphore(%arg27 : memref<!tpu.dma_semaphore, #tpu.memory_space<semaphore_mem>>) src(%arg16 : memref<128x128xf32, #tpu.memory_space<vmem>>) dst(%dma_wait3A_298 : memref<10112x128xf32, #tpu.memory_space<vmem_shared>>)
    "tpu.region"() ({
      %run_scoped3A = tpu.sem_alloc : memref<!tpu.dma_semaphore, #tpu.memory_space<semaphore_mem>>
      %dma_start3A_307 = arith.constant 0 : i32
      %dma_start3A_308 = arith.constant 0 : i32
      %dma_start3A_309 = tpu.memref_slice %arg14[%dma_start3A_307, %dma_start3A_308] : memref<128x128xf32, #tpu.memory_space<vmem>> -> memref<16x128xf32, #tpu.memory_space<vmem>>
      %dma_start3A_310 = arith.constant 0 : i32
      %dma_start3A_311 = arith.constant 0 : i32
      %dma_start3A_312 = tpu.memref_slice %arg17[%dma_start3A_310, %dma_start3A_311] : memref<10112x128xf32, #tpu.memory_space<vmem_shared>> -> memref<10112x128xf32, #tpu.memory_space<vmem_shared>>
      tpu.enqueue_indirect_dma source(%dma_start3A_309 : memref<16x128xf32, #tpu.memory_space<vmem>>) target(%dma_start3A_312 : memref<10112x128xf32, #tpu.memory_space<vmem_shared>>) offsets(%arg13 : memref<16xi32, #tpu.memory_space<vmem>>) semaphore(%run_scoped3A : memref<!tpu.dma_semaphore, #tpu.memory_space<semaphore_mem>>) {add = true}
      %dma_wait3A_313 = arith.constant 0 : i32
      %dma_wait3A_314 = arith.constant 0 : i32
      %dma_wait3A_315 = tpu.memref_slice %arg14[%dma_wait3A_313, %dma_wait3A_314] : memref<128x128xf32, #tpu.memory_space<vmem>> -> memref<16x128xf32, #tpu.memory_space<vmem>>
      %dma_wait3A_316 = arith.constant 0 : i32
      %dma_wait3A_317 = arith.constant 0 : i32
      %dma_wait3A_318 = tpu.memref_slice %arg17[%dma_wait3A_316, %dma_wait3A_317] : memref<10112x128xf32, #tpu.memory_space<vmem_shared>> -> memref<10112x128xf32, #tpu.memory_space<vmem_shared>>
      tpu.wait_indirect_dma semaphore(%run_scoped3A : memref<!tpu.dma_semaphore, #tpu.memory_space<semaphore_mem>>) src(%dma_wait3A_315 : memref<16x128xf32, #tpu.memory_space<vmem>>) dst(%dma_wait3A_318 : memref<10112x128xf32, #tpu.memory_space<vmem_shared>>)
      tpu.yield
    }) : () -> ()
    %barrier3A_299 = arith.constant 0 : index
    tpu.barrier barrier_id(%barrier3A_299)
    %mul3A_300 = arith.constant 10112 : i32
    %mul3A_301 = arith.muli %arg0, %mul3A_300 : i32
    %mul3A_302 = arith.constant 632 : i32
    %mul3A_303 = arith.muli %arg1, %mul3A_302 : i32
    %add3A_304 = arith.addi %mul3A_301, %mul3A_303 : i32
    %mul3A_305 = arith.constant 632 : i32
    %mul3A_306 = arith.muli %arg1, %mul3A_305 : i32
    "tpu.region"() ({
      %run_scoped3A = tpu.sem_alloc : memref<!tpu.dma_semaphore, #tpu.memory_space<semaphore_mem>>
      %dma_start3A_307 = arith.constant 0 : i32
      %dma_start3A_308 = tpu.memref_slice %arg5[%add3A_304, %dma_start3A_307] : memref<20224x128xf32, #tpu.memory_space<hbm>> -> memref<632x128xf32, #tpu.memory_space<hbm>>
      %dma_start3A_309 = arith.constant 0 : i32
      %dma_start3A_310 = tpu.memref_slice %arg17[%mul3A_306, %dma_start3A_309] : memref<10112x128xf32, #tpu.memory_space<vmem_shared>> -> memref<632x128xf32, #tpu.memory_space<vmem_shared>>
      tpu.enqueue_dma source(%dma_start3A_310 : memref<632x128xf32, #tpu.memory_space<vmem_shared>>) target(%dma_start3A_308 : memref<632x128xf32, #tpu.memory_space<hbm>>) target_semaphore(%run_scoped3A : memref<!tpu.dma_semaphore, #tpu.memory_space<semaphore_mem>>)
      %dma_wait3A_311 = arith.constant 0 : i32
      %dma_wait3A_312 = tpu.memref_slice %arg5[%add3A_304, %dma_wait3A_311] : memref<20224x128xf32, #tpu.memory_space<hbm>> -> memref<632x128xf32, #tpu.memory_space<hbm>>
      %dma_wait3A_313 = arith.constant 0 : i32
      %dma_wait3A_314 = tpu.memref_slice %arg17[%mul3A_306, %dma_wait3A_313] : memref<10112x128xf32, #tpu.memory_space<vmem_shared>> -> memref<632x128xf32, #tpu.memory_space<vmem_shared>>
      tpu.wait_dma2 semaphore(%run_scoped3A : memref<!tpu.dma_semaphore, #tpu.memory_space<semaphore_mem>>) src(%dma_wait3A_314 : memref<632x128xf32, #tpu.memory_space<vmem_shared>>) dst(%dma_wait3A_312 : memref<632x128xf32, #tpu.memory_space<hbm>>)
      tpu.yield
    }) : () -> ()
    return
  }
}

#map = affine_map<(d0, d1) -> (0, 0)>
#map1 = affine_map<(d0, d1) -> (0)>
module attributes {stable_mosaic.version = 14 : i64} {
  func.func @_sc_edge_agg(%arg0: i32, %arg1: i32, %arg2: memref<10000x128xf32, #tpu.memory_space<hbm>>, %arg3: memref<320000xi32, #tpu.memory_space<hbm>>, %arg4: memref<320000xi32, #tpu.memory_space<hbm>>, %arg5: memref<20224x128xf32, #tpu.memory_space<hbm>>, %arg6: memref<128xi32, #tpu.memory_space<vmem>>, %arg7: memref<128xi32, #tpu.memory_space<vmem>>, %arg8: memref<128xi32, #tpu.memory_space<vmem>>, %arg9: memref<128xi32, #tpu.memory_space<vmem>>, %arg10: memref<128xi32, #tpu.memory_space<vmem>>, %arg11: memref<128xi32, #tpu.memory_space<vmem>>, %arg12: memref<16xi32, #tpu.memory_space<vmem>>, %arg13: memref<16xi32, #tpu.memory_space<vmem>>, %arg14: memref<128x128xf32, #tpu.memory_space<vmem>>, %arg15: memref<128x128xf32, #tpu.memory_space<vmem>>, %arg16: memref<128x128xf32, #tpu.memory_space<vmem>>, %arg17: memref<10112x128xf32, #tpu.memory_space<vmem_shared>>, %arg18: memref<!tpu.dma_semaphore, #tpu.memory_space<semaphore_mem>>, %arg19: memref<!tpu.dma_semaphore, #tpu.memory_space<semaphore_mem>>, %arg20: memref<!tpu.dma_semaphore, #tpu.memory_space<semaphore_mem>>, %arg21: memref<!tpu.dma_semaphore, #tpu.memory_space<semaphore_mem>>, %arg22: memref<!tpu.dma_semaphore, #tpu.memory_space<semaphore_mem>>, %arg23: memref<!tpu.dma_semaphore, #tpu.memory_space<semaphore_mem>>, %arg24: memref<!tpu.dma_semaphore, #tpu.memory_space<semaphore_mem>>, %arg25: memref<!tpu.dma_semaphore, #tpu.memory_space<semaphore_mem>>, %arg26: memref<!tpu.dma_semaphore, #tpu.memory_space<semaphore_mem>>, %arg27: memref<!tpu.dma_semaphore, #tpu.memory_space<semaphore_mem>>) attributes {dimension_semantics = [#tpu.dimension_semantics<core_parallel>, #tpu.dimension_semantics<subcore_parallel>], iteration_bounds = array<i64: 2, 16>, scalar_prefetch = 0 : i64, scratch_operands = 22 : i64, tpu.core_type = #tpu.core_type<sc_vector_subcore>, window_params = [{transform_indices = #map}, {transform_indices = #map1}, {transform_indices = #map1}, {transform_indices = #map}]} {
    %mul3A = arith.constant 2 : i32
    %mul3A_0 = arith.muli %arg1, %mul3A : i32
    %add3A = arith.addi %mul3A_0, %arg0 : i32
    %mul3A_1 = arith.constant 10000 : i32
    %mul3A_2 = arith.muli %add3A, %mul3A_1 : i32
    %add3A_3 = arith.constant 0 : i32
    %add3A_4 = arith.addi %mul3A_2, %add3A_3 : i32
    %multiple_of3A = tpu.assume_multiple %add3A_4, 8 : i32
    %dma_start3A = tpu.memref_slice %arg3[%multiple_of3A] : memref<320000xi32, #tpu.memory_space<hbm>> -> memref<128xi32, #tpu.memory_space<hbm>>
    %dma_start3A_5 = tpu.memref_slice %arg3[%multiple_of3A] : memref<320000xi32, #tpu.memory_space<hbm>> -> memref<128xi32, #tpu.memory_space<hbm>>
    tpu.enqueue_dma source(%dma_start3A_5 : memref<128xi32, #tpu.memory_space<hbm>>) target(%arg6 : memref<128xi32, #tpu.memory_space<vmem>>) target_semaphore(%arg21 : memref<!tpu.dma_semaphore, #tpu.memory_space<semaphore_mem>>)
    %add3A_6 = arith.constant 128 : i32
    %add3A_7 = arith.addi %mul3A_2, %add3A_6 : i32
    %multiple_of3A_8 = tpu.assume_multiple %add3A_7, 8 : i32
    %dma_start3A_9 = tpu.memref_slice %arg3[%multiple_of3A_8] : memref<320000xi32, #tpu.memory_space<hbm>> -> memref<128xi32, #tpu.memory_space<hbm>>
    %dma_start3A_10 = tpu.memref_slice %arg3[%multiple_of3A_8] : memref<320000xi32, #tpu.memory_space<hbm>> -> memref<128xi32, #tpu.memory_space<hbm>>
    tpu.enqueue_dma source(%dma_start3A_10 : memref<128xi32, #tpu.memory_space<hbm>>) target(%arg7 : memref<128xi32, #tpu.memory_space<vmem>>) target_semaphore(%arg22 : memref<!tpu.dma_semaphore, #tpu.memory_space<semaphore_mem>>)
    %add3A_11 = arith.constant 256 : i32
    %add3A_12 = arith.addi %mul3A_2, %add3A_11 : i32
    %multiple_of3A_13 = tpu.assume_multiple %add3A_12, 8 : i32
    %dma_start3A_14 = tpu.memref_slice %arg3[%multiple_of3A_13] : memref<320000xi32, #tpu.memory_space<hbm>> -> memref<128xi32, #tpu.memory_space<hbm>>
    %dma_start3A_15 = tpu.memref_slice %arg3[%multiple_of3A_13] : memref<320000xi32, #tpu.memory_space<hbm>> -> memref<128xi32, #tpu.memory_space<hbm>>
    tpu.enqueue_dma source(%dma_start3A_15 : memref<128xi32, #tpu.memory_space<hbm>>) target(%arg8 : memref<128xi32, #tpu.memory_space<vmem>>) target_semaphore(%arg23 : memref<!tpu.dma_semaphore, #tpu.memory_space<semaphore_mem>>)
    %add3A_16 = arith.constant 0 : i32
    %add3A_17 = arith.addi %mul3A_2, %add3A_16 : i32
    %multiple_of3A_18 = tpu.assume_multiple %add3A_17, 8 : i32
    %dma_start3A_19 = tpu.memref_slice %arg4[%multiple_of3A_18] : memref<320000xi32, #tpu.memory_space<hbm>> -> memref<128xi32, #tpu.memory_space<hbm>>
    %dma_start3A_20 = tpu.memref_slice %arg4[%multiple_of3A_18] : memref<320000xi32, #tpu.memory_space<hbm>> -> memref<128xi32, #tpu.memory_space<hbm>>
    tpu.enqueue_dma source(%dma_start3A_20 : memref<128xi32, #tpu.memory_space<hbm>>) target(%arg9 : memref<128xi32, #tpu.memory_space<vmem>>) target_semaphore(%arg24 : memref<!tpu.dma_semaphore, #tpu.memory_space<semaphore_mem>>)
    %add3A_21 = arith.constant 128 : i32
    %add3A_22 = arith.addi %mul3A_2, %add3A_21 : i32
    %multiple_of3A_23 = tpu.assume_multiple %add3A_22, 8 : i32
    %dma_start3A_24 = tpu.memref_slice %arg4[%multiple_of3A_23] : memref<320000xi32, #tpu.memory_space<hbm>> -> memref<128xi32, #tpu.memory_space<hbm>>
    %dma_start3A_25 = tpu.memref_slice %arg4[%multiple_of3A_23] : memref<320000xi32, #tpu.memory_space<hbm>> -> memref<128xi32, #tpu.memory_space<hbm>>
    tpu.enqueue_dma source(%dma_start3A_25 : memref<128xi32, #tpu.memory_space<hbm>>) target(%arg10 : memref<128xi32, #tpu.memory_space<vmem>>) target_semaphore(%arg25 : memref<!tpu.dma_semaphore, #tpu.memory_space<semaphore_mem>>)
    %broadcast_in_dim3A = arith.constant 0.000000e+00 : f32
    %broadcast_in_dim3A_26 = vector.broadcast %broadcast_in_dim3A : f32 to vector<16xf32>
    %scan3A = arith.constant 0 : i32
    %scan3A_27 = arith.constant 0 : i32
    %scan3A_28 = arith.constant 128 : i32
    %scan3A_29 = arith.addi %scan3A_27, %scan3A_28 : i32
    %scan3A_30 = arith.constant 1 : i32
    scf.for %scan3A_307 = %scan3A_27 to %scan3A_29 step %scan3A_30  : i32 {
      %swap3A = arith.index_cast %scan3A_307 : i32 to index
      %swap3A_308 = arith.constant 0 : index
      %swap3A_309 = tpu.vector_load %arg16[%swap3A, %swap3A_308] {strides = array<i32>} : memref<128x128xf32, #tpu.memory_space<vmem>>, vector<1x16xf32>,
      %swap3A_310 = vector.shape_cast %swap3A_309 : vector<1x16xf32> to vector<16xf32>
      %swap3A_311 = vector.shape_cast %broadcast_in_dim3A_26 : vector<16xf32> to vector<1x16xf32>
      tpu.vector_store %arg16[%swap3A, %swap3A_308], %swap3A_311 {strides = array<i32>} : memref<128x128xf32, #tpu.memory_space<vmem>>, vector<1x16xf32>,
      %swap3A_312 = arith.index_cast %scan3A_307 : i32 to index
      %swap3A_313 = arith.constant 16 : index
      %swap3A_314 = tpu.vector_load %arg16[%swap3A_312, %swap3A_313] {strides = array<i32>} : memref<128x128xf32, #tpu.memory_space<vmem>>, vector<1x16xf32>,
      %swap3A_315 = vector.shape_cast %swap3A_314 : vector<1x16xf32> to vector<16xf32>
      %swap3A_316 = vector.shape_cast %broadcast_in_dim3A_26 : vector<16xf32> to vector<1x16xf32>
      tpu.vector_store %arg16[%swap3A_312, %swap3A_313], %swap3A_316 {strides = array<i32>} : memref<128x128xf32, #tpu.memory_space<vmem>>, vector<1x16xf32>,
      %swap3A_317 = arith.index_cast %scan3A_307 : i32 to index
      %swap3A_318 = arith.constant 32 : index
      %swap3A_319 = tpu.vector_load %arg16[%swap3A_317, %swap3A_318] {strides = array<i32>} : memref<128x128xf32, #tpu.memory_space<vmem>>, vector<1x16xf32>,
      %swap3A_320 = vector.shape_cast %swap3A_319 : vector<1x16xf32> to vector<16xf32>
      %swap3A_321 = vector.shape_cast %broadcast_in_dim3A_26 : vector<16xf32> to vector<1x16xf32>
      tpu.vector_store %arg16[%swap3A_317, %swap3A_318], %swap3A_321 {strides = array<i32>} : memref<128x128xf32, #tpu.memory_space<vmem>>, vector<1x16xf32>,
      %swap3A_322 = arith.index_cast %scan3A_307 : i32 to index
      %swap3A_323 = arith.constant 48 : index
      %swap3A_324 = tpu.vector_load %arg16[%swap3A_322, %swap3A_323] {strides = array<i32>} : memref<128x128xf32, #tpu.memory_space<vmem>>, vector<1x16xf32>,
      %swap3A_325 = vector.shape_cast %swap3A_324 : vector<1x16xf32> to vector<16xf32>
      %swap3A_326 = vector.shape_cast %broadcast_in_dim3A_26 : vector<16xf32> to vector<1x16xf32>
      tpu.vector_store %arg16[%swap3A_322, %swap3A_323], %swap3A_326 {strides = array<i32>} : memref<128x128xf32, #tpu.memory_space<vmem>>, vector<1x16xf32>,
      %swap3A_327 = arith.index_cast %scan3A_307 : i32 to index
      %swap3A_328 = arith.constant 64 : index
      %swap3A_329 = tpu.vector_load %arg16[%swap3A_327, %swap3A_328] {strides = array<i32>} : memref<128x128xf32, #tpu.memory_space<vmem>>, vector<1x16xf32>,
      %swap3A_330 = vector.shape_cast %swap3A_329 : vector<1x16xf32> to vector<16xf32>
      %swap3A_331 = vector.shape_cast %broadcast_in_dim3A_26 : vector<16xf32> to vector<1x16xf32>
      tpu.vector_store %arg16[%swap3A_327, %swap3A_328], %swap3A_331 {strides = array<i32>} : memref<128x128xf32, #tpu.memory_space<vmem>>, vector<1x16xf32>,
      %swap3A_332 = arith.index_cast %scan3A_307 : i32 to index
      %swap3A_333 = arith.constant 80 : index
      %swap3A_334 = tpu.vector_load %arg16[%swap3A_332, %swap3A_333] {strides = array<i32>} : memref<128x128xf32, #tpu.memory_space<vmem>>, vector<1x16xf32>,
      %swap3A_335 = vector.shape_cast %swap3A_334 : vector<1x16xf32> to vector<16xf32>
      %swap3A_336 = vector.shape_cast %broadcast_in_dim3A_26 : vector<16xf32> to vector<1x16xf32>
      tpu.vector_store %arg16[%swap3A_332, %swap3A_333], %swap3A_336 {strides = array<i32>} : memref<128x128xf32, #tpu.memory_space<vmem>>, vector<1x16xf32>,
      %swap3A_337 = arith.index_cast %scan3A_307 : i32 to index
      %swap3A_338 = arith.constant 96 : index
      %swap3A_339 = tpu.vector_load %arg16[%swap3A_337, %swap3A_338] {strides = array<i32>} : memref<128x128xf32, #tpu.memory_space<vmem>>, vector<1x16xf32>,
      %swap3A_340 = vector.shape_cast %swap3A_339 : vector<1x16xf32> to vector<16xf32>
      %swap3A_341 = vector.shape_cast %broadcast_in_dim3A_26 : vector<16xf32> to vector<1x16xf32>
      tpu.vector_store %arg16[%swap3A_337, %swap3A_338], %swap3A_341 {strides = array<i32>} : memref<128x128xf32, #tpu.memory_space<vmem>>, vector<1x16xf32>,
      %swap3A_342 = arith.index_cast %scan3A_307 : i32 to index
      %swap3A_343 = arith.constant 112 : index
      %swap3A_344 = tpu.vector_load %arg16[%swap3A_342, %swap3A_343] {strides = array<i32>} : memref<128x128xf32, #tpu.memory_space<vmem>>, vector<1x16xf32>,
      %swap3A_345 = vector.shape_cast %swap3A_344 : vector<1x16xf32> to vector<16xf32>
      %swap3A_346 = vector.shape_cast %broadcast_in_dim3A_26 : vector<16xf32> to vector<1x16xf32>
      tpu.vector_store %arg16[%swap3A_342, %swap3A_343], %swap3A_346 {strides = array<i32>} : memref<128x128xf32, #tpu.memory_space<vmem>>, vector<1x16xf32>,
    }
    %scan3A_31 = arith.constant 128 : i32
    %mul3A_32 = arith.constant 632 : i32
    %mul3A_33 = arith.muli %arg1, %mul3A_32 : i32
    %add3A_34 = arith.constant 0 : i32
    %add3A_35 = arith.addi %mul3A_33, %add3A_34 : i32
    %dma_start3A_36 = arith.constant 0 : i32
    %dma_start3A_37 = tpu.memref_slice %arg17[%add3A_35, %dma_start3A_36] : memref<10112x128xf32, #tpu.memory_space<vmem_shared>> -> memref<128x128xf32, #tpu.memory_space<vmem_shared>>
    %dma_start3A_38 = arith.constant 0 : i32
    %dma_start3A_39 = tpu.memref_slice %arg17[%add3A_35, %dma_start3A_38] : memref<10112x128xf32, #tpu.memory_space<vmem_shared>> -> memref<128x128xf32, #tpu.memory_space<vmem_shared>>
    tpu.enqueue_dma source(%arg16 : memref<128x128xf32, #tpu.memory_space<vmem>>) target(%dma_start3A_39 : memref<128x128xf32, #tpu.memory_space<vmem_shared>>) target_semaphore(%arg27 : memref<!tpu.dma_semaphore, #tpu.memory_space<semaphore_mem>>)
    %mul3A_40 = arith.constant 632 : i32
    %mul3A_41 = arith.muli %arg1, %mul3A_40 : i32
    %add3A_42 = arith.constant 128 : i32
    %add3A_43 = arith.addi %mul3A_41, %add3A_42 : i32
    %dma_start3A_44 = arith.constant 0 : i32
    %dma_start3A_45 = tpu.memref_slice %arg17[%add3A_43, %dma_start3A_44] : memref<10112x128xf32, #tpu.memory_space<vmem_shared>> -> memref<128x128xf32, #tpu.memory_space<vmem_shared>>
    %dma_start3A_46 = arith.constant 0 : i32
    %dma_start3A_47 = tpu.memref_slice %arg17[%add3A_43, %dma_start3A_46] : memref<10112x128xf32, #tpu.memory_space<vmem_shared>> -> memref<128x128xf32, #tpu.memory_space<vmem_shared>>
    tpu.enqueue_dma source(%arg16 : memref<128x128xf32, #tpu.memory_space<vmem>>) target(%dma_start3A_47 : memref<128x128xf32, #tpu.memory_space<vmem_shared>>) target_semaphore(%arg27 : memref<!tpu.dma_semaphore, #tpu.memory_space<semaphore_mem>>)
    %mul3A_48 = arith.constant 632 : i32
    %mul3A_49 = arith.muli %arg1, %mul3A_48 : i32
    %add3A_50 = arith.constant 256 : i32
    %add3A_51 = arith.addi %mul3A_49, %add3A_50 : i32
    %dma_start3A_52 = arith.constant 0 : i32
    %dma_start3A_53 = tpu.memref_slice %arg17[%add3A_51, %dma_start3A_52] : memref<10112x128xf32, #tpu.memory_space<vmem_shared>> -> memref<128x128xf32, #tpu.memory_space<vmem_shared>>
    %dma_start3A_54 = arith.constant 0 : i32
    %dma_start3A_55 = tpu.memref_slice %arg17[%add3A_51, %dma_start3A_54] : memref<10112x128xf32, #tpu.memory_space<vmem_shared>> -> memref<128x128xf32, #tpu.memory_space<vmem_shared>>
    tpu.enqueue_dma source(%arg16 : memref<128x128xf32, #tpu.memory_space<vmem>>) target(%dma_start3A_55 : memref<128x128xf32, #tpu.memory_space<vmem_shared>>) target_semaphore(%arg27 : memref<!tpu.dma_semaphore, #tpu.memory_space<semaphore_mem>>)
    %mul3A_56 = arith.constant 632 : i32
    %mul3A_57 = arith.muli %arg1, %mul3A_56 : i32
    %add3A_58 = arith.constant 384 : i32
    %add3A_59 = arith.addi %mul3A_57, %add3A_58 : i32
    %dma_start3A_60 = arith.constant 0 : i32
    %dma_start3A_61 = tpu.memref_slice %arg17[%add3A_59, %dma_start3A_60] : memref<10112x128xf32, #tpu.memory_space<vmem_shared>> -> memref<128x128xf32, #tpu.memory_space<vmem_shared>>
    %dma_start3A_62 = arith.constant 0 : i32
    %dma_start3A_63 = tpu.memref_slice %arg17[%add3A_59, %dma_start3A_62] : memref<10112x128xf32, #tpu.memory_space<vmem_shared>> -> memref<128x128xf32, #tpu.memory_space<vmem_shared>>
    tpu.enqueue_dma source(%arg16 : memref<128x128xf32, #tpu.memory_space<vmem>>) target(%dma_start3A_63 : memref<128x128xf32, #tpu.memory_space<vmem_shared>>) target_semaphore(%arg27 : memref<!tpu.dma_semaphore, #tpu.memory_space<semaphore_mem>>)
    %mul3A_64 = arith.constant 632 : i32
    %mul3A_65 = arith.muli %arg1, %mul3A_64 : i32
    %add3A_66 = arith.constant 512 : i32
    %add3A_67 = arith.addi %mul3A_65, %add3A_66 : i32
    %dma_start3A_68 = arith.constant 0 : i32
    %dma_start3A_69 = arith.constant 0 : i32
    %dma_start3A_70 = tpu.memref_slice %arg16[%dma_start3A_68, %dma_start3A_69] : memref<128x128xf32, #tpu.memory_space<vmem>> -> memref<120x128xf32, #tpu.memory_space<vmem>>
    %dma_start3A_71 = arith.constant 0 : i32
    %dma_start3A_72 = tpu.memref_slice %arg17[%add3A_67, %dma_start3A_71] : memref<10112x128xf32, #tpu.memory_space<vmem_shared>> -> memref<120x128xf32, #tpu.memory_space<vmem_shared>>
    %dma_start3A_73 = arith.constant 0 : i32
    %dma_start3A_74 = tpu.memref_slice %arg17[%add3A_67, %dma_start3A_73] : memref<10112x128xf32, #tpu.memory_space<vmem_shared>> -> memref<120x128xf32, #tpu.memory_space<vmem_shared>>
    %dma_start3A_75 = arith.constant 0 : i32
    %dma_start3A_76 = arith.constant 0 : i32
    %dma_start3A_77 = tpu.memref_slice %arg16[%dma_start3A_75, %dma_start3A_76] : memref<128x128xf32, #tpu.memory_space<vmem>> -> memref<120x128xf32, #tpu.memory_space<vmem>>
    tpu.enqueue_dma source(%dma_start3A_77 : memref<120x128xf32, #tpu.memory_space<vmem>>) target(%dma_start3A_74 : memref<120x128xf32, #tpu.memory_space<vmem_shared>>) target_semaphore(%arg27 : memref<!tpu.dma_semaphore, #tpu.memory_space<semaphore_mem>>)
    %add3A_78 = arith.constant 0 : i32
    %add3A_79 = arith.addi %mul3A_2, %add3A_78 : i32
    %multiple_of3A_80 = tpu.assume_multiple %add3A_79, 8 : i32
    %dma_wait3A = tpu.memref_slice %arg3[%multiple_of3A_80] : memref<320000xi32, #tpu.memory_space<hbm>> -> memref<128xi32, #tpu.memory_space<hbm>>
    %dma_wait3A_81 = tpu.memref_slice %arg3[%multiple_of3A_80] : memref<320000xi32, #tpu.memory_space<hbm>> -> memref<128xi32, #tpu.memory_space<hbm>>
    tpu.wait_dma2 semaphore(%arg21 : memref<!tpu.dma_semaphore, #tpu.memory_space<semaphore_mem>>) src(%dma_wait3A_81 : memref<128xi32, #tpu.memory_space<hbm>>) dst(%arg6 : memref<128xi32, #tpu.memory_space<vmem>>)
    %dma_start3A_82 = arith.constant 0 : i32
    %dma_start3A_83 = arith.constant 0 : i32
    %dma_start3A_84 = tpu.memref_slice %arg2[%dma_start3A_82, %dma_start3A_83] : memref<10000x128xf32, #tpu.memory_space<hbm>> -> memref<10000x128xf32, #tpu.memory_space<hbm>>
    tpu.enqueue_indirect_dma source(%dma_start3A_84 : memref<10000x128xf32, #tpu.memory_space<hbm>>) target(%arg14 : memref<128x128xf32, #tpu.memory_space<vmem>>) offsets(%arg6 : memref<128xi32, #tpu.memory_space<vmem>>) semaphore(%arg18 : memref<!tpu.dma_semaphore, #tpu.memory_space<semaphore_mem>>)
    %add3A_85 = arith.constant 128 : i32
    %add3A_86 = arith.addi %mul3A_2, %add3A_85 : i32
    %multiple_of3A_87 = tpu.assume_multiple %add3A_86, 8 : i32
    %dma_wait3A_88 = tpu.memref_slice %arg3[%multiple_of3A_87] : memref<320000xi32, #tpu.memory_space<hbm>> -> memref<128xi32, #tpu.memory_space<hbm>>
    %dma_wait3A_89 = tpu.memref_slice %arg3[%multiple_of3A_87] : memref<320000xi32, #tpu.memory_space<hbm>> -> memref<128xi32, #tpu.memory_space<hbm>>
    tpu.wait_dma2 semaphore(%arg22 : memref<!tpu.dma_semaphore, #tpu.memory_space<semaphore_mem>>) src(%dma_wait3A_89 : memref<128xi32, #tpu.memory_space<hbm>>) dst(%arg7 : memref<128xi32, #tpu.memory_space<vmem>>)
    %dma_start3A_90 = arith.constant 0 : i32
    %dma_start3A_91 = arith.constant 0 : i32
    %dma_start3A_92 = tpu.memref_slice %arg2[%dma_start3A_90, %dma_start3A_91] : memref<10000x128xf32, #tpu.memory_space<hbm>> -> memref<10000x128xf32, #tpu.memory_space<hbm>>
    tpu.enqueue_indirect_dma source(%dma_start3A_92 : memref<10000x128xf32, #tpu.memory_space<hbm>>) target(%arg15 : memref<128x128xf32, #tpu.memory_space<vmem>>) offsets(%arg7 : memref<128xi32, #tpu.memory_space<vmem>>) semaphore(%arg19 : memref<!tpu.dma_semaphore, #tpu.memory_space<semaphore_mem>>)
    %dma_wait3A_93 = arith.constant 0 : i32
    %dma_wait3A_94 = tpu.memref_slice %arg17[%add3A_35, %dma_wait3A_93] : memref<10112x128xf32, #tpu.memory_space<vmem_shared>> -> memref<128x128xf32, #tpu.memory_space<vmem_shared>>
    %dma_wait3A_95 = arith.constant 0 : i32
    %dma_wait3A_96 = tpu.memref_slice %arg17[%add3A_35, %dma_wait3A_95] : memref<10112x128xf32, #tpu.memory_space<vmem_shared>> -> memref<128x128xf32, #tpu.memory_space<vmem_shared>>
    tpu.wait_dma2 semaphore(%arg27 : memref<!tpu.dma_semaphore, #tpu.memory_space<semaphore_mem>>) src(%arg16 : memref<128x128xf32, #tpu.memory_space<vmem>>) dst(%dma_wait3A_96 : memref<128x128xf32, #tpu.memory_space<vmem_shared>>)
    %dma_wait3A_97 = arith.constant 0 : i32
    %dma_wait3A_98 = tpu.memref_slice %arg17[%add3A_43, %dma_wait3A_97] : memref<10112x128xf32, #tpu.memory_space<vmem_shared>> -> memref<128x128xf32, #tpu.memory_space<vmem_shared>>
    %dma_wait3A_99 = arith.constant 0 : i32
    %dma_wait3A_100 = tpu.memref_slice %arg17[%add3A_43, %dma_wait3A_99] : memref<10112x128xf32, #tpu.memory_space<vmem_shared>> -> memref<128x128xf32, #tpu.memory_space<vmem_shared>>
    tpu.wait_dma2 semaphore(%arg27 : memref<!tpu.dma_semaphore, #tpu.memory_space<semaphore_mem>>) src(%arg16 : memref<128x128xf32, #tpu.memory_space<vmem>>) dst(%dma_wait3A_100 : memref<128x128xf32, #tpu.memory_space<vmem_shared>>)
    %dma_wait3A_101 = arith.constant 0 : i32
    %dma_wait3A_102 = tpu.memref_slice %arg17[%add3A_51, %dma_wait3A_101] : memref<10112x128xf32, #tpu.memory_space<vmem_shared>> -> memref<128x128xf32, #tpu.memory_space<vmem_shared>>
    %dma_wait3A_103 = arith.constant 0 : i32
    %dma_wait3A_104 = tpu.memref_slice %arg17[%add3A_51, %dma_wait3A_103] : memref<10112x128xf32, #tpu.memory_space<vmem_shared>> -> memref<128x128xf32, #tpu.memory_space<vmem_shared>>
    tpu.wait_dma2 semaphore(%arg27 : memref<!tpu.dma_semaphore, #tpu.memory_space<semaphore_mem>>) src(%arg16 : memref<128x128xf32, #tpu.memory_space<vmem>>) dst(%dma_wait3A_104 : memref<128x128xf32, #tpu.memory_space<vmem_shared>>)
    %dma_wait3A_105 = arith.constant 0 : i32
    %dma_wait3A_106 = tpu.memref_slice %arg17[%add3A_59, %dma_wait3A_105] : memref<10112x128xf32, #tpu.memory_space<vmem_shared>> -> memref<128x128xf32, #tpu.memory_space<vmem_shared>>
    %dma_wait3A_107 = arith.constant 0 : i32
    %dma_wait3A_108 = tpu.memref_slice %arg17[%add3A_59, %dma_wait3A_107] : memref<10112x128xf32, #tpu.memory_space<vmem_shared>> -> memref<128x128xf32, #tpu.memory_space<vmem_shared>>
    tpu.wait_dma2 semaphore(%arg27 : memref<!tpu.dma_semaphore, #tpu.memory_space<semaphore_mem>>) src(%arg16 : memref<128x128xf32, #tpu.memory_space<vmem>>) dst(%dma_wait3A_108 : memref<128x128xf32, #tpu.memory_space<vmem_shared>>)
    %dma_wait3A_109 = arith.constant 0 : i32
    %dma_wait3A_110 = arith.constant 0 : i32
    %dma_wait3A_111 = tpu.memref_slice %arg16[%dma_wait3A_109, %dma_wait3A_110] : memref<128x128xf32, #tpu.memory_space<vmem>> -> memref<120x128xf32, #tpu.memory_space<vmem>>
    %dma_wait3A_112 = arith.constant 0 : i32
    %dma_wait3A_113 = tpu.memref_slice %arg17[%add3A_67, %dma_wait3A_112] : memref<10112x128xf32, #tpu.memory_space<vmem_shared>> -> memref<120x128xf32, #tpu.memory_space<vmem_shared>>
    %dma_wait3A_114 = arith.constant 0 : i32
    %dma_wait3A_115 = tpu.memref_slice %arg17[%add3A_67, %dma_wait3A_114] : memref<10112x128xf32, #tpu.memory_space<vmem_shared>> -> memref<120x128xf32, #tpu.memory_space<vmem_shared>>
    %dma_wait3A_116 = arith.constant 0 : i32
    %dma_wait3A_117 = arith.constant 0 : i32
    %dma_wait3A_118 = tpu.memref_slice %arg16[%dma_wait3A_116, %dma_wait3A_117] : memref<128x128xf32, #tpu.memory_space<vmem>> -> memref<120x128xf32, #tpu.memory_space<vmem>>
    tpu.wait_dma2 semaphore(%arg27 : memref<!tpu.dma_semaphore, #tpu.memory_space<semaphore_mem>>) src(%dma_wait3A_118 : memref<120x128xf32, #tpu.memory_space<vmem>>) dst(%dma_wait3A_115 : memref<120x128xf32, #tpu.memory_space<vmem_shared>>)
    %barrier3A = arith.constant 0 : index
    tpu.barrier barrier_id(%barrier3A)
    %dma_wait3A_119 = arith.constant 0 : i32
    %dma_wait3A_120 = arith.constant 0 : i32
    %dma_wait3A_121 = tpu.memref_slice %arg2[%dma_wait3A_119, %dma_wait3A_120] : memref<10000x128xf32, #tpu.memory_space<hbm>> -> memref<10000x128xf32, #tpu.memory_space<hbm>>
    tpu.wait_indirect_dma semaphore(%arg18 : memref<!tpu.dma_semaphore, #tpu.memory_space<semaphore_mem>>) src(%dma_wait3A_121 : memref<10000x128xf32, #tpu.memory_space<hbm>>) dst(%arg14 : memref<128x128xf32, #tpu.memory_space<vmem>>)
    %add3A_122 = arith.constant 384 : i32
    %add3A_123 = arith.addi %mul3A_2, %add3A_122 : i32
    %multiple_of3A_124 = tpu.assume_multiple %add3A_123, 8 : i32
    %dma_start3A_125 = tpu.memref_slice %arg3[%multiple_of3A_124] : memref<320000xi32, #tpu.memory_space<hbm>> -> memref<128xi32, #tpu.memory_space<hbm>>
    %dma_start3A_126 = tpu.memref_slice %arg3[%multiple_of3A_124] : memref<320000xi32, #tpu.memory_space<hbm>> -> memref<128xi32, #tpu.memory_space<hbm>>
    tpu.enqueue_dma source(%dma_start3A_126 : memref<128xi32, #tpu.memory_space<hbm>>) target(%arg6 : memref<128xi32, #tpu.memory_space<vmem>>) target_semaphore(%arg21 : memref<!tpu.dma_semaphore, #tpu.memory_space<semaphore_mem>>)
    %add3A_127 = arith.constant 256 : i32
    %add3A_128 = arith.addi %mul3A_2, %add3A_127 : i32
    %multiple_of3A_129 = tpu.assume_multiple %add3A_128, 8 : i32
    %dma_wait3A_130 = tpu.memref_slice %arg3[%multiple_of3A_129] : memref<320000xi32, #tpu.memory_space<hbm>> -> memref<128xi32, #tpu.memory_space<hbm>>
    %dma_wait3A_131 = tpu.memref_slice %arg3[%multiple_of3A_129] : memref<320000xi32, #tpu.memory_space<hbm>> -> memref<128xi32, #tpu.memory_space<hbm>>
    tpu.wait_dma2 semaphore(%arg23 : memref<!tpu.dma_semaphore, #tpu.memory_space<semaphore_mem>>) src(%dma_wait3A_131 : memref<128xi32, #tpu.memory_space<hbm>>) dst(%arg8 : memref<128xi32, #tpu.memory_space<vmem>>)
    %dma_start3A_132 = arith.constant 0 : i32
    %dma_start3A_133 = arith.constant 0 : i32
    %dma_start3A_134 = tpu.memref_slice %arg2[%dma_start3A_132, %dma_start3A_133] : memref<10000x128xf32, #tpu.memory_space<hbm>> -> memref<10000x128xf32, #tpu.memory_space<hbm>>
    tpu.enqueue_indirect_dma source(%dma_start3A_134 : memref<10000x128xf32, #tpu.memory_space<hbm>>) target(%arg16 : memref<128x128xf32, #tpu.memory_space<vmem>>) offsets(%arg8 : memref<128xi32, #tpu.memory_space<vmem>>) semaphore(%arg20 : memref<!tpu.dma_semaphore, #tpu.memory_space<semaphore_mem>>)
    %add3A_135 = arith.constant 0 : i32
    %add3A_136 = arith.addi %mul3A_2, %add3A_135 : i32
    %multiple_of3A_137 = tpu.assume_multiple %add3A_136, 8 : i32
    %dma_wait3A_138 = tpu.memref_slice %arg4[%multiple_of3A_137] : memref<320000xi32, #tpu.memory_space<hbm>> -> memref<128xi32, #tpu.memory_space<hbm>>
    %dma_wait3A_139 = tpu.memref_slice %arg4[%multiple_of3A_137] : memref<320000xi32, #tpu.memory_space<hbm>> -> memref<128xi32, #tpu.memory_space<hbm>>
    tpu.wait_dma2 semaphore(%arg24 : memref<!tpu.dma_semaphore, #tpu.memory_space<semaphore_mem>>) src(%dma_wait3A_139 : memref<128xi32, #tpu.memory_space<hbm>>) dst(%arg9 : memref<128xi32, #tpu.memory_space<vmem>>)
    %dma_start3A_140 = arith.constant 0 : i32
    %dma_start3A_141 = arith.constant 0 : i32
    %dma_start3A_142 = tpu.memref_slice %arg17[%dma_start3A_140, %dma_start3A_141] : memref<10112x128xf32, #tpu.memory_space<vmem_shared>> -> memref<10112x128xf32, #tpu.memory_space<vmem_shared>>
    tpu.enqueue_indirect_dma source(%arg14 : memref<128x128xf32, #tpu.memory_space<vmem>>) target(%dma_start3A_142 : memref<10112x128xf32, #tpu.memory_space<vmem_shared>>) offsets(%arg9 : memref<128xi32, #tpu.memory_space<vmem>>) semaphore(%arg27 : memref<!tpu.dma_semaphore, #tpu.memory_space<semaphore_mem>>) {add = true}
    %add3A_143 = arith.constant 256 : i32
    %add3A_144 = arith.addi %mul3A_2, %add3A_143 : i32
    %multiple_of3A_145 = tpu.assume_multiple %add3A_144, 8 : i32
    %dma_start3A_146 = tpu.memref_slice %arg4[%multiple_of3A_145] : memref<320000xi32, #tpu.memory_space<hbm>> -> memref<128xi32, #tpu.memory_space<hbm>>
    %dma_start3A_147 = tpu.memref_slice %arg4[%multiple_of3A_145] : memref<320000xi32, #tpu.memory_space<hbm>> -> memref<128xi32, #tpu.memory_space<hbm>>
    tpu.enqueue_dma source(%dma_start3A_147 : memref<128xi32, #tpu.memory_space<hbm>>) target(%arg11 : memref<128xi32, #tpu.memory_space<vmem>>) target_semaphore(%arg26 : memref<!tpu.dma_semaphore, #tpu.memory_space<semaphore_mem>>)
    %dma_wait3A_148 = arith.constant 0 : i32
    %dma_wait3A_149 = arith.constant 0 : i32
    %dma_wait3A_150 = tpu.memref_slice %arg2[%dma_wait3A_148, %dma_wait3A_149] : memref<10000x128xf32, #tpu.memory_space<hbm>> -> memref<10000x128xf32, #tpu.memory_space<hbm>>
    tpu.wait_indirect_dma semaphore(%arg19 : memref<!tpu.dma_semaphore, #tpu.memory_space<semaphore_mem>>) src(%dma_wait3A_150 : memref<10000x128xf32, #tpu.memory_space<hbm>>) dst(%arg15 : memref<128x128xf32, #tpu.memory_space<vmem>>)
    %add3A_151 = arith.constant 512 : i32
    %add3A_152 = arith.addi %mul3A_2, %add3A_151 : i32
    %multiple_of3A_153 = tpu.assume_multiple %add3A_152, 8 : i32
    %dma_start3A_154 = tpu.memref_slice %arg3[%multiple_of3A_153] : memref<320000xi32, #tpu.memory_space<hbm>> -> memref<128xi32, #tpu.memory_space<hbm>>
    %dma_start3A_155 = tpu.memref_slice %arg3[%multiple_of3A_153] : memref<320000xi32, #tpu.memory_space<hbm>> -> memref<128xi32, #tpu.memory_space<hbm>>
    tpu.enqueue_dma source(%dma_start3A_155 : memref<128xi32, #tpu.memory_space<hbm>>) target(%arg7 : memref<128xi32, #tpu.memory_space<vmem>>) target_semaphore(%arg22 : memref<!tpu.dma_semaphore, #tpu.memory_space<semaphore_mem>>)
    %scan3A_156 = arith.constant 0 : i32
    %scan3A_157 = arith.constant 0 : i32
    %scan3A_158 = arith.constant 24 : i32
    %scan3A_159 = arith.addi %scan3A_157, %scan3A_158 : i32
    %scan3A_160 = arith.constant 1 : i32
    scf.for %scan3A_307 = %scan3A_157 to %scan3A_159 step %scan3A_160  : i32 {
      %mul3A_308 = arith.constant 3 : i32
      %mul3A_309 = arith.muli %scan3A_307, %mul3A_308 : i32
      %add3A_310 = arith.constant 1 : i32
      %add3A_311 = arith.addi %add3A_310, %mul3A_309 : i32
      %add3A_312 = arith.constant 0 : i32
      %add3A_313 = arith.addi %add3A_311, %add3A_312 : i32
      %add3A_314 = arith.constant 2 : i32
      %add3A_315 = arith.addi %add3A_313, %add3A_314 : i32
      %mul3A_316 = arith.constant 128 : i32
      %mul3A_317 = arith.muli %add3A_315, %mul3A_316 : i32
      %add3A_318 = arith.addi %mul3A_2, %mul3A_317 : i32
      %multiple_of3A_319 = tpu.assume_multiple %add3A_318, 8 : i32
      %dma_wait3A_320 = tpu.memref_slice %arg3[%multiple_of3A_319] : memref<320000xi32, #tpu.memory_space<hbm>> -> memref<128xi32, #tpu.memory_space<hbm>>
      %dma_wait3A_321 = tpu.memref_slice %arg3[%multiple_of3A_319] : memref<320000xi32, #tpu.memory_space<hbm>> -> memref<128xi32, #tpu.memory_space<hbm>>
      tpu.wait_dma2 semaphore(%arg21 : memref<!tpu.dma_semaphore, #tpu.memory_space<semaphore_mem>>) src(%dma_wait3A_321 : memref<128xi32, #tpu.memory_space<hbm>>) dst(%arg6 : memref<128xi32, #tpu.memory_space<vmem>>)
      %dma_wait3A_322 = arith.constant 0 : i32
      %dma_wait3A_323 = arith.constant 0 : i32
      %dma_wait3A_324 = tpu.memref_slice %arg17[%dma_wait3A_322, %dma_wait3A_323] : memref<10112x128xf32, #tpu.memory_space<vmem_shared>> -> memref<10112x128xf32, #tpu.memory_space<vmem_shared>>
      tpu.wait_indirect_dma semaphore(%arg27 : memref<!tpu.dma_semaphore, #tpu.memory_space<semaphore_mem>>) src(%arg14 : memref<128x128xf32, #tpu.memory_space<vmem>>) dst(%dma_wait3A_324 : memref<10112x128xf32, #tpu.memory_space<vmem_shared>>)
      %dma_start3A_325 = arith.constant 0 : i32
      %dma_start3A_326 = arith.constant 0 : i32
      %dma_start3A_327 = tpu.memref_slice %arg2[%dma_start3A_325, %dma_start3A_326] : memref<10000x128xf32, #tpu.memory_space<hbm>> -> memref<10000x128xf32, #tpu.memory_space<hbm>>
      tpu.enqueue_indirect_dma source(%dma_start3A_327 : memref<10000x128xf32, #tpu.memory_space<hbm>>) target(%arg14 : memref<128x128xf32, #tpu.memory_space<vmem>>) offsets(%arg6 : memref<128xi32, #tpu.memory_space<vmem>>) semaphore(%arg18 : memref<!tpu.dma_semaphore, #tpu.memory_space<semaphore_mem>>)
      %mul3A_328 = arith.constant 128 : i32
      %mul3A_329 = arith.muli %add3A_313, %mul3A_328 : i32
      %add3A_330 = arith.addi %mul3A_2, %mul3A_329 : i32
      %multiple_of3A_331 = tpu.assume_multiple %add3A_330, 8 : i32
      %dma_wait3A_332 = tpu.memref_slice %arg4[%multiple_of3A_331] : memref<320000xi32, #tpu.memory_space<hbm>> -> memref<128xi32, #tpu.memory_space<hbm>>
      %dma_wait3A_333 = tpu.memref_slice %arg4[%multiple_of3A_331] : memref<320000xi32, #tpu.memory_space<hbm>> -> memref<128xi32, #tpu.memory_space<hbm>>
      tpu.wait_dma2 semaphore(%arg25 : memref<!tpu.dma_semaphore, #tpu.memory_space<semaphore_mem>>) src(%dma_wait3A_333 : memref<128xi32, #tpu.memory_space<hbm>>) dst(%arg10 : memref<128xi32, #tpu.memory_space<vmem>>)
      %dma_start3A_334 = arith.constant 0 : i32
      %dma_start3A_335 = arith.constant 0 : i32
      %dma_start3A_336 = tpu.memref_slice %arg17[%dma_start3A_334, %dma_start3A_335] : memref<10112x128xf32, #tpu.memory_space<vmem_shared>> -> memref<10112x128xf32, #tpu.memory_space<vmem_shared>>
      tpu.enqueue_indirect_dma source(%arg15 : memref<128x128xf32, #tpu.memory_space<vmem>>) target(%dma_start3A_336 : memref<10112x128xf32, #tpu.memory_space<vmem_shared>>) offsets(%arg10 : memref<128xi32, #tpu.memory_space<vmem>>) semaphore(%arg27 : memref<!tpu.dma_semaphore, #tpu.memory_space<semaphore_mem>>) {add = true}
      %add3A_337 = arith.constant 2 : i32
      %add3A_338 = arith.addi %add3A_313, %add3A_337 : i32
      %mul3A_339 = arith.constant 128 : i32
      %mul3A_340 = arith.muli %add3A_338, %mul3A_339 : i32
      %add3A_341 = arith.addi %mul3A_2, %mul3A_340 : i32
      %multiple_of3A_342 = tpu.assume_multiple %add3A_341, 8 : i32
      %dma_start3A_343 = tpu.memref_slice %arg4[%multiple_of3A_342] : memref<320000xi32, #tpu.memory_space<hbm>> -> memref<128xi32, #tpu.memory_space<hbm>>
      %dma_start3A_344 = tpu.memref_slice %arg4[%multiple_of3A_342] : memref<320000xi32, #tpu.memory_space<hbm>> -> memref<128xi32, #tpu.memory_space<hbm>>
      tpu.enqueue_dma source(%dma_start3A_344 : memref<128xi32, #tpu.memory_space<hbm>>) target(%arg9 : memref<128xi32, #tpu.memory_space<vmem>>) target_semaphore(%arg24 : memref<!tpu.dma_semaphore, #tpu.memory_space<semaphore_mem>>)
      %dma_wait3A_345 = arith.constant 0 : i32
      %dma_wait3A_346 = arith.constant 0 : i32
      %dma_wait3A_347 = tpu.memref_slice %arg2[%dma_wait3A_345, %dma_wait3A_346] : memref<10000x128xf32, #tpu.memory_space<hbm>> -> memref<10000x128xf32, #tpu.memory_space<hbm>>
      tpu.wait_indirect_dma semaphore(%arg20 : memref<!tpu.dma_semaphore, #tpu.memory_space<semaphore_mem>>) src(%dma_wait3A_347 : memref<10000x128xf32, #tpu.memory_space<hbm>>) dst(%arg16 : memref<128x128xf32, #tpu.memory_space<vmem>>)
      %add3A_348 = arith.constant 4 : i32
      %add3A_349 = arith.addi %add3A_313, %add3A_348 : i32
      %mul3A_350 = arith.constant 128 : i32
      %mul3A_351 = arith.muli %add3A_349, %mul3A_350 : i32
      %add3A_352 = arith.addi %mul3A_2, %mul3A_351 : i32
      %multiple_of3A_353 = tpu.assume_multiple %add3A_352, 8 : i32
      %dma_start3A_354 = tpu.memref_slice %arg3[%multiple_of3A_353] : memref<320000xi32, #tpu.memory_space<hbm>> -> memref<128xi32, #tpu.memory_space<hbm>>
      %dma_start3A_355 = tpu.memref_slice %arg3[%multiple_of3A_353] : memref<320000xi32, #tpu.memory_space<hbm>> -> memref<128xi32, #tpu.memory_space<hbm>>
      tpu.enqueue_dma source(%dma_start3A_355 : memref<128xi32, #tpu.memory_space<hbm>>) target(%arg8 : memref<128xi32, #tpu.memory_space<vmem>>) target_semaphore(%arg23 : memref<!tpu.dma_semaphore, #tpu.memory_space<semaphore_mem>>)
      %mul3A_356 = arith.constant 3 : i32
      %mul3A_357 = arith.muli %scan3A_307, %mul3A_356 : i32
      %add3A_358 = arith.constant 1 : i32
      %add3A_359 = arith.addi %add3A_358, %mul3A_357 : i32
      %add3A_360 = arith.constant 1 : i32
      %add3A_361 = arith.addi %add3A_359, %add3A_360 : i32
      %add3A_362 = arith.constant 2 : i32
      %add3A_363 = arith.addi %add3A_361, %add3A_362 : i32
      %mul3A_364 = arith.constant 128 : i32
      %mul3A_365 = arith.muli %add3A_363, %mul3A_364 : i32
      %add3A_366 = arith.addi %mul3A_2, %mul3A_365 : i32
      %multiple_of3A_367 = tpu.assume_multiple %add3A_366, 8 : i32
      %dma_wait3A_368 = tpu.memref_slice %arg3[%multiple_of3A_367] : memref<320000xi32, #tpu.memory_space<hbm>> -> memref<128xi32, #tpu.memory_space<hbm>>
      %dma_wait3A_369 = tpu.memref_slice %arg3[%multiple_of3A_367] : memref<320000xi32, #tpu.memory_space<hbm>> -> memref<128xi32, #tpu.memory_space<hbm>>
      tpu.wait_dma2 semaphore(%arg22 : memref<!tpu.dma_semaphore, #tpu.memory_space<semaphore_mem>>) src(%dma_wait3A_369 : memref<128xi32, #tpu.memory_space<hbm>>) dst(%arg7 : memref<128xi32, #tpu.memory_space<vmem>>)
      %dma_wait3A_370 = arith.constant 0 : i32
      %dma_wait3A_371 = arith.constant 0 : i32
      %dma_wait3A_372 = tpu.memref_slice %arg17[%dma_wait3A_370, %dma_wait3A_371] : memref<10112x128xf32, #tpu.memory_space<vmem_shared>> -> memref<10112x128xf32, #tpu.memory_space<vmem_shared>>
      tpu.wait_indirect_dma semaphore(%arg27 : memref<!tpu.dma_semaphore, #tpu.memory_space<semaphore_mem>>) src(%arg15 : memref<128x128xf32, #tpu.memory_space<vmem>>) dst(%dma_wait3A_372 : memref<10112x128xf32, #tpu.memory_space<vmem_shared>>)
      %dma_start3A_373 = arith.constant 0 : i32
      %dma_start3A_374 = arith.constant 0 : i32
      %dma_start3A_375 = tpu.memref_slice %arg2[%dma_start3A_373, %dma_start3A_374] : memref<10000x128xf32, #tpu.memory_space<hbm>> -> memref<10000x128xf32, #tpu.memory_space<hbm>>
      tpu.enqueue_indirect_dma source(%dma_start3A_375 : memref<10000x128xf32, #tpu.memory_space<hbm>>) target(%arg15 : memref<128x128xf32, #tpu.memory_space<vmem>>) offsets(%arg7 : memref<128xi32, #tpu.memory_space<vmem>>) semaphore(%arg19 : memref<!tpu.dma_semaphore, #tpu.memory_space<semaphore_mem>>)
      %mul3A_376 = arith.constant 128 : i32
      %mul3A_377 = arith.muli %add3A_361, %mul3A_376 : i32
      %add3A_378 = arith.addi %mul3A_2, %mul3A_377 : i32
      %multiple_of3A_379 = tpu.assume_multiple %add3A_378, 8 : i32
      %dma_wait3A_380 = tpu.memref_slice %arg4[%multiple_of3A_379] : memref<320000xi32, #tpu.memory_space<hbm>> -> memref<128xi32, #tpu.memory_space<hbm>>
      %dma_wait3A_381 = tpu.memref_slice %arg4[%multiple_of3A_379] : memref<320000xi32, #tpu.memory_space<hbm>> -> memref<128xi32, #tpu.memory_space<hbm>>
      tpu.wait_dma2 semaphore(%arg26 : memref<!tpu.dma_semaphore, #tpu.memory_space<semaphore_mem>>) src(%dma_wait3A_381 : memref<128xi32, #tpu.memory_space<hbm>>) dst(%arg11 : memref<128xi32, #tpu.memory_space<vmem>>)
      %dma_start3A_382 = arith.constant 0 : i32
      %dma_start3A_383 = arith.constant 0 : i32
      %dma_start3A_384 = tpu.memref_slice %arg17[%dma_start3A_382, %dma_start3A_383] : memref<10112x128xf32, #tpu.memory_space<vmem_shared>> -> memref<10112x128xf32, #tpu.memory_space<vmem_shared>>
      tpu.enqueue_indirect_dma source(%arg16 : memref<128x128xf32, #tpu.memory_space<vmem>>) target(%dma_start3A_384 : memref<10112x128xf32, #tpu.memory_space<vmem_shared>>) offsets(%arg11 : memref<128xi32, #tpu.memory_space<vmem>>) semaphore(%arg27 : memref<!tpu.dma_semaphore, #tpu.memory_space<semaphore_mem>>) {add = true}
      %add3A_385 = arith.constant 2 : i32
      %add3A_386 = arith.addi %add3A_361, %add3A_385 : i32
      %mul3A_387 = arith.constant 128 : i32
      %mul3A_388 = arith.muli %add3A_386, %mul3A_387 : i32
      %add3A_389 = arith.addi %mul3A_2, %mul3A_388 : i32
      %multiple_of3A_390 = tpu.assume_multiple %add3A_389, 8 : i32
      %dma_start3A_391 = tpu.memref_slice %arg4[%multiple_of3A_390] : memref<320000xi32, #tpu.memory_space<hbm>> -> memref<128xi32, #tpu.memory_space<hbm>>
      %dma_start3A_392 = tpu.memref_slice %arg4[%multiple_of3A_390] : memref<320000xi32, #tpu.memory_space<hbm>> -> memref<128xi32, #tpu.memory_space<hbm>>
      tpu.enqueue_dma source(%dma_start3A_392 : memref<128xi32, #tpu.memory_space<hbm>>) target(%arg10 : memref<128xi32, #tpu.memory_space<vmem>>) target_semaphore(%arg25 : memref<!tpu.dma_semaphore, #tpu.memory_space<semaphore_mem>>)
      %dma_wait3A_393 = arith.constant 0 : i32
      %dma_wait3A_394 = arith.constant 0 : i32
      %dma_wait3A_395 = tpu.memref_slice %arg2[%dma_wait3A_393, %dma_wait3A_394] : memref<10000x128xf32, #tpu.memory_space<hbm>> -> memref<10000x128xf32, #tpu.memory_space<hbm>>
      tpu.wait_indirect_dma semaphore(%arg18 : memref<!tpu.dma_semaphore, #tpu.memory_space<semaphore_mem>>) src(%dma_wait3A_395 : memref<10000x128xf32, #tpu.memory_space<hbm>>) dst(%arg14 : memref<128x128xf32, #tpu.memory_space<vmem>>)
      %add3A_396 = arith.constant 4 : i32
      %add3A_397 = arith.addi %add3A_361, %add3A_396 : i32
      %mul3A_398 = arith.constant 128 : i32
      %mul3A_399 = arith.muli %add3A_397, %mul3A_398 : i32
      %add3A_400 = arith.addi %mul3A_2, %mul3A_399 : i32
      %multiple_of3A_401 = tpu.assume_multiple %add3A_400, 8 : i32
      %dma_start3A_402 = tpu.memref_slice %arg3[%multiple_of3A_401] : memref<320000xi32, #tpu.memory_space<hbm>> -> memref<128xi32, #tpu.memory_space<hbm>>
      %dma_start3A_403 = tpu.memref_slice %arg3[%multiple_of3A_401] : memref<320000xi32, #tpu.memory_space<hbm>> -> memref<128xi32, #tpu.memory_space<hbm>>
      tpu.enqueue_dma source(%dma_start3A_403 : memref<128xi32, #tpu.memory_space<hbm>>) target(%arg6 : memref<128xi32, #tpu.memory_space<vmem>>) target_semaphore(%arg21 : memref<!tpu.dma_semaphore, #tpu.memory_space<semaphore_mem>>)
      %mul3A_404 = arith.constant 3 : i32
      %mul3A_405 = arith.muli %scan3A_307, %mul3A_404 : i32
      %add3A_406 = arith.constant 1 : i32
      %add3A_407 = arith.addi %add3A_406, %mul3A_405 : i32
      %add3A_408 = arith.constant 2 : i32
      %add3A_409 = arith.addi %add3A_407, %add3A_408 : i32
      %add3A_410 = arith.constant 2 : i32
      %add3A_411 = arith.addi %add3A_409, %add3A_410 : i32
      %mul3A_412 = arith.constant 128 : i32
      %mul3A_413 = arith.muli %add3A_411, %mul3A_412 : i32
      %add3A_414 = arith.addi %mul3A_2, %mul3A_413 : i32
      %multiple_of3A_415 = tpu.assume_multiple %add3A_414, 8 : i32
      %dma_wait3A_416 = tpu.memref_slice %arg3[%multiple_of3A_415] : memref<320000xi32, #tpu.memory_space<hbm>> -> memref<128xi32, #tpu.memory_space<hbm>>
      %dma_wait3A_417 = tpu.memref_slice %arg3[%multiple_of3A_415] : memref<320000xi32, #tpu.memory_space<hbm>> -> memref<128xi32, #tpu.memory_space<hbm>>
      tpu.wait_dma2 semaphore(%arg23 : memref<!tpu.dma_semaphore, #tpu.memory_space<semaphore_mem>>) src(%dma_wait3A_417 : memref<128xi32, #tpu.memory_space<hbm>>) dst(%arg8 : memref<128xi32, #tpu.memory_space<vmem>>)
      %dma_wait3A_418 = arith.constant 0 : i32
      %dma_wait3A_419 = arith.constant 0 : i32
      %dma_wait3A_420 = tpu.memref_slice %arg17[%dma_wait3A_418, %dma_wait3A_419] : memref<10112x128xf32, #tpu.memory_space<vmem_shared>> -> memref<10112x128xf32, #tpu.memory_space<vmem_shared>>
      tpu.wait_indirect_dma semaphore(%arg27 : memref<!tpu.dma_semaphore, #tpu.memory_space<semaphore_mem>>) src(%arg16 : memref<128x128xf32, #tpu.memory_space<vmem>>) dst(%dma_wait3A_420 : memref<10112x128xf32, #tpu.memory_space<vmem_shared>>)
      %dma_start3A_421 = arith.constant 0 : i32
      %dma_start3A_422 = arith.constant 0 : i32
      %dma_start3A_423 = tpu.memref_slice %arg2[%dma_start3A_421, %dma_start3A_422] : memref<10000x128xf32, #tpu.memory_space<hbm>> -> memref<10000x128xf32, #tpu.memory_space<hbm>>
      tpu.enqueue_indirect_dma source(%dma_start3A_423 : memref<10000x128xf32, #tpu.memory_space<hbm>>) target(%arg16 : memref<128x128xf32, #tpu.memory_space<vmem>>) offsets(%arg8 : memref<128xi32, #tpu.memory_space<vmem>>) semaphore(%arg20 : memref<!tpu.dma_semaphore, #tpu.memory_space<semaphore_mem>>)
      %mul3A_424 = arith.constant 128 : i32
      %mul3A_425 = arith.muli %add3A_409, %mul3A_424 : i32
      %add3A_426 = arith.addi %mul3A_2, %mul3A_425 : i32
      %multiple_of3A_427 = tpu.assume_multiple %add3A_426, 8 : i32
      %dma_wait3A_428 = tpu.memref_slice %arg4[%multiple_of3A_427] : memref<320000xi32, #tpu.memory_space<hbm>> -> memref<128xi32, #tpu.memory_space<hbm>>
      %dma_wait3A_429 = tpu.memref_slice %arg4[%multiple_of3A_427] : memref<320000xi32, #tpu.memory_space<hbm>> -> memref<128xi32, #tpu.memory_space<hbm>>
      tpu.wait_dma2 semaphore(%arg24 : memref<!tpu.dma_semaphore, #tpu.memory_space<semaphore_mem>>) src(%dma_wait3A_429 : memref<128xi32, #tpu.memory_space<hbm>>) dst(%arg9 : memref<128xi32, #tpu.memory_space<vmem>>)
      %dma_start3A_430 = arith.constant 0 : i32
      %dma_start3A_431 = arith.constant 0 : i32
      %dma_start3A_432 = tpu.memref_slice %arg17[%dma_start3A_430, %dma_start3A_431] : memref<10112x128xf32, #tpu.memory_space<vmem_shared>> -> memref<10112x128xf32, #tpu.memory_space<vmem_shared>>
      tpu.enqueue_indirect_dma source(%arg14 : memref<128x128xf32, #tpu.memory_space<vmem>>) target(%dma_start3A_432 : memref<10112x128xf32, #tpu.memory_space<vmem_shared>>) offsets(%arg9 : memref<128xi32, #tpu.memory_space<vmem>>) semaphore(%arg27 : memref<!tpu.dma_semaphore, #tpu.memory_space<semaphore_mem>>) {add = true}
      %add3A_433 = arith.constant 2 : i32
      %add3A_434 = arith.addi %add3A_409, %add3A_433 : i32
      %mul3A_435 = arith.constant 128 : i32
      %mul3A_436 = arith.muli %add3A_434, %mul3A_435 : i32
      %add3A_437 = arith.addi %mul3A_2, %mul3A_436 : i32
      %multiple_of3A_438 = tpu.assume_multiple %add3A_437, 8 : i32
      %dma_start3A_439 = tpu.memref_slice %arg4[%multiple_of3A_438] : memref<320000xi32, #tpu.memory_space<hbm>> -> memref<128xi32, #tpu.memory_space<hbm>>
      %dma_start3A_440 = tpu.memref_slice %arg4[%multiple_of3A_438] : memref<320000xi32, #tpu.memory_space<hbm>> -> memref<128xi32, #tpu.memory_space<hbm>>
      tpu.enqueue_dma source(%dma_start3A_440 : memref<128xi32, #tpu.memory_space<hbm>>) target(%arg11 : memref<128xi32, #tpu.memory_space<vmem>>) target_semaphore(%arg26 : memref<!tpu.dma_semaphore, #tpu.memory_space<semaphore_mem>>)
      %dma_wait3A_441 = arith.constant 0 : i32
      %dma_wait3A_442 = arith.constant 0 : i32
      %dma_wait3A_443 = tpu.memref_slice %arg2[%dma_wait3A_441, %dma_wait3A_442] : memref<10000x128xf32, #tpu.memory_space<hbm>> -> memref<10000x128xf32, #tpu.memory_space<hbm>>
      tpu.wait_indirect_dma semaphore(%arg19 : memref<!tpu.dma_semaphore, #tpu.memory_space<semaphore_mem>>) src(%dma_wait3A_443 : memref<10000x128xf32, #tpu.memory_space<hbm>>) dst(%arg15 : memref<128x128xf32, #tpu.memory_space<vmem>>)
      %add3A_444 = arith.constant 4 : i32
      %add3A_445 = arith.addi %add3A_409, %add3A_444 : i32
      %mul3A_446 = arith.constant 128 : i32
      %mul3A_447 = arith.muli %add3A_445, %mul3A_446 : i32
      %add3A_448 = arith.addi %mul3A_2, %mul3A_447 : i32
      %multiple_of3A_449 = tpu.assume_multiple %add3A_448, 8 : i32
      %dma_start3A_450 = tpu.memref_slice %arg3[%multiple_of3A_449] : memref<320000xi32, #tpu.memory_space<hbm>> -> memref<128xi32, #tpu.memory_space<hbm>>
      %dma_start3A_451 = tpu.memref_slice %arg3[%multiple_of3A_449] : memref<320000xi32, #tpu.memory_space<hbm>> -> memref<128xi32, #tpu.memory_space<hbm>>
      tpu.enqueue_dma source(%dma_start3A_451 : memref<128xi32, #tpu.memory_space<hbm>>) target(%arg7 : memref<128xi32, #tpu.memory_space<vmem>>) target_semaphore(%arg22 : memref<!tpu.dma_semaphore, #tpu.memory_space<semaphore_mem>>)
    }
    %scan3A_161 = arith.constant 24 : i32
    %add3A_162 = arith.constant 9600 : i32
    %add3A_163 = arith.addi %mul3A_2, %add3A_162 : i32
    %multiple_of3A_164 = tpu.assume_multiple %add3A_163, 8 : i32
    %dma_wait3A_165 = tpu.memref_slice %arg3[%multiple_of3A_164] : memref<320000xi32, #tpu.memory_space<hbm>> -> memref<128xi32, #tpu.memory_space<hbm>>
    %dma_wait3A_166 = tpu.memref_slice %arg3[%multiple_of3A_164] : memref<320000xi32, #tpu.memory_space<hbm>> -> memref<128xi32, #tpu.memory_space<hbm>>
    tpu.wait_dma2 semaphore(%arg21 : memref<!tpu.dma_semaphore, #tpu.memory_space<semaphore_mem>>) src(%dma_wait3A_166 : memref<128xi32, #tpu.memory_space<hbm>>) dst(%arg6 : memref<128xi32, #tpu.memory_space<vmem>>)
    %dma_wait3A_167 = arith.constant 0 : i32
    %dma_wait3A_168 = arith.constant 0 : i32
    %dma_wait3A_169 = tpu.memref_slice %arg17[%dma_wait3A_167, %dma_wait3A_168] : memref<10112x128xf32, #tpu.memory_space<vmem_shared>> -> memref<10112x128xf32, #tpu.memory_space<vmem_shared>>
    tpu.wait_indirect_dma semaphore(%arg27 : memref<!tpu.dma_semaphore, #tpu.memory_space<semaphore_mem>>) src(%arg14 : memref<128x128xf32, #tpu.memory_space<vmem>>) dst(%dma_wait3A_169 : memref<10112x128xf32, #tpu.memory_space<vmem_shared>>)
    %dma_start3A_170 = arith.constant 0 : i32
    %dma_start3A_171 = arith.constant 0 : i32
    %dma_start3A_172 = tpu.memref_slice %arg2[%dma_start3A_170, %dma_start3A_171] : memref<10000x128xf32, #tpu.memory_space<hbm>> -> memref<10000x128xf32, #tpu.memory_space<hbm>>
    tpu.enqueue_indirect_dma source(%dma_start3A_172 : memref<10000x128xf32, #tpu.memory_space<hbm>>) target(%arg14 : memref<128x128xf32, #tpu.memory_space<vmem>>) offsets(%arg6 : memref<128xi32, #tpu.memory_space<vmem>>) semaphore(%arg18 : memref<!tpu.dma_semaphore, #tpu.memory_space<semaphore_mem>>)
    %add3A_173 = arith.constant 9344 : i32
    %add3A_174 = arith.addi %mul3A_2, %add3A_173 : i32
    %multiple_of3A_175 = tpu.assume_multiple %add3A_174, 8 : i32
    %dma_wait3A_176 = tpu.memref_slice %arg4[%multiple_of3A_175] : memref<320000xi32, #tpu.memory_space<hbm>> -> memref<128xi32, #tpu.memory_space<hbm>>
    %dma_wait3A_177 = tpu.memref_slice %arg4[%multiple_of3A_175] : memref<320000xi32, #tpu.memory_space<hbm>> -> memref<128xi32, #tpu.memory_space<hbm>>
    tpu.wait_dma2 semaphore(%arg25 : memref<!tpu.dma_semaphore, #tpu.memory_space<semaphore_mem>>) src(%dma_wait3A_177 : memref<128xi32, #tpu.memory_space<hbm>>) dst(%arg10 : memref<128xi32, #tpu.memory_space<vmem>>)
    %dma_start3A_178 = arith.constant 0 : i32
    %dma_start3A_179 = arith.constant 0 : i32
    %dma_start3A_180 = tpu.memref_slice %arg17[%dma_start3A_178, %dma_start3A_179] : memref<10112x128xf32, #tpu.memory_space<vmem_shared>> -> memref<10112x128xf32, #tpu.memory_space<vmem_shared>>
    tpu.enqueue_indirect_dma source(%arg15 : memref<128x128xf32, #tpu.memory_space<vmem>>) target(%dma_start3A_180 : memref<10112x128xf32, #tpu.memory_space<vmem_shared>>) offsets(%arg10 : memref<128xi32, #tpu.memory_space<vmem>>) semaphore(%arg27 : memref<!tpu.dma_semaphore, #tpu.memory_space<semaphore_mem>>) {add = true}
    %add3A_181 = arith.constant 9600 : i32
    %add3A_182 = arith.addi %mul3A_2, %add3A_181 : i32
    %multiple_of3A_183 = tpu.assume_multiple %add3A_182, 8 : i32
    %dma_start3A_184 = tpu.memref_slice %arg4[%multiple_of3A_183] : memref<320000xi32, #tpu.memory_space<hbm>> -> memref<128xi32, #tpu.memory_space<hbm>>
    %dma_start3A_185 = tpu.memref_slice %arg4[%multiple_of3A_183] : memref<320000xi32, #tpu.memory_space<hbm>> -> memref<128xi32, #tpu.memory_space<hbm>>
    tpu.enqueue_dma source(%dma_start3A_185 : memref<128xi32, #tpu.memory_space<hbm>>) target(%arg9 : memref<128xi32, #tpu.memory_space<vmem>>) target_semaphore(%arg24 : memref<!tpu.dma_semaphore, #tpu.memory_space<semaphore_mem>>)
    %dma_wait3A_186 = arith.constant 0 : i32
    %dma_wait3A_187 = arith.constant 0 : i32
    %dma_wait3A_188 = tpu.memref_slice %arg2[%dma_wait3A_186, %dma_wait3A_187] : memref<10000x128xf32, #tpu.memory_space<hbm>> -> memref<10000x128xf32, #tpu.memory_space<hbm>>
    tpu.wait_indirect_dma semaphore(%arg20 : memref<!tpu.dma_semaphore, #tpu.memory_space<semaphore_mem>>) src(%dma_wait3A_188 : memref<10000x128xf32, #tpu.memory_space<hbm>>) dst(%arg16 : memref<128x128xf32, #tpu.memory_space<vmem>>)
    %add3A_189 = arith.constant 9856 : i32
    %add3A_190 = arith.addi %mul3A_2, %add3A_189 : i32
    %multiple_of3A_191 = tpu.assume_multiple %add3A_190, 8 : i32
    %dma_start3A_192 = tpu.memref_slice %arg3[%multiple_of3A_191] : memref<320000xi32, #tpu.memory_space<hbm>> -> memref<128xi32, #tpu.memory_space<hbm>>
    %dma_start3A_193 = tpu.memref_slice %arg3[%multiple_of3A_191] : memref<320000xi32, #tpu.memory_space<hbm>> -> memref<128xi32, #tpu.memory_space<hbm>>
    tpu.enqueue_dma source(%dma_start3A_193 : memref<128xi32, #tpu.memory_space<hbm>>) target(%arg8 : memref<128xi32, #tpu.memory_space<vmem>>) target_semaphore(%arg23 : memref<!tpu.dma_semaphore, #tpu.memory_space<semaphore_mem>>)
    %add3A_194 = arith.constant 9984 : i32
    %add3A_195 = arith.addi %mul3A_2, %add3A_194 : i32
    %multiple_of3A_196 = tpu.assume_multiple %add3A_195, 8 : i32
    %dma_start3A_197 = tpu.memref_slice %arg3[%multiple_of3A_196] : memref<320000xi32, #tpu.memory_space<hbm>> -> memref<16xi32, #tpu.memory_space<hbm>>
    %dma_start3A_198 = tpu.memref_slice %arg3[%multiple_of3A_196] : memref<320000xi32, #tpu.memory_space<hbm>> -> memref<16xi32, #tpu.memory_space<hbm>>
    tpu.enqueue_dma source(%dma_start3A_198 : memref<16xi32, #tpu.memory_space<hbm>>) target(%arg12 : memref<16xi32, #tpu.memory_space<vmem>>) target_semaphore(%arg21 : memref<!tpu.dma_semaphore, #tpu.memory_space<semaphore_mem>>)
    %dma_start3A_199 = tpu.memref_slice %arg4[%multiple_of3A_196] : memref<320000xi32, #tpu.memory_space<hbm>> -> memref<16xi32, #tpu.memory_space<hbm>>
    %dma_start3A_200 = tpu.memref_slice %arg4[%multiple_of3A_196] : memref<320000xi32, #tpu.memory_space<hbm>> -> memref<16xi32, #tpu.memory_space<hbm>>
    tpu.enqueue_dma source(%dma_start3A_200 : memref<16xi32, #tpu.memory_space<hbm>>) target(%arg13 : memref<16xi32, #tpu.memory_space<vmem>>) target_semaphore(%arg24 : memref<!tpu.dma_semaphore, #tpu.memory_space<semaphore_mem>>)
    %add3A_201 = arith.constant 9728 : i32
    %add3A_202 = arith.addi %mul3A_2, %add3A_201 : i32
    %multiple_of3A_203 = tpu.assume_multiple %add3A_202, 8 : i32
    %dma_wait3A_204 = tpu.memref_slice %arg3[%multiple_of3A_203] : memref<320000xi32, #tpu.memory_space<hbm>> -> memref<128xi32, #tpu.memory_space<hbm>>
    %dma_wait3A_205 = tpu.memref_slice %arg3[%multiple_of3A_203] : memref<320000xi32, #tpu.memory_space<hbm>> -> memref<128xi32, #tpu.memory_space<hbm>>
    tpu.wait_dma2 semaphore(%arg22 : memref<!tpu.dma_semaphore, #tpu.memory_space<semaphore_mem>>) src(%dma_wait3A_205 : memref<128xi32, #tpu.memory_space<hbm>>) dst(%arg7 : memref<128xi32, #tpu.memory_space<vmem>>)
    %dma_wait3A_206 = arith.constant 0 : i32
    %dma_wait3A_207 = arith.constant 0 : i32
    %dma_wait3A_208 = tpu.memref_slice %arg17[%dma_wait3A_206, %dma_wait3A_207] : memref<10112x128xf32, #tpu.memory_space<vmem_shared>> -> memref<10112x128xf32, #tpu.memory_space<vmem_shared>>
    tpu.wait_indirect_dma semaphore(%arg27 : memref<!tpu.dma_semaphore, #tpu.memory_space<semaphore_mem>>) src(%arg15 : memref<128x128xf32, #tpu.memory_space<vmem>>) dst(%dma_wait3A_208 : memref<10112x128xf32, #tpu.memory_space<vmem_shared>>)
    %dma_start3A_209 = arith.constant 0 : i32
    %dma_start3A_210 = arith.constant 0 : i32
    %dma_start3A_211 = tpu.memref_slice %arg2[%dma_start3A_209, %dma_start3A_210] : memref<10000x128xf32, #tpu.memory_space<hbm>> -> memref<10000x128xf32, #tpu.memory_space<hbm>>
    tpu.enqueue_indirect_dma source(%dma_start3A_211 : memref<10000x128xf32, #tpu.memory_space<hbm>>) target(%arg15 : memref<128x128xf32, #tpu.memory_space<vmem>>) offsets(%arg7 : memref<128xi32, #tpu.memory_space<vmem>>) semaphore(%arg19 : memref<!tpu.dma_semaphore, #tpu.memory_space<semaphore_mem>>)
    %add3A_212 = arith.constant 9472 : i32
    %add3A_213 = arith.addi %mul3A_2, %add3A_212 : i32
    %multiple_of3A_214 = tpu.assume_multiple %add3A_213, 8 : i32
    %dma_wait3A_215 = tpu.memref_slice %arg4[%multiple_of3A_214] : memref<320000xi32, #tpu.memory_space<hbm>> -> memref<128xi32, #tpu.memory_space<hbm>>
    %dma_wait3A_216 = tpu.memref_slice %arg4[%multiple_of3A_214] : memref<320000xi32, #tpu.memory_space<hbm>> -> memref<128xi32, #tpu.memory_space<hbm>>
    tpu.wait_dma2 semaphore(%arg26 : memref<!tpu.dma_semaphore, #tpu.memory_space<semaphore_mem>>) src(%dma_wait3A_216 : memref<128xi32, #tpu.memory_space<hbm>>) dst(%arg11 : memref<128xi32, #tpu.memory_space<vmem>>)
    %dma_start3A_217 = arith.constant 0 : i32
    %dma_start3A_218 = arith.constant 0 : i32
    %dma_start3A_219 = tpu.memref_slice %arg17[%dma_start3A_217, %dma_start3A_218] : memref<10112x128xf32, #tpu.memory_space<vmem_shared>> -> memref<10112x128xf32, #tpu.memory_space<vmem_shared>>
    tpu.enqueue_indirect_dma source(%arg16 : memref<128x128xf32, #tpu.memory_space<vmem>>) target(%dma_start3A_219 : memref<10112x128xf32, #tpu.memory_space<vmem_shared>>) offsets(%arg11 : memref<128xi32, #tpu.memory_space<vmem>>) semaphore(%arg27 : memref<!tpu.dma_semaphore, #tpu.memory_space<semaphore_mem>>) {add = true}
    %add3A_220 = arith.constant 9728 : i32
    %add3A_221 = arith.addi %mul3A_2, %add3A_220 : i32
    %multiple_of3A_222 = tpu.assume_multiple %add3A_221, 8 : i32
    %dma_start3A_223 = tpu.memref_slice %arg4[%multiple_of3A_222] : memref<320000xi32, #tpu.memory_space<hbm>> -> memref<128xi32, #tpu.memory_space<hbm>>
    %dma_start3A_224 = tpu.memref_slice %arg4[%multiple_of3A_222] : memref<320000xi32, #tpu.memory_space<hbm>> -> memref<128xi32, #tpu.memory_space<hbm>>
    tpu.enqueue_dma source(%dma_start3A_224 : memref<128xi32, #tpu.memory_space<hbm>>) target(%arg10 : memref<128xi32, #tpu.memory_space<vmem>>) target_semaphore(%arg25 : memref<!tpu.dma_semaphore, #tpu.memory_space<semaphore_mem>>)
    %dma_wait3A_225 = arith.constant 0 : i32
    %dma_wait3A_226 = arith.constant 0 : i32
    %dma_wait3A_227 = tpu.memref_slice %arg2[%dma_wait3A_225, %dma_wait3A_226] : memref<10000x128xf32, #tpu.memory_space<hbm>> -> memref<10000x128xf32, #tpu.memory_space<hbm>>
    tpu.wait_indirect_dma semaphore(%arg18 : memref<!tpu.dma_semaphore, #tpu.memory_space<semaphore_mem>>) src(%dma_wait3A_227 : memref<10000x128xf32, #tpu.memory_space<hbm>>) dst(%arg14 : memref<128x128xf32, #tpu.memory_space<vmem>>)
    %add3A_228 = arith.constant 9856 : i32
    %add3A_229 = arith.addi %mul3A_2, %add3A_228 : i32
    %multiple_of3A_230 = tpu.assume_multiple %add3A_229, 8 : i32
    %dma_wait3A_231 = tpu.memref_slice %arg3[%multiple_of3A_230] : memref<320000xi32, #tpu.memory_space<hbm>> -> memref<128xi32, #tpu.memory_space<hbm>>
    %dma_wait3A_232 = tpu.memref_slice %arg3[%multiple_of3A_230] : memref<320000xi32, #tpu.memory_space<hbm>> -> memref<128xi32, #tpu.memory_space<hbm>>
    tpu.wait_dma2 semaphore(%arg23 : memref<!tpu.dma_semaphore, #tpu.memory_space<semaphore_mem>>) src(%dma_wait3A_232 : memref<128xi32, #tpu.memory_space<hbm>>) dst(%arg8 : memref<128xi32, #tpu.memory_space<vmem>>)
    %dma_wait3A_233 = arith.constant 0 : i32
    %dma_wait3A_234 = arith.constant 0 : i32
    %dma_wait3A_235 = tpu.memref_slice %arg17[%dma_wait3A_233, %dma_wait3A_234] : memref<10112x128xf32, #tpu.memory_space<vmem_shared>> -> memref<10112x128xf32, #tpu.memory_space<vmem_shared>>
    tpu.wait_indirect_dma semaphore(%arg27 : memref<!tpu.dma_semaphore, #tpu.memory_space<semaphore_mem>>) src(%arg16 : memref<128x128xf32, #tpu.memory_space<vmem>>) dst(%dma_wait3A_235 : memref<10112x128xf32, #tpu.memory_space<vmem_shared>>)
    %dma_start3A_236 = arith.constant 0 : i32
    %dma_start3A_237 = arith.constant 0 : i32
    %dma_start3A_238 = tpu.memref_slice %arg2[%dma_start3A_236, %dma_start3A_237] : memref<10000x128xf32, #tpu.memory_space<hbm>> -> memref<10000x128xf32, #tpu.memory_space<hbm>>
    tpu.enqueue_indirect_dma source(%dma_start3A_238 : memref<10000x128xf32, #tpu.memory_space<hbm>>) target(%arg16 : memref<128x128xf32, #tpu.memory_space<vmem>>) offsets(%arg8 : memref<128xi32, #tpu.memory_space<vmem>>) semaphore(%arg20 : memref<!tpu.dma_semaphore, #tpu.memory_space<semaphore_mem>>)
    %add3A_239 = arith.constant 9600 : i32
    %add3A_240 = arith.addi %mul3A_2, %add3A_239 : i32
    %multiple_of3A_241 = tpu.assume_multiple %add3A_240, 8 : i32
    %dma_wait3A_242 = tpu.memref_slice %arg4[%multiple_of3A_241] : memref<320000xi32, #tpu.memory_space<hbm>> -> memref<128xi32, #tpu.memory_space<hbm>>
    %dma_wait3A_243 = tpu.memref_slice %arg4[%multiple_of3A_241] : memref<320000xi32, #tpu.memory_space<hbm>> -> memref<128xi32, #tpu.memory_space<hbm>>
    tpu.wait_dma2 semaphore(%arg24 : memref<!tpu.dma_semaphore, #tpu.memory_space<semaphore_mem>>) src(%dma_wait3A_243 : memref<128xi32, #tpu.memory_space<hbm>>) dst(%arg9 : memref<128xi32, #tpu.memory_space<vmem>>)
    %dma_start3A_244 = arith.constant 0 : i32
    %dma_start3A_245 = arith.constant 0 : i32
    %dma_start3A_246 = tpu.memref_slice %arg17[%dma_start3A_244, %dma_start3A_245] : memref<10112x128xf32, #tpu.memory_space<vmem_shared>> -> memref<10112x128xf32, #tpu.memory_space<vmem_shared>>
    tpu.enqueue_indirect_dma source(%arg14 : memref<128x128xf32, #tpu.memory_space<vmem>>) target(%dma_start3A_246 : memref<10112x128xf32, #tpu.memory_space<vmem_shared>>) offsets(%arg9 : memref<128xi32, #tpu.memory_space<vmem>>) semaphore(%arg27 : memref<!tpu.dma_semaphore, #tpu.memory_space<semaphore_mem>>) {add = true}
    %add3A_247 = arith.constant 9856 : i32
    %add3A_248 = arith.addi %mul3A_2, %add3A_247 : i32
    %multiple_of3A_249 = tpu.assume_multiple %add3A_248, 8 : i32
    %dma_start3A_250 = tpu.memref_slice %arg4[%multiple_of3A_249] : memref<320000xi32, #tpu.memory_space<hbm>> -> memref<128xi32, #tpu.memory_space<hbm>>
    %dma_start3A_251 = tpu.memref_slice %arg4[%multiple_of3A_249] : memref<320000xi32, #tpu.memory_space<hbm>> -> memref<128xi32, #tpu.memory_space<hbm>>
    tpu.enqueue_dma source(%dma_start3A_251 : memref<128xi32, #tpu.memory_space<hbm>>) target(%arg11 : memref<128xi32, #tpu.memory_space<vmem>>) target_semaphore(%arg26 : memref<!tpu.dma_semaphore, #tpu.memory_space<semaphore_mem>>)
    %dma_wait3A_252 = arith.constant 0 : i32
    %dma_wait3A_253 = arith.constant 0 : i32
    %dma_wait3A_254 = tpu.memref_slice %arg2[%dma_wait3A_252, %dma_wait3A_253] : memref<10000x128xf32, #tpu.memory_space<hbm>> -> memref<10000x128xf32, #tpu.memory_space<hbm>>
    tpu.wait_indirect_dma semaphore(%arg19 : memref<!tpu.dma_semaphore, #tpu.memory_space<semaphore_mem>>) src(%dma_wait3A_254 : memref<10000x128xf32, #tpu.memory_space<hbm>>) dst(%arg15 : memref<128x128xf32, #tpu.memory_space<vmem>>)
    %dma_wait3A_255 = arith.constant 0 : i32
    %dma_wait3A_256 = arith.constant 0 : i32
    %dma_wait3A_257 = tpu.memref_slice %arg17[%dma_wait3A_255, %dma_wait3A_256] : memref<10112x128xf32, #tpu.memory_space<vmem_shared>> -> memref<10112x128xf32, #tpu.memory_space<vmem_shared>>
    tpu.wait_indirect_dma semaphore(%arg27 : memref<!tpu.dma_semaphore, #tpu.memory_space<semaphore_mem>>) src(%arg14 : memref<128x128xf32, #tpu.memory_space<vmem>>) dst(%dma_wait3A_257 : memref<10112x128xf32, #tpu.memory_space<vmem_shared>>)
    %add3A_258 = arith.constant 9728 : i32
    %add3A_259 = arith.addi %mul3A_2, %add3A_258 : i32
    %multiple_of3A_260 = tpu.assume_multiple %add3A_259, 8 : i32
    %dma_wait3A_261 = tpu.memref_slice %arg4[%multiple_of3A_260] : memref<320000xi32, #tpu.memory_space<hbm>> -> memref<128xi32, #tpu.memory_space<hbm>>
    %dma_wait3A_262 = tpu.memref_slice %arg4[%multiple_of3A_260] : memref<320000xi32, #tpu.memory_space<hbm>> -> memref<128xi32, #tpu.memory_space<hbm>>
    tpu.wait_dma2 semaphore(%arg25 : memref<!tpu.dma_semaphore, #tpu.memory_space<semaphore_mem>>) src(%dma_wait3A_262 : memref<128xi32, #tpu.memory_space<hbm>>) dst(%arg10 : memref<128xi32, #tpu.memory_space<vmem>>)
    %dma_start3A_263 = arith.constant 0 : i32
    %dma_start3A_264 = arith.constant 0 : i32
    %dma_start3A_265 = tpu.memref_slice %arg17[%dma_start3A_263, %dma_start3A_264] : memref<10112x128xf32, #tpu.memory_space<vmem_shared>> -> memref<10112x128xf32, #tpu.memory_space<vmem_shared>>
    tpu.enqueue_indirect_dma source(%arg15 : memref<128x128xf32, #tpu.memory_space<vmem>>) target(%dma_start3A_265 : memref<10112x128xf32, #tpu.memory_space<vmem_shared>>) offsets(%arg10 : memref<128xi32, #tpu.memory_space<vmem>>) semaphore(%arg27 : memref<!tpu.dma_semaphore, #tpu.memory_space<semaphore_mem>>) {add = true}
    %dma_wait3A_266 = arith.constant 0 : i32
    %dma_wait3A_267 = arith.constant 0 : i32
    %dma_wait3A_268 = tpu.memref_slice %arg2[%dma_wait3A_266, %dma_wait3A_267] : memref<10000x128xf32, #tpu.memory_space<hbm>> -> memref<10000x128xf32, #tpu.memory_space<hbm>>
    tpu.wait_indirect_dma semaphore(%arg20 : memref<!tpu.dma_semaphore, #tpu.memory_space<semaphore_mem>>) src(%dma_wait3A_268 : memref<10000x128xf32, #tpu.memory_space<hbm>>) dst(%arg16 : memref<128x128xf32, #tpu.memory_space<vmem>>)
    %dma_wait3A_269 = arith.constant 0 : i32
    %dma_wait3A_270 = arith.constant 0 : i32
    %dma_wait3A_271 = tpu.memref_slice %arg17[%dma_wait3A_269, %dma_wait3A_270] : memref<10112x128xf32, #tpu.memory_space<vmem_shared>> -> memref<10112x128xf32, #tpu.memory_space<vmem_shared>>
    tpu.wait_indirect_dma semaphore(%arg27 : memref<!tpu.dma_semaphore, #tpu.memory_space<semaphore_mem>>) src(%arg15 : memref<128x128xf32, #tpu.memory_space<vmem>>) dst(%dma_wait3A_271 : memref<10112x128xf32, #tpu.memory_space<vmem_shared>>)
    %add3A_272 = arith.constant 9856 : i32
    %add3A_273 = arith.addi %mul3A_2, %add3A_272 : i32
    %multiple_of3A_274 = tpu.assume_multiple %add3A_273, 8 : i32
    %dma_wait3A_275 = tpu.memref_slice %arg4[%multiple_of3A_274] : memref<320000xi32, #tpu.memory_space<hbm>> -> memref<128xi32, #tpu.memory_space<hbm>>
    %dma_wait3A_276 = tpu.memref_slice %arg4[%multiple_of3A_274] : memref<320000xi32, #tpu.memory_space<hbm>> -> memref<128xi32, #tpu.memory_space<hbm>>
    tpu.wait_dma2 semaphore(%arg26 : memref<!tpu.dma_semaphore, #tpu.memory_space<semaphore_mem>>) src(%dma_wait3A_276 : memref<128xi32, #tpu.memory_space<hbm>>) dst(%arg11 : memref<128xi32, #tpu.memory_space<vmem>>)
    %dma_start3A_277 = arith.constant 0 : i32
    %dma_start3A_278 = arith.constant 0 : i32
    %dma_start3A_279 = tpu.memref_slice %arg17[%dma_start3A_277, %dma_start3A_278] : memref<10112x128xf32, #tpu.memory_space<vmem_shared>> -> memref<10112x128xf32, #tpu.memory_space<vmem_shared>>
    tpu.enqueue_indirect_dma source(%arg16 : memref<128x128xf32, #tpu.memory_space<vmem>>) target(%dma_start3A_279 : memref<10112x128xf32, #tpu.memory_space<vmem_shared>>) offsets(%arg11 : memref<128xi32, #tpu.memory_space<vmem>>) semaphore(%arg27 : memref<!tpu.dma_semaphore, #tpu.memory_space<semaphore_mem>>) {add = true}
    %dma_wait3A_280 = tpu.memref_slice %arg3[%multiple_of3A_196] : memref<320000xi32, #tpu.memory_space<hbm>> -> memref<16xi32, #tpu.memory_space<hbm>>
    %dma_wait3A_281 = tpu.memref_slice %arg3[%multiple_of3A_196] : memref<320000xi32, #tpu.memory_space<hbm>> -> memref<16xi32, #tpu.memory_space<hbm>>
    tpu.wait_dma2 semaphore(%arg21 : memref<!tpu.dma_semaphore, #tpu.memory_space<semaphore_mem>>) src(%dma_wait3A_281 : memref<16xi32, #tpu.memory_space<hbm>>) dst(%arg12 : memref<16xi32, #tpu.memory_space<vmem>>)
    %dma_start3A_282 = arith.constant 0 : i32
    %dma_start3A_283 = arith.constant 0 : i32
    %dma_start3A_284 = tpu.memref_slice %arg14[%dma_start3A_282, %dma_start3A_283] : memref<128x128xf32, #tpu.memory_space<vmem>> -> memref<16x128xf32, #tpu.memory_space<vmem>>
    %dma_start3A_285 = arith.constant 0 : i32
    %dma_start3A_286 = arith.constant 0 : i32
    %dma_start3A_287 = tpu.memref_slice %arg2[%dma_start3A_285, %dma_start3A_286] : memref<10000x128xf32, #tpu.memory_space<hbm>> -> memref<10000x128xf32, #tpu.memory_space<hbm>>
    tpu.enqueue_indirect_dma source(%dma_start3A_287 : memref<10000x128xf32, #tpu.memory_space<hbm>>) target(%dma_start3A_284 : memref<16x128xf32, #tpu.memory_space<vmem>>) offsets(%arg12 : memref<16xi32, #tpu.memory_space<vmem>>) semaphore(%arg18 : memref<!tpu.dma_semaphore, #tpu.memory_space<semaphore_mem>>)
    %dma_wait3A_288 = tpu.memref_slice %arg4[%multiple_of3A_196] : memref<320000xi32, #tpu.memory_space<hbm>> -> memref<16xi32, #tpu.memory_space<hbm>>
    %dma_wait3A_289 = tpu.memref_slice %arg4[%multiple_of3A_196] : memref<320000xi32, #tpu.memory_space<hbm>> -> memref<16xi32, #tpu.memory_space<hbm>>
    tpu.wait_dma2 semaphore(%arg24 : memref<!tpu.dma_semaphore, #tpu.memory_space<semaphore_mem>>) src(%dma_wait3A_289 : memref<16xi32, #tpu.memory_space<hbm>>) dst(%arg13 : memref<16xi32, #tpu.memory_space<vmem>>)
    %dma_wait3A_290 = arith.constant 0 : i32
    %dma_wait3A_291 = arith.constant 0 : i32
    %dma_wait3A_292 = tpu.memref_slice %arg14[%dma_wait3A_290, %dma_wait3A_291] : memref<128x128xf32, #tpu.memory_space<vmem>> -> memref<16x128xf32, #tpu.memory_space<vmem>>
    %dma_wait3A_293 = arith.constant 0 : i32
    %dma_wait3A_294 = arith.constant 0 : i32
    %dma_wait3A_295 = tpu.memref_slice %arg2[%dma_wait3A_293, %dma_wait3A_294] : memref<10000x128xf32, #tpu.memory_space<hbm>> -> memref<10000x128xf32, #tpu.memory_space<hbm>>
    tpu.wait_indirect_dma semaphore(%arg18 : memref<!tpu.dma_semaphore, #tpu.memory_space<semaphore_mem>>) src(%dma_wait3A_295 : memref<10000x128xf32, #tpu.memory_space<hbm>>) dst(%dma_wait3A_292 : memref<16x128xf32, #tpu.memory_space<vmem>>)
    %dma_wait3A_296 = arith.constant 0 : i32
    %dma_wait3A_297 = arith.constant 0 : i32
    %dma_wait3A_298 = tpu.memref_slice %arg17[%dma_wait3A_296, %dma_wait3A_297] : memref<10112x128xf32, #tpu.memory_space<vmem_shared>> -> memref<10112x128xf32, #tpu.memory_space<vmem_shared>>
    tpu.wait_indirect_dma semaphore(%arg27 : memref<!tpu.dma_semaphore, #tpu.memory_space<semaphore_mem>>) src(%arg16 : memref<128x128xf32, #tpu.memory_space<vmem>>) dst(%dma_wait3A_298 : memref<10112x128xf32, #tpu.memory_space<vmem_shared>>)
    "tpu.region"() ({
      %run_scoped3A = tpu.sem_alloc : memref<!tpu.dma_semaphore, #tpu.memory_space<semaphore_mem>>
      %dma_start3A_307 = arith.constant 0 : i32
      %dma_start3A_308 = arith.constant 0 : i32
      %dma_start3A_309 = tpu.memref_slice %arg14[%dma_start3A_307, %dma_start3A_308] : memref<128x128xf32, #tpu.memory_space<vmem>> -> memref<16x128xf32, #tpu.memory_space<vmem>>
      %dma_start3A_310 = arith.constant 0 : i32
      %dma_start3A_311 = arith.constant 0 : i32
      %dma_start3A_312 = tpu.memref_slice %arg17[%dma_start3A_310, %dma_start3A_311] : memref<10112x128xf32, #tpu.memory_space<vmem_shared>> -> memref<10112x128xf32, #tpu.memory_space<vmem_shared>>
      tpu.enqueue_indirect_dma source(%dma_start3A_309 : memref<16x128xf32, #tpu.memory_space<vmem>>) target(%dma_start3A_312 : memref<10112x128xf32, #tpu.memory_space<vmem_shared>>) offsets(%arg13 : memref<16xi32, #tpu.memory_space<vmem>>) semaphore(%run_scoped3A : memref<!tpu.dma_semaphore, #tpu.memory_space<semaphore_mem>>) {add = true}
      %dma_wait3A_313 = arith.constant 0 : i32
      %dma_wait3A_314 = arith.constant 0 : i32
      %dma_wait3A_315 = tpu.memref_slice %arg14[%dma_wait3A_313, %dma_wait3A_314] : memref<128x128xf32, #tpu.memory_space<vmem>> -> memref<16x128xf32, #tpu.memory_space<vmem>>
      %dma_wait3A_316 = arith.constant 0 : i32
      %dma_wait3A_317 = arith.constant 0 : i32
      %dma_wait3A_318 = tpu.memref_slice %arg17[%dma_wait3A_316, %dma_wait3A_317] : memref<10112x128xf32, #tpu.memory_space<vmem_shared>> -> memref<10112x128xf32, #tpu.memory_space<vmem_shared>>
      tpu.wait_indirect_dma semaphore(%run_scoped3A : memref<!tpu.dma_semaphore, #tpu.memory_space<semaphore_mem>>) src(%dma_wait3A_315 : memref<16x128xf32, #tpu.memory_space<vmem>>) dst(%dma_wait3A_318 : memref<10112x128xf32, #tpu.memory_space<vmem_shared>>)
      tpu.yield
    }) : () -> ()
    %barrier3A_299 = arith.constant 0 : index
    tpu.barrier barrier_id(%barrier3A_299)
    %mul3A_300 = arith.constant 10112 : i32
    %mul3A_301 = arith.muli %arg0, %mul3A_300 : i32
    %mul3A_302 = arith.constant 632 : i32
    %mul3A_303 = arith.muli %arg1, %mul3A_302 : i32
    %add3A_304 = arith.addi %mul3A_301, %mul3A_303 : i32
    %mul3A_305 = arith.constant 632 : i32
    %mul3A_306 = arith.muli %arg1, %mul3A_305 : i32
    "tpu.region"() ({
      %run_scoped3A = tpu.sem_alloc : memref<!tpu.dma_semaphore, #tpu.memory_space<semaphore_mem>>
      %dma_start3A_307 = arith.constant 0 : i32
      %dma_start3A_308 = tpu.memref_slice %arg5[%add3A_304, %dma_start3A_307] : memref<20224x128xf32, #tpu.memory_space<hbm>> -> memref<632x128xf32, #tpu.memory_space<hbm>>
      %dma_start3A_309 = arith.constant 0 : i32
      %dma_start3A_310 = tpu.memref_slice %arg17[%mul3A_306, %dma_start3A_309] : memref<10112x128xf32, #tpu.memory_space<vmem_shared>> -> memref<632x128xf32, #tpu.memory_space<vmem_shared>>
      tpu.enqueue_dma source(%dma_start3A_310 : memref<632x128xf32, #tpu.memory_space<vmem_shared>>) target(%dma_start3A_308 : memref<632x128xf32, #tpu.memory_space<hbm>>) target_semaphore(%run_scoped3A : memref<!tpu.dma_semaphore, #tpu.memory_space<semaphore_mem>>)
      %dma_wait3A_311 = arith.constant 0 : i32
      %dma_wait3A_312 = tpu.memref_slice %arg5[%add3A_304, %dma_wait3A_311] : memref<20224x128xf32, #tpu.memory_space<hbm>> -> memref<632x128xf32, #tpu.memory_space<hbm>>
      %dma_wait3A_313 = arith.constant 0 : i32
      %dma_wait3A_314 = tpu.memref_slice %arg17[%mul3A_306, %dma_wait3A_313] : memref<10112x128xf32, #tpu.memory_space<vmem_shared>> -> memref<632x128xf32, #tpu.memory_space<vmem_shared>>
      tpu.wait_dma2 semaphore(%run_scoped3A : memref<!tpu.dma_semaphore, #tpu.memory_space<semaphore_mem>>) src(%dma_wait3A_314 : memref<632x128xf32, #tpu.memory_space<vmem_shared>>) dst(%dma_wait3A_312 : memref<632x128xf32, #tpu.memory_space<hbm>>)
      tpu.yield
    }) : () -> ()
    return
  }
}

module attributes {stable_mosaic.version = 14 : i64} {
  func.func @_mlp1_body(%arg0: i32, %arg1: memref<2000x128xf32, #tpu.memory_space<vmem>>, %arg2: memref<2x2000x128xf32, #tpu.memory_space<vmem>>, %arg3: memref<128x128xf32, #tpu.memory_space<vmem>>, %arg4: memref<1x128xf32, #tpu.memory_space<vmem>>, %arg5: memref<128x128xf32, #tpu.memory_space<vmem>>, %arg6: memref<1x128xf32, #tpu.memory_space<vmem>>, %arg7: memref<2000x128xf32, #tpu.memory_space<vmem>>) attributes {dimension_semantics = [#tpu.dimension_semantics<arbitrary>], iteration_bounds = array<i64: 5>, scalar_prefetch = 0 : i64, scratch_operands = 0 : i64, tpu.core_type = #tpu.core_type<tc>, window_params = [{transform_indices = @transform_0, window_bounds = array<i64: 2000, 128>}, {transform_indices = @transform_1, window_bounds = array<i64: 2, 2000, 128>}, {pipeline_mode = #tpu.pipeline_mode<synchronous>, transform_indices = @transform_2, window_bounds = array<i64: 128, 128>}, {pipeline_mode = #tpu.pipeline_mode<synchronous>, transform_indices = @transform_3, window_bounds = array<i64: 1, 128>}, {pipeline_mode = #tpu.pipeline_mode<synchronous>, transform_indices = @transform_4, window_bounds = array<i64: 128, 128>}, {pipeline_mode = #tpu.pipeline_mode<synchronous>, transform_indices = @transform_5, window_bounds = array<i64: 1, 128>}, {transform_indices = @transform_6, window_bounds = array<i64: 2000, 128>}]} {
    %get3A = arith.constant 0 : index
    %get3A_0 = arith.constant 0 : index
    %get3A_1 = vector.load %arg1[%get3A, %get3A_0] : memref<2000x128xf32, #tpu.memory_space<vmem>>, vector<2000x128xf32>
    %get3A_2 = arith.constant 0 : index
    %get3A_3 = arith.constant 0 : index
    %get3A_4 = arith.constant 0 : index
    %get3A_5 = vector.load %arg2[%get3A_2, %get3A_3, %get3A_4] : memref<2x2000x128xf32, #tpu.memory_space<vmem>>, vector<1x2000x128xf32>
    %get3A_6 = vector.shape_cast %get3A_5 : vector<1x2000x128xf32> to vector<2000x128xf32>
    %add3A = arith.addf %get3A_1, %get3A_6 : vector<2000x128xf32>
    %get3A_7 = arith.constant 1 : index
    %get3A_8 = arith.constant 0 : index
    %get3A_9 = arith.constant 0 : index
    %get3A_10 = vector.load %arg2[%get3A_7, %get3A_8, %get3A_9] : memref<2x2000x128xf32, #tpu.memory_space<vmem>>, vector<1x2000x128xf32>
    %get3A_11 = vector.shape_cast %get3A_10 : vector<1x2000x128xf32> to vector<2000x128xf32>
    %add3A_12 = arith.addf %add3A, %get3A_11 : vector<2000x128xf32>
    %get3A_13 = arith.constant 0 : index
    %get3A_14 = arith.constant 0 : index
    %get3A_15 = vector.load %arg3[%get3A_13, %get3A_14] : memref<128x128xf32, #tpu.memory_space<vmem>>, vector<128x128xf32>
    %dot_general3A = arith.constant dense<0.000000e+00> : vector<2000x128xf32>
    %dot_general3A_16 = tpu.matmul %add3A_12, %get3A_15, %dot_general3A {dimension_numbers = #tpu.dot_dimension_numbers<[1], [0], [0], [1], [0, 0, 1, 1], [], []>, transpose_lhs_hint = false} : vector<2000x128xf32>, vector<128x128xf32>, vector<2000x128xf32> -> vector<2000x128xf32>
    %get3A_17 = arith.constant 0 : index
    %get3A_18 = arith.constant 0 : index
    %get3A_19 = vector.load %arg4[%get3A_17, %get3A_18] : memref<1x128xf32, #tpu.memory_space<vmem>>, vector<1x128xf32>
    %add3A_20 = vector.broadcast %get3A_19 : vector<1x128xf32> to vector<2000x128xf32>
    %add3A_21 = arith.addf %dot_general3A_16, %add3A_20 : vector<2000x128xf32>
    %max3A = arith.constant 0.000000e+00 : f32
    %max3A_22 = vector.broadcast %max3A : f32 to vector<2000x128xf32>
    %max3A_23 = arith.maximumf %add3A_21, %max3A_22 : vector<2000x128xf32>
    %get3A_24 = arith.constant 0 : index
    %get3A_25 = arith.constant 0 : index
    %get3A_26 = vector.load %arg5[%get3A_24, %get3A_25] : memref<128x128xf32, #tpu.memory_space<vmem>>, vector<128x128xf32>
    %dot_general3A_27 = arith.constant dense<0.000000e+00> : vector<2000x128xf32>
    %dot_general3A_28 = tpu.matmul %max3A_23, %get3A_26, %dot_general3A_27 {dimension_numbers = #tpu.dot_dimension_numbers<[1], [0], [0], [1], [0, 0, 1, 1], [], []>, transpose_lhs_hint = false} : vector<2000x128xf32>, vector<128x128xf32>, vector<2000x128xf32> -> vector<2000x128xf32>
    %get3A_29 = arith.constant 0 : index
    %get3A_30 = arith.constant 0 : index
    %get3A_31 = vector.load %arg6[%get3A_29, %get3A_30] : memref<1x128xf32, #tpu.memory_space<vmem>>, vector<1x128xf32>
    %add3A_32 = vector.broadcast %get3A_31 : vector<1x128xf32> to vector<2000x128xf32>
    %add3A_33 = arith.addf %dot_general3A_28, %add3A_32 : vector<2000x128xf32>
    %max3A_34 = arith.constant 0.000000e+00 : f32
    %max3A_35 = vector.broadcast %max3A_34 : f32 to vector<2000x128xf32>
    %max3A_36 = arith.maximumf %add3A_33, %max3A_35 : vector<2000x128xf32>
    %swap3A = arith.constant 0 : index
    %swap3A_37 = arith.constant 0 : index
    %swap3A_38 = vector.load %arg7[%swap3A, %swap3A_37] : memref<2000x128xf32, #tpu.memory_space<vmem>>, vector<2000x128xf32>
    tpu.vector_store %arg7[%swap3A, %swap3A_37], %max3A_36 {strides = array<i32>} : memref<2000x128xf32, #tpu.memory_space<vmem>>, vector<2000x128xf32>,
    return
  }
  func.func @transform_0(%arg0: i32) -> (i32, i32) {
    %c0_i32 = arith.constant 0 : i32
    %c0_i32_0 = arith.constant 0 : i32
    return %arg0, %c0_i32 : i32, i32
  }
  func.func @transform_1(%arg0: i32) -> (i32, i32, i32) {
    %c0_i32 = arith.constant 0 : i32
    %c0_i32_0 = arith.constant 0 : i32
    %c0_i32_1 = arith.constant 0 : i32
    return %c0_i32, %arg0, %c0_i32_0 : i32, i32, i32
  }
  func.func @transform_2(%arg0: i32) -> (i32, i32) {
    %c0_i32 = arith.constant 0 : i32
    %c0_i32_0 = arith.constant 0 : i32
    %c0_i32_1 = arith.constant 0 : i32
    return %c0_i32, %c0_i32_0 : i32, i32
  }
  func.func @transform_3(%arg0: i32) -> (i32, i32) {
    %c0_i32 = arith.constant 0 : i32
    %c0_i32_0 = arith.constant 0 : i32
    %c0_i32_1 = arith.constant 0 : i32
    return %c0_i32, %c0_i32_0 : i32, i32
  }
  func.func @transform_4(%arg0: i32) -> (i32, i32) {
    %c0_i32 = arith.constant 0 : i32
    %c0_i32_0 = arith.constant 0 : i32
    %c0_i32_1 = arith.constant 0 : i32
    return %c0_i32, %c0_i32_0 : i32, i32
  }
  func.func @transform_5(%arg0: i32) -> (i32, i32) {
    %c0_i32 = arith.constant 0 : i32
    %c0_i32_0 = arith.constant 0 : i32
    %c0_i32_1 = arith.constant 0 : i32
    return %c0_i32, %c0_i32_0 : i32, i32
  }
  func.func @transform_6(%arg0: i32) -> (i32, i32) {
    %c0_i32 = arith.constant 0 : i32
    %c0_i32_0 = arith.constant 0 : i32
    return %arg0, %c0_i32 : i32, i32
  }
}

module attributes {stable_mosaic.version = 14 : i64} {
  func.func @_mlp2_body(%arg0: i32, %arg1: memref<2000x128xf32, #tpu.memory_space<vmem>>, %arg2: memref<2x2000x128xf32, #tpu.memory_space<vmem>>, %arg3: memref<128x128xf32, #tpu.memory_space<vmem>>, %arg4: memref<1x128xf32, #tpu.memory_space<vmem>>, %arg5: memref<128x128xf32, #tpu.memory_space<vmem>>, %arg6: memref<1x128xf32, #tpu.memory_space<vmem>>, %arg7: memref<128x128xf32, #tpu.memory_space<vmem>>, %arg8: memref<1x128xf32, #tpu.memory_space<vmem>>, %arg9: memref<2000x128xf32, #tpu.memory_space<vmem>>) attributes {dimension_semantics = [#tpu.dimension_semantics<arbitrary>], iteration_bounds = array<i64: 5>, scalar_prefetch = 0 : i64, scratch_operands = 0 : i64, tpu.core_type = #tpu.core_type<tc>, window_params = [{transform_indices = @transform_0, window_bounds = array<i64: 2000, 128>}, {transform_indices = @transform_1, window_bounds = array<i64: 2, 2000, 128>}, {pipeline_mode = #tpu.pipeline_mode<synchronous>, transform_indices = @transform_2, window_bounds = array<i64: 128, 128>}, {pipeline_mode = #tpu.pipeline_mode<synchronous>, transform_indices = @transform_3, window_bounds = array<i64: 1, 128>}, {pipeline_mode = #tpu.pipeline_mode<synchronous>, transform_indices = @transform_4, window_bounds = array<i64: 128, 128>}, {pipeline_mode = #tpu.pipeline_mode<synchronous>, transform_indices = @transform_5, window_bounds = array<i64: 1, 128>}, {pipeline_mode = #tpu.pipeline_mode<synchronous>, transform_indices = @transform_6, window_bounds = array<i64: 128, 128>}, {pipeline_mode = #tpu.pipeline_mode<synchronous>, transform_indices = @transform_7, window_bounds = array<i64: 1, 128>}, {transform_indices = @transform_8, window_bounds = array<i64: 2000, 128>}]} {
    %get3A = arith.constant 0 : index
    %get3A_0 = arith.constant 0 : index
    %get3A_1 = vector.load %arg1[%get3A, %get3A_0] : memref<2000x128xf32, #tpu.memory_space<vmem>>, vector<2000x128xf32>
    %get3A_2 = arith.constant 0 : index
    %get3A_3 = arith.constant 0 : index
    %get3A_4 = arith.constant 0 : index
    %get3A_5 = vector.load %arg2[%get3A_2, %get3A_3, %get3A_4] : memref<2x2000x128xf32, #tpu.memory_space<vmem>>, vector<1x2000x128xf32>
    %get3A_6 = vector.shape_cast %get3A_5 : vector<1x2000x128xf32> to vector<2000x128xf32>
    %add3A = arith.addf %get3A_1, %get3A_6 : vector<2000x128xf32>
    %get3A_7 = arith.constant 1 : index
    %get3A_8 = arith.constant 0 : index
    %get3A_9 = arith.constant 0 : index
    %get3A_10 = vector.load %arg2[%get3A_7, %get3A_8, %get3A_9] : memref<2x2000x128xf32, #tpu.memory_space<vmem>>, vector<1x2000x128xf32>
    %get3A_11 = vector.shape_cast %get3A_10 : vector<1x2000x128xf32> to vector<2000x128xf32>
    %add3A_12 = arith.addf %add3A, %get3A_11 : vector<2000x128xf32>
    %get3A_13 = arith.constant 0 : index
    %get3A_14 = arith.constant 0 : index
    %get3A_15 = vector.load %arg3[%get3A_13, %get3A_14] : memref<128x128xf32, #tpu.memory_space<vmem>>, vector<128x128xf32>
    %dot_general3A = arith.constant dense<0.000000e+00> : vector<2000x128xf32>
    %dot_general3A_16 = tpu.matmul %add3A_12, %get3A_15, %dot_general3A {dimension_numbers = #tpu.dot_dimension_numbers<[1], [0], [0], [1], [0, 0, 1, 1], [], []>, transpose_lhs_hint = false} : vector<2000x128xf32>, vector<128x128xf32>, vector<2000x128xf32> -> vector<2000x128xf32>
    %get3A_17 = arith.constant 0 : index
    %get3A_18 = arith.constant 0 : index
    %get3A_19 = vector.load %arg4[%get3A_17, %get3A_18] : memref<1x128xf32, #tpu.memory_space<vmem>>, vector<1x128xf32>
    %add3A_20 = vector.broadcast %get3A_19 : vector<1x128xf32> to vector<2000x128xf32>
    %add3A_21 = arith.addf %dot_general3A_16, %add3A_20 : vector<2000x128xf32>
    %max3A = arith.constant 0.000000e+00 : f32
    %max3A_22 = vector.broadcast %max3A : f32 to vector<2000x128xf32>
    %max3A_23 = arith.maximumf %add3A_21, %max3A_22 : vector<2000x128xf32>
    %get3A_24 = arith.constant 0 : index
    %get3A_25 = arith.constant 0 : index
    %get3A_26 = vector.load %arg5[%get3A_24, %get3A_25] : memref<128x128xf32, #tpu.memory_space<vmem>>, vector<128x128xf32>
    %dot_general3A_27 = arith.constant dense<0.000000e+00> : vector<2000x128xf32>
    %dot_general3A_28 = tpu.matmul %max3A_23, %get3A_26, %dot_general3A_27 {dimension_numbers = #tpu.dot_dimension_numbers<[1], [0], [0], [1], [0, 0, 1, 1], [], []>, transpose_lhs_hint = false} : vector<2000x128xf32>, vector<128x128xf32>, vector<2000x128xf32> -> vector<2000x128xf32>
    %get3A_29 = arith.constant 0 : index
    %get3A_30 = arith.constant 0 : index
    %get3A_31 = vector.load %arg6[%get3A_29, %get3A_30] : memref<1x128xf32, #tpu.memory_space<vmem>>, vector<1x128xf32>
    %add3A_32 = vector.broadcast %get3A_31 : vector<1x128xf32> to vector<2000x128xf32>
    %add3A_33 = arith.addf %dot_general3A_28, %add3A_32 : vector<2000x128xf32>
    %max3A_34 = arith.constant 0.000000e+00 : f32
    %max3A_35 = vector.broadcast %max3A_34 : f32 to vector<2000x128xf32>
    %max3A_36 = arith.maximumf %add3A_33, %max3A_35 : vector<2000x128xf32>
    %get3A_37 = arith.constant 0 : index
    %get3A_38 = arith.constant 0 : index
    %get3A_39 = vector.load %arg7[%get3A_37, %get3A_38] : memref<128x128xf32, #tpu.memory_space<vmem>>, vector<128x128xf32>
    %dot_general3A_40 = arith.constant dense<0.000000e+00> : vector<2000x128xf32>
    %dot_general3A_41 = tpu.matmul %max3A_36, %get3A_39, %dot_general3A_40 {dimension_numbers = #tpu.dot_dimension_numbers<[1], [0], [0], [1], [0, 0, 1, 1], [], []>, transpose_lhs_hint = false} : vector<2000x128xf32>, vector<128x128xf32>, vector<2000x128xf32> -> vector<2000x128xf32>
    %get3A_42 = arith.constant 0 : index
    %get3A_43 = arith.constant 0 : index
    %get3A_44 = vector.load %arg8[%get3A_42, %get3A_43] : memref<1x128xf32, #tpu.memory_space<vmem>>, vector<1x128xf32>
    %add3A_45 = vector.broadcast %get3A_44 : vector<1x128xf32> to vector<2000x128xf32>
    %add3A_46 = arith.addf %dot_general3A_41, %add3A_45 : vector<2000x128xf32>
    %swap3A = arith.constant 0 : index
    %swap3A_47 = arith.constant 0 : index
    %swap3A_48 = vector.load %arg9[%swap3A, %swap3A_47] : memref<2000x128xf32, #tpu.memory_space<vmem>>, vector<2000x128xf32>
    tpu.vector_store %arg9[%swap3A, %swap3A_47], %add3A_46 {strides = array<i32>} : memref<2000x128xf32, #tpu.memory_space<vmem>>, vector<2000x128xf32>,
    return
  }
  func.func @transform_0(%arg0: i32) -> (i32, i32) {
    %c0_i32 = arith.constant 0 : i32
    %c0_i32_0 = arith.constant 0 : i32
    return %arg0, %c0_i32 : i32, i32
  }
  func.func @transform_1(%arg0: i32) -> (i32, i32, i32) {
    %c0_i32 = arith.constant 0 : i32
    %c0_i32_0 = arith.constant 0 : i32
    %c0_i32_1 = arith.constant 0 : i32
    return %c0_i32, %arg0, %c0_i32_0 : i32, i32, i32
  }
  func.func @transform_2(%arg0: i32) -> (i32, i32) {
    %c0_i32 = arith.constant 0 : i32
    %c0_i32_0 = arith.constant 0 : i32
    %c0_i32_1 = arith.constant 0 : i32
    return %c0_i32, %c0_i32_0 : i32, i32
  }
  func.func @transform_3(%arg0: i32) -> (i32, i32) {
    %c0_i32 = arith.constant 0 : i32
    %c0_i32_0 = arith.constant 0 : i32
    %c0_i32_1 = arith.constant 0 : i32
    return %c0_i32, %c0_i32_0 : i32, i32
  }
  func.func @transform_4(%arg0: i32) -> (i32, i32) {
    %c0_i32 = arith.constant 0 : i32
    %c0_i32_0 = arith.constant 0 : i32
    %c0_i32_1 = arith.constant 0 : i32
    return %c0_i32, %c0_i32_0 : i32, i32
  }
  func.func @transform_5(%arg0: i32) -> (i32, i32) {
    %c0_i32 = arith.constant 0 : i32
    %c0_i32_0 = arith.constant 0 : i32
    %c0_i32_1 = arith.constant 0 : i32
    return %c0_i32, %c0_i32_0 : i32, i32
  }
  func.func @transform_6(%arg0: i32) -> (i32, i32) {
    %c0_i32 = arith.constant 0 : i32
    %c0_i32_0 = arith.constant 0 : i32
    %c0_i32_1 = arith.constant 0 : i32
    return %c0_i32, %c0_i32_0 : i32, i32
  }
  func.func @transform_7(%arg0: i32) -> (i32, i32) {
    %c0_i32 = arith.constant 0 : i32
    %c0_i32_0 = arith.constant 0 : i32
    %c0_i32_1 = arith.constant 0 : i32
    return %c0_i32, %c0_i32_0 : i32, i32
  }
  func.func @transform_8(%arg0: i32) -> (i32, i32) {
    %c0_i32 = arith.constant 0 : i32
    %c0_i32_0 = arith.constant 0 : i32
    return %arg0, %c0_i32 : i32, i32
  }
}

</mosaic_0001>

<sc_bundles>
// kernel: kernel.6.cloned.1.call-start
scs
__scs_entry_jumppad:
0x0: {  	(pc) =	sbr.rel $0x88, $3  }
0x1: {  	(tag) =	ssettag $0x0;
	lr =	simm.s32 $0x1  }
0x2: {  	[smem:$0x3F95] =	sst lr;
	_ =	strace $0xD0000000  }
0x3: {  	_ = 	snop  }
0x4: {  	_ = 	snop  }
0x5: {  	_ = 	snop  }
0x6: {  	_ = 	snop  }
0x7: {  	_ = 	snop  }
__scs_overlays_trampoline_lowered:
0x8: {  	[smem:$0x3FA4] =	sst s0  }
0x9: {  	[smem:$0x3FA5] =	sst s1  }
0xa: {  	[smem:$0x3FA6] =	sst s2  }
0xb: {  	[smem:$0x3FA7] =	sst s3  }
0xc: {  	[smem:$0x3FA8] =	sst s4  }
0xd: {  	[smem:$0x3FA9] =	sst s5  }
0xe: {  	[smem:$0x3FAA] =	sst s6  }
0xf: {  	[smem:$0x3FAB] =	sst s7  }
0x10: {  	[smem:$0x3FAC] =	sst s8  }
0x11: {  	[smem:$0x3FAD] =	sst s9;
	s0 =	simm.s32 @!p0 $0x0  }
0x12: {  	s1 =	sld [smem:$0x3F93];
	s0 =	simm.s32 @p0 $0x1  }
0x13: {  	[smem:$0x3FAE] =	sst s0;
	s0 =	simm.s32 @!p1 $0x0  }
0x14: {  	s2 =	sld [smem:$0x3F92];
	s0 =	simm.s32 @p1 $0x1  }
0x15: {  	[smem:$0x3FAF] =	sst s0;
	s0 =	simm.s32 @!p2 $0x0  }
0x16: {  	s3 =	sld [smem:$0x3FDB];
	s0 =	simm.s32 @p2 $0x1  }
0x17: {  	s4 =	simm.s32 $0x1BF5;
	[smem:$0x3FB1] =	sst s0  }
0x18: {  	s0 =	sld [smem:$0x3F94];
	_ =	swait.ge [sflag:s4], $0x0  }
0x19: {  	s7 =	sld [smem:$0x3F95]  }
0x1a: {  	s8 =	sadd.s32 $0xFFFFE003, lr  }
0x1b: {  	s9 =	sadd.s32 $0xFFFFFEF7, lr;
	s5 =	simm.s32 $0xFFFFFFFF;
	p2 =	slt.u32 s8, $0xFFFFF086  }
0x1c: {  	p1 =	slt.u32 s9, $0xF7A;
	s5 =	simm.s32 @!p2 $0x0  }
0x1d: {  	s5 =	simm.s32 @p1 $0x1;
	p0 =	seq.s32 s7, s2  }
0x1e: {  	s7 =	smul.u32 @!p0 $0xF7A, s2;
	p2 =	seq.s32 @!p0 s5, $0x0  }
0x1f: {  	s9 =	smul.u32 $0xF7A, s1;
	s8 =	simm.s32 @!p0 $0x1BF5;
	p2 =	por !p2, p0  }
0x20: {  	[sflag:s8] =	ssyncset.s32 @!p0 $0xFFFFF086;
	s6 =	sadd.s32 @!p0 s3, s7;
	s7 =	simm.s32 @!p0 $0x108  }
0x21: {  	s3 =	sadd.s32 s3, s9;
	s6 =	sadd.s32 @!p0 $0x88, s6;
	s7 =	simm.s32 @p2 $0x1082  }
0x22: {  	[simem:s7], [sflag:s8] =	dma.local @!p0 [hbm:s6], $0xF7A  }
0x23: {  	s9 =	sor.u32 $0xD0000000, s2;
	s6 =	simm.s32 $0x108;
	_ =	swait.ge @!p0 [sflag:s8], $0x0  }
0x24: {  	s3 =	sadd.s32 $0x88, s3;
	s6 =	simm.s32 @!p1 $0x1082;
	[sflag:s4] =	ssyncset.s32 $0xFFFFF086  }
0x25: {  	[simem:s6], [sflag:s4] =	dma.local [hbm:s3], $0xF7A  }
0x26: {  	[smem:$0x3F95] =	sst s1;
	(tag) =	ssettag s2;
	_ =	strace s9  }
0x27: {  	s1 =	sld [smem:$0x3FA5]  }
0x28: {  	s2 =	sld [smem:$0x3FA6]  }
0x29: {  	s4 =	sld [smem:$0x3FA8]  }
0x2a: {  	p0 =	seq.s32 s5, $0x0;
	s5 =	sld [smem:$0x3FA9]  }
0x2b: {  	s6 =	sld [smem:$0x3FAA]  }
0x2c: {  	s7 =	sld [smem:$0x3FAB]  }
0x2d: {  	s3 =	simm.s32 $0x108;
	s8 =	sld [smem:$0x3FAC]  }
0x2e: {  	s3 =	simm.s32 @!p0 $0x1082;
	s9 =	sld [smem:$0x3FAD]  }
0x2f: {  	lr =	sadd.s32 s0, s3;
	s0 =	sld [smem:$0x3FA4]  }
0x30: {  	s3 =	sld [smem:$0x3FA7]  }
0x31: {  	[smem:$0x3FB0] =	sst s10  }
0x32: {  	s10 =	sld [smem:$0x3FAE];
	_ =	sdelay $0x3  }
0x33: {  	p0 =	seq.s32 s10, $0x1;
	s10 =	sld [smem:$0x3FB0];
	_ =	sdelay $0x3  }
0x34: {  	[smem:$0x3FB0] =	sst s10  }
0x35: {  	s10 =	sld [smem:$0x3FAF];
	_ =	sdelay $0x3  }
0x36: {  	p1 =	seq.s32 s10, $0x1;
	s10 =	sld [smem:$0x3FB0];
	_ =	sdelay $0x3  }
0x37: {  	[smem:$0x3FB0] =	sst s10  }
0x38: {  	s10 =	sld [smem:$0x3FB1]  }
0x39: {  	_ = 	snop;
	(pc) =	sbr.ind lr, $3  }
0x3a: {  	_ = 	snop  }
0x3b: {  	_ = 	snop  }
0x3c: {  	p2 =	seq.s32 s10, $0x1;
	s10 =	sld [smem:$0x3FB0]  }
0x3d: {  	_ =	shalt  }
0x3e: {  	_ =	shalt  }
0x3f: {  	_ =	shalt  }
0x40: {  	_ =	shalt  }
0x41: {  	_ =	shalt  }
0x42: {  	_ =	shalt  }
0x43: {  	_ =	shalt  }
0x44: {  	_ =	shalt  }
0x45: {  	_ =	shalt  }
0x46: {  	_ =	shalt  }
0x47: {  	_ =	shalt  }
0x48: {  	_ =	shalt  }
0x49: {  	_ =	shalt  }
0x4a: {  	_ =	shalt  }
0x4b: {  	_ =	shalt  }
0x4c: {  	_ =	shalt  }
0x4d: {  	_ =	shalt  }
0x4e: {  	_ =	shalt  }
0x4f: {  	_ =	shalt  }
0x50: {  	_ =	shalt  }
0x51: {  	_ =	shalt  }
0x52: {  	_ =	shalt  }
0x53: {  	_ =	shalt  }
0x54: {  	_ =	shalt  }
0x55: {  	_ =	shalt  }
0x56: {  	_ =	shalt  }
0x57: {  	_ =	shalt  }
0x58: {  	_ =	shalt  }
0x59: {  	_ =	shalt  }
0x5a: {  	_ =	shalt  }
0x5b: {  	_ =	shalt  }
0x5c: {  	_ =	shalt  }
0x5d: {  	_ =	shalt  }
0x5e: {  	_ =	shalt  }
0x5f: {  	_ =	shalt  }
0x60: {  	_ =	shalt  }
0x61: {  	_ =	shalt  }
0x62: {  	_ =	shalt  }
0x63: {  	_ =	shalt  }
0x64: {  	_ =	shalt  }
0x65: {  	_ =	shalt  }
0x66: {  	_ =	shalt  }
0x67: {  	_ =	shalt  }
0x68: {  	_ =	shalt  }
0x69: {  	_ =	shalt  }
0x6a: {  	_ =	shalt  }
0x6b: {  	_ =	shalt  }
0x6c: {  	_ =	shalt  }
0x6d: {  	_ =	shalt  }
0x6e: {  	_ =	shalt  }
0x6f: {  	_ =	shalt  }
0x70: {  	_ =	shalt  }
0x71: {  	_ =	shalt  }
0x72: {  	_ =	shalt  }
0x73: {  	_ =	shalt  }
0x74: {  	_ =	shalt  }
0x75: {  	_ =	shalt  }
0x76: {  	_ =	shalt  }
0x77: {  	_ =	shalt  }
0x78: {  	_ =	shalt  }
0x79: {  	_ =	shalt  }
0x7a: {  	_ =	shalt  }
0x7b: {  	_ =	shalt  }
0x7c: {  	_ =	shalt  }
0x7d: {  	_ =	shalt  }
0x7e: {  	_ =	shalt  }
0x7f: {  	_ =	shalt  }
0x80: {  	_ =	shalt  }
0x81: {  	_ =	shalt  }
0x82: {  	_ =	shalt  }
0x83: {  	_ =	shalt  }
0x84: {  	_ =	shalt  }
0x85: {  	_ =	shalt  }
0x86: {  	_ =	shalt  }
0x87: {  	_ =	shalt  }
.Lfunc_end0:
.L_simem_size_0:
called_computation_lowered:
.L_overlay_start_0:
0x88: {  	s2 =	sld [smem:$0x3FD9]  }
0x89: {  	s3 =	sld [smem:$0x3FFE];
	_ =	sdelay $0x1  }
0x8a: {  	s1 =	srdreg.scid  }
0x8b: {  	s0 =	sand.u32 $0x1, s1  }
0x8c: {  	s17 =	sshll.u32 s0, $0xA;
	s2 =	sadd.s32 s3, s2  }
0x8d: {  	s2 =	sadd.s32 s2, s17  }
0x8e: {  	[smem:$0x3FBC] =	sst s2  }
0x8f: {  	_ = 	snop  }
0x90: {  	s2 =	sld [smem:$0x3FC9];
	(tm) =	ssettm $0x1  }
0x91: {  	s18 =	sld [smem:$0x3FFB];
	_ =	sdelay $0x3  }
0x92: {  	_ =	strace s18  }
0x93: {  	s3 =	sld [smem:$0x3FFC];
	_ =	sdelay $0x3  }
0x94: {  	_ =	strace s3  }
0x95: {  	s3 =	sld [smem:$0x3FFD];
	_ =	sdelay $0x3  }
0x96: {  	_ =	strace s3  }
0x97: {  	_ =	strace $0x8FFFFFFF  }
0x98: {  	s19 =	sld [smem:$0x3FDB];
	_ =	sdelay $0x1  }
0x99: {  	s4 =	simm.s32 $_scs_section_size  }
0x9a: {  	s5 =	simm.s32 $_size__tile_overlayer_lowered;
	s6 =	simm.s32 $_tile_overlayer_lowered  }
0x9b: {  	s22 =	simm.s32 $0x1BFF;
	s21 =	sshll.u32 s6, $0x1;
	s3 =	sadd.s32 s4, s19  }
0x9c: {  	s7 =	simm.s32 $0x0;
	s20 =	sshll.u32 s5, $0x1;
	s5 =	sadd.s32 s21, s3  }
0x9d: {  	[timem:s7], [sflag:s22] =	dma.local [hbm:s5], s20  }
0x9e: {  	_ =	swait.ge [sflag:s22], s20  }
0x9f: {  	s4 =	ssub.s32 $0x0, s20;
	[sflag:s22] =	ssyncset.done $0x0  }
0xa0: {  	[sflag:s22] =	ssyncadd.s32 s4;
	_ =	sdelay $0x1  }
0xa1: {  	s23 =	simm.s32 $0x1B8B  }
0xa2: {  	_ =	swait.ge [sflag:s23], $0x1  }
0xa3: {  	[sflag:s23] =	ssyncset.done $0x0  }
0xa4: {  	s25 =	simm.s32 $0x1B8E;
	s24 =	sld [smem:$0x3FFE];
	[sflag:s23] =	ssyncadd.s32 $0xFFFFFFFF  }
0xa5: {  	s26 =	simm.s32 $execute0_lowered;
	[smem:$0x3FD2] =	sst s25  }
0xa6: {  	s5 =	sshll.u32 s26, $0x1;
	_ =	strace $0x80000046;
	[dreg:$0x1] =	wrdreg $0xFFFFFFFF  }
0xa7: {  	s28 =	simm.s32 $_size_execute0_lowered;
	s3 =	sadd.s32 s3, s5;
	[dreg:$0x0] =	wrdreg $0x0  }
0xa8: {  	s5 =	sshll.u32 s28, $0x1;
	[dreg:$0x2] =	wrdreg s3  }
0xa9: {  	[dreg:$0x3] =	wrdreg s5  }
0xaa: {  	[dreg:$0x4] =	wrdreg $0xC0  }
0xab: {  	_ =	task [dreg:s7], $0x5FFFF  }
0xac: {  	[dreg:$0x1] =	wrdreg $0xFFFFFFFF  }
0xad: {  	[dreg:$0x0] =	wrdreg $0x60  }
0xae: {  	[dreg:$0x2] =	wrdreg s2  }
0xaf: {  	[dreg:$0x3] =	wrdreg s24  }
0xb0: {  	[dreg:$0x4] =	wrdreg $0xC4000  }
0xb1: {  	[dreg:$0x5] =	wrdreg $0x9  }
0xb2: {  	_ =	task.clear_ibuf [dreg:s7], $0x6FFFF;
	_ =	strace $0x90000046  }
0xb3: {  	s29 =	simm.s32 $0x9;
	_ =	strace $0x80000048  }
0xb4: {  	_ =	swait.ge [sflag:s29], $0x1  }
0xb5: {  	[sflag:s29] =	ssyncadd.s32 $0xFFFFFFFF  }
0xb6: {  	_ =	strace $0x90000048  }
0xb7: {  	_ =	sfence  }
0xb8: {  	s30 =	sld [smem:$0x0];
	_ =	sdelay $0x2  }
0xb9: {  	s31 =	sshll.u32 s1, $0xD;
	s1 =	sshrl.u32 s1, $0x2  }
0xba: {  	s3 =	sand.u32 $0x4000, s31;
	s1 =	sadd.s32 s1, s30  }
0xbb: {  	s0 =	sor.u32 s3, s0;
	s1 =	sshll.u32 s1, $0x11  }
0xbc: {  	s0 =	sor.u32 s1, s0  }
0xbd: {  	s0 =	sadd.s32 $0x8F2B, s0  }
0xbe: {  	[sflag:s0] =	ssyncadd.remote.s32 $0x1  }
0xbf: {  	_ =	sfence.sel $0xFFFF  }
0xc0: {  	[dreg:$0x0] =	wrdreg $0xFFFFFFFF;
	(pc) =	sbr.abs _section_cstart, $3  }
0xc1: {  	[dreg:$0x1] =	wrdreg $0xFFFFFFFF  }
0xc2: {  	_ =	task.clear_ibuf [dreg:s7], $0x2FFFF;
	_ =	strace $0x9FFFFFFF  }
0xc3: {  	(tm) =	ssettm $0x7FFFFFFF  }
tec
execute0_lowered:
.L_overlay_start_1:
0x0: {  	(tag) =	ssettag $0x1  }
0x1: {  	s1 =	rddreg [dreg:$0x0]  }
0x2: {  	s0 =	rddreg [dreg:$0x1]  }
0x3: {  	s3 =	rddreg [dreg:$0x2];
	s11 =	stileid.u32  }
0x4: {  	s2 =	srdreg.scid;
	s4 =	simm.s32 $0x0;
	s5 =	smul.u32 $0x2780, s11  }
0x5: {  	s29 =	simm.s32 $0x80;
	s30 =	simm.s32 $0x100;
	s10 =	smul.u32 $0x4F000, s11  }
0x6: {  	s31 =	simm.s32 $0x180;
	s2 =	sand.u32 $0x1, s2;
	s18 =	smul.u32 $0x4E20, s11  }
0x7: {  	[smem:$0x7FF] =	sst s4;
	s7 =	sshll.u32 s11, $0x1;
	s6 =	smul.u32 $0x27800, s2  }
0x8: {  	s7 =	sor.u32 s2, s7;
	s17 =	ssub.s32 $0x2, s2;
	s2 =	smul.u32 $0x2710, s2  }
0x9: {  	s8 =	sadd.s32 $0xC200, s0;
	_ =	strace $0x80000047;
	s7 =	smul.u32 $0x2710, s7  }
0xa: {  	s9 =	sshrl.u32 s17, $0x1;
	s10 =	sshrl.u32 s10, $0x2;
	s6 =	sadd.s32 s5, s6  }
0xb: {  	s5 =	sadd.s32 $0x2400, s0;
	s10 =	sadd.s32 s10, s3;
	s2 =	sadd.s32 s2, s18  }
0xc: {  	s0 =	sadd.s32 s6, s0;
	s7 =	sshrl.u32 s7, $0x3;
	s6 =	ssub.s32 s17, s9  }
0xd: {  	s22 =	sadd.s32 $0x4000, s10;
	s23 =	sadd.s32 $0x380, s2;
	s24 =	sadd.s32 $0x8000, s10  }
0xe: {  	s25 =	sadd.s32 $0xC000, s10;
	s26 =	sadd.s32 $0x10000, s10;
	[dreg:$0xe] =	wrdreg s22  }
0xf: {  	s28 =	sadd.s32 $0x300, s2;
	s16 =	sadd.s32 $0x280, s2;
	[dreg:$0xf] =	wrdreg s24  }
0x10: {  	s14 =	sadd.s32 s8, s7;
	s19 =	sadd.s32 $0x10, s7;
	[dreg:$0x10] =	wrdreg s25  }
0x11: {  	s12 =	sadd.s32 $0x20, s7;
	s15 =	sadd.s32 s5, s7;
	[dreg:$0x11] =	wrdreg s26  }
0x12: {  	s9 =	sshrl.u32 s23, $0x3;
	s0 =	sadd.s32 $0x16000, s0;
	[dreg:$0x9] =	wrdreg s14  }
0x13: {  	s11 =	sshrl.u32 s28, $0x3;
	s25 =	smax.u32 s6, $0x1;
	[dreg:$0x19] =	wrdreg s0  }
0x14: {  	s18 =	sshrl.u32 s16, $0x3;
	s22 =	sadd.s32 $0x4D0, s7;
	[dreg:$0x1a] =	wrdreg s25  }
0x15: {  	s7 =	sadd.s32 $0x4E0, s7;
	s13 =	sadd.s32 s8, s19;
	[dreg:$0xc] =	wrdreg s15  }
0x16: {  	s6 =	simm.s32 $0x7;
	s20 =	sadd.s32 s8, s12;
	[dreg:$0xa] =	wrdreg s13  }
0x17: {  	s16 =	simm.s32 $0x280;
	s21 =	sadd.s32 s5, s19;
	[dreg:$0xb] =	wrdreg s20  }
0x18: {  	s9 =	sadd.s32 s9, s8;
	s19 =	sadd.s32 $0x30, s14;
	[dreg:$0xd] =	wrdreg s21  }
0x19: {  	s12 =	sadd.s32 s5, s12;
	s23 =	sadd.s32 s8, s22;
	[dreg:$0x4] =	wrdreg s9  }
0x1a: {  	s24 =	sadd.s32 s5, s22;
	s25 =	sadd.s32 $0x180, s2;
	[dreg:$0x12] =	wrdreg s19  }
0x1b: {  	s26 =	sadd.s32 $0x4B0, s15;
	s28 =	sadd.s32 $0x4C0, s15;
	[dreg:$0x13] =	wrdreg s12  }
0x1c: {  	s0 =	simm.s32 $0x200;
	s15 =	simm.s32 $0x6;
	[dreg:$0x15] =	wrdreg s23  }
0x1d: {  	s22 =	simm.s32 $0x10;
	s13 =	sadd.s32 $0x200, s2;
	[dreg:$0x18] =	wrdreg s24  }
0x1e: {  	s9 =	sadd.s32 s11, s8;
	s20 =	sadd.s32 s18, s5;
	[dreg:$0x1b] =	wrdreg s26  }
0x1f: {  	s21 =	sadd.s32 $0x40, s14;
	[dreg:$0x1c] =	wrdreg s28;
	s2 =	simm.s32 $0x8400  }
0x20: {  	s12 =	simm.s32 $0x4400;
	s14 =	simm.s32 $0x1;
	[dreg:$0x5] =	wrdreg s9  }
0x21: {  	s19 =	simm.s32 $0x9;
	s11 =	sshrl.u32 s13, $0x3;
	[dreg:$0x14] =	wrdreg s21  }
0x22: {  	s23 =	simm.s32 $0xB;
	[dreg:$0x7] =	wrdreg s20;
	s17 =	sadd.s32 s11, s5  }
0x23: {  	s24 =	simm.s32 $0x0;
	s11 =	sadd.s32 s18, s8;
	[dreg:$0x6] =	wrdreg s17  }
0x24: {  	s13 =	simm.s32 $0xA;
	s8 =	sadd.s32 s8, s7;
	[dreg:$0x8] =	wrdreg s11  }
0x25: {  	s9 =	simm.s32 $0x3;
	s7 =	sadd.s32 s5, s7;
	[dreg:$0x16] =	wrdreg s8  }
0x26: {  	s18 =	simm.s32 $0x8;
	[dreg:$0x17] =	wrdreg s7;
	s7 =	simm.s32 $0x4  }
0x27: {  	v0 =	vimm.f32 $0.0e+00;
	s8 =	simm.s32 $0x400;
	s11 =	simm.s32 $0x5;
	s17 =	simm.s32 $0x2  }
.LBB2_1:
0x28: {  	s20 =	rddreg [dreg:$0x9]  }
0x29: {  	[tilespmem:s4], [sflag:$0x4] =	stream.linear.gather [hbm4b:s20+s4], $0x80, $0x38;
	v63 =	vld [tilespmem:$0x0]  }
0x2a: {  	s28 =	rddreg [dreg:$0xa]  }
0x2b: {  	[tilespmem:s29], [sflag:$0x5] =	stream.linear.gather [hbm4b:s28+s4], $0x80, $0x38;
	v63 =	vld [tilespmem:$0x0]  }
0x2c: {  	s21 =	rddreg [dreg:$0xb]  }
0x2d: {  	[tilespmem:s30], [sflag:$0x6] =	stream.linear.gather [hbm4b:s21+s4], $0x80, $0x38;
	v63 =	vld [tilespmem:$0x0]  }
0x2e: {  	s26 =	rddreg [dreg:$0xc]  }
0x2f: {  	[tilespmem:s31], [sflag:$0x7] =	stream.linear.gather [hbm4b:s26+s4], $0x80, $0x38;
	v63 =	vld [tilespmem:$0x0]  }
0x30: {  	s20 =	simm.s32 $0x0;
	s28 =	rddreg [dreg:$0xd];
	s26 =	simm.s32 $0x200  }
0x31: {  	[tilespmem:s0], [sflag:$0x8] =	stream.linear.gather [hbm4b:s28+s4], $0x80, $0x38;
	v63 =	vld [tilespmem:$0x0]  }
.LBB2_2:
0x32: {  	p0 =	sne.s32 s26, $0xFE00;
	[tilespmem:s20+$0x8470] =	vst v0  }
0x33: {  	[tilespmem:s20+$0x8400] =	vst v0  }
0x34: {  	[tilespmem:s20+$0x8410] =	vst v0  }
.Ltmp0:
0x35: {  	[tilespmem:s20+$0x8420] =	vst v0;
	(pc) =	sbr.rel @p0 .LBB2_2-.Ltmp0, $4  }
0x36: {  	[tilespmem:s20+$0x8430] =	vst v0  }
0x37: {  	[tilespmem:s20+$0x8440] =	vst v0  }
0x38: {  	[tilespmem:s20+$0x8450] =	vst v0  }
0x39: {  	[tilespmem:s20+$0x8460] =	vst v0;
	s20 =	sshra.s32 s26, $0x2;
	s26 =	sadd.s32 $0x200, s26  }
0x3a: {  	[tilespmem:s20+$0x8470] =	vst v0  }
0x3b: {  	[tilespmem:s20+$0x8400] =	vst v0  }
0x3c: {  	[tilespmem:s20+$0x8410] =	vst v0  }
0x3d: {  	[tilespmem:s20+$0x8420] =	vst v0  }
0x3e: {  	[tilespmem:s20+$0x8430] =	vst v0  }
0x3f: {  	[tilespmem:s20+$0x8440] =	vst v0  }
0x40: {  	[tilespmem:s20+$0x8450] =	vst v0  }
0x41: {  	[tilespmem:s20+$0x8460] =	vst v0  }
0x42: {  	[spmem:s10] =	stream.linear.scatter [tilespmem:s2], [sflag:$0xA], $0x4000, $0x38;
	v63 =	vld [tilespmem:$0x0]  }
0x43: {  	s26 =	rddreg [dreg:$0xe]  }
0x44: {  	[spmem:s26] =	stream.linear.scatter [tilespmem:s2], [sflag:$0xA], $0x4000, $0x38;
	v63 =	vld [tilespmem:$0x0]  }
0x45: {  	s21 =	rddreg [dreg:$0xf]  }
0x46: {  	[spmem:s21] =	stream.linear.scatter [tilespmem:s2], [sflag:$0xA], $0x4000, $0x38;
	v63 =	vld [tilespmem:$0x0]  }
0x47: {  	s26 =	rddreg [dreg:$0x10]  }
0x48: {  	[spmem:s26] =	stream.linear.scatter [tilespmem:s2], [sflag:$0xA], $0x4000, $0x38;
	v63 =	vld [tilespmem:$0x0]  }
0x49: {  	s21 =	rddreg [dreg:$0x11]  }
0x4a: {  	[spmem:s21] =	stream.linear.scatter [tilespmem:s2], [sflag:$0xA], $0x3C00, $0x38;
	v63 =	vld [tilespmem:$0x0]  }
0x4b: {  	_ =	swait.ge [sflag:s7], $0x80  }
0x4c: {  	[sflag:s7] =	ssyncset.done $0x0  }
0x4d: {  	s20 =	simm.s32 $0x0;
	[sflag:s7] =	ssyncadd.s32 $0xFFFFFF80  }
0x4e: {  	[tilespmem:s8], [sflag:$0x1] =	stream.indirect.gather [hbm4b:s1+s29], $0x80, s20, s29, $0xb8;
	v63 =	vld [tilespmem:$0x0]  }
0x4f: {  	_ =	swait.ge [sflag:s11], $0x80  }
0x50: {  	[sflag:s11] =	ssyncset.done $0x0  }
0x51: {  	[sflag:s11] =	ssyncadd.s32 $0xFFFFFF80  }
0x52: {  	[tilespmem:s12], [sflag:$0x2] =	stream.indirect.gather [hbm4b:s1+s29], $0x80, s29, s29, $0xb8;
	v63 =	vld [tilespmem:$0x0]  }
0x53: {  	_ =	swait.ge [sflag:s13], $0x4000  }
0x54: {  	[sflag:s13] =	ssyncset.done $0x0  }
0x55: {  	[sflag:s13] =	ssyncadd.s32 $0xFFFFC000  }
0x56: {  	_ =	swait.ge [sflag:s13], $0x4000  }
0x57: {  	[sflag:s13] =	ssyncset.done $0x0  }
0x58: {  	[sflag:s13] =	ssyncadd.s32 $0xFFFFC000  }
0x59: {  	_ =	swait.ge [sflag:s13], $0x4000  }
0x5a: {  	[sflag:s13] =	ssyncset.done $0x0  }
0x5b: {  	[sflag:s13] =	ssyncadd.s32 $0xFFFFC000  }
0x5c: {  	_ =	swait.ge [sflag:s13], $0x4000  }
0x5d: {  	[sflag:s13] =	ssyncset.done $0x0  }
0x5e: {  	[sflag:s13] =	ssyncadd.s32 $0xFFFFC000  }
0x5f: {  	_ =	swait.ge [sflag:s13], $0x3C00  }
0x60: {  	[sflag:s13] =	ssyncset.done $0x0  }
0x61: {  	[sflag:s13] =	ssyncadd.s32 $0xFFFFC400  }
0x62: {  	[bflag:$0x0] =	sbarrier.arrive $0xFFFF  }
0x63: {  	_ =	swait.ge [sflag:s14], $0x4000  }
0x64: {  	[sflag:s14] =	ssyncset.done $0x0  }
0x65: {  	s21 =	rddreg [dreg:$0x12];
	[sflag:s14] =	ssyncadd.s32 $0xFFFFC000  }
0x66: {  	[tilespmem:s20], [sflag:$0x4] =	stream.linear.gather [hbm4b:s21+s20], $0x80, $0x38;
	v63 =	vld [tilespmem:$0x0]  }
0x67: {  	_ =	swait.ge [sflag:s15], $0x80  }
0x68: {  	[sflag:s15] =	ssyncset.done $0x0  }
0x69: {  	[sflag:s15] =	ssyncadd.s32 $0xFFFFFF80  }
0x6a: {  	[tilespmem:s2], [sflag:$0x3] =	stream.indirect.gather [hbm4b:s1+s29], $0x80, s30, s29, $0xb8;
	v63 =	vld [tilespmem:$0x0]  }
0x6b: {  	_ =	swait.ge [sflag:s6], $0x80  }
0x6c: {  	[sflag:s6] =	ssyncset.done $0x0  }
0x6d: {  	[sflag:s6] =	ssyncadd.s32 $0xFFFFFF80  }
0x6e: {  	[spmem:s3] =	stream.indirect.scatter.add.f32 [tilespmem:s8], [sflag:$0xA], $0x80, s31, s29, $0xb8;
	v63 =	vld [tilespmem:$0x0]  }
0x6f: {  	s26 =	rddreg [dreg:$0x13]  }
0x70: {  	[tilespmem:s16], [sflag:$0x9] =	stream.linear.gather [hbm4b:s26+s20], $0x80, $0x38;
	v63 =	vld [tilespmem:$0x0]  }
0x71: {  	_ =	swait.ge [sflag:s17], $0x4000  }
0x72: {  	[sflag:s17] =	ssyncset.done $0x0  }
0x73: {  	s26 =	rddreg [dreg:$0x14];
	[sflag:s17] =	ssyncadd.s32 $0xFFFFC000  }
0x74: {  	[tilespmem:s29], [sflag:$0x5] =	stream.linear.gather [hbm4b:s26+s20], $0x80, $0x38;
	v63 =	vld [tilespmem:$0x0]  }
0x75: {  	_ =	swait.ge [sflag:s7], $0x80  }
0x76: {  	[sflag:s7] =	ssyncset.done $0x0  }
0x77: {  	[sflag:s7] =	ssyncadd.s32 $0xFFFFFF80  }
0x78: {  	_ =	swait.ge [sflag:s13], $0x4000  }
0x79: {  	[sflag:s13] =	ssyncset.done $0x0  }
0x7a: {  	[sflag:s13] =	ssyncadd.s32 $0xFFFFC000  }
0x7b: {  	[tilespmem:s8], [sflag:$0x1] =	stream.indirect.gather [hbm4b:s1+s29], $0x80, s4, s29, $0xb8;
	v63 =	vld [tilespmem:$0x0]  }
0x7c: {  	_ =	swait.ge [sflag:s18], $0x80  }
0x7d: {  	[sflag:s18] =	ssyncset.done $0x0  }
0x7e: {  	s26 =	sshrl.u32 s25, $0x3;
	[sflag:s18] =	ssyncadd.s32 $0xFFFFFF80  }
0x7f: {  	[spmem:s3] =	stream.indirect.scatter.add.f32 [tilespmem:s12], [sflag:$0xA], $0x80, s0, s29, $0xb8;
	v63 =	vld [tilespmem:$0x0]  }
0x80: {  	s20 =	sadd.s32 s5, s26  }
0x81: {  	[tilespmem:s31], [sflag:$0x7] =	stream.linear.gather [hbm4b:s20+s4], $0x80, $0x38;
	v63 =	vld [tilespmem:$0x0]  }
0x82: {  	_ =	swait.ge [sflag:s9], $0x4000  }
0x83: {  	s21 =	rddreg [dreg:$0x8];
	[sflag:s9] =	ssyncset.done $0x0  }
0x84: {  	[sflag:s9] =	ssyncadd.s32 $0xFFFFC000;
	s20 =	sadd.s32 $0x0, s21  }
0x85: {  	[tilespmem:s30], [sflag:$0x6] =	stream.linear.gather [hbm4b:s20+s4], $0x80, $0x38;
	v63 =	vld [tilespmem:$0x0]  }
0x86: {  	_ =	swait.ge [sflag:s11], $0x80  }
0x87: {  	[sflag:s11] =	ssyncset.done $0x0  }
0x88: {  	[sflag:s11] =	ssyncadd.s32 $0xFFFFFF80  }
0x89: {  	_ =	swait.ge [sflag:s13], $0x4000  }
0x8a: {  	[sflag:s13] =	ssyncset.done $0x0  }
0x8b: {  	[sflag:s13] =	ssyncadd.s32 $0xFFFFC000  }
0x8c: {  	[tilespmem:s12], [sflag:$0x2] =	stream.indirect.gather [hbm4b:s1+s29], $0x80, s29, s29, $0xb8;
	v63 =	vld [tilespmem:$0x0]  }
0x8d: {  	_ =	swait.ge [sflag:s19], $0x80  }
0x8e: {  	[sflag:s19] =	ssyncset.done $0x0  }
0x8f: {  	s26 =	rddreg [dreg:$0x6];
	[sflag:s19] =	ssyncadd.s32 $0xFFFFFF80  }
0x90: {  	[spmem:s3] =	stream.indirect.scatter.add.f32 [tilespmem:s2], [sflag:$0xA], $0x80, s16, s29, $0xb8;
	v63 =	vld [tilespmem:$0x0]  }
0x91: {  	s20 =	sadd.s32 $0x0, s26  }
0x92: {  	[tilespmem:s0], [sflag:$0x8] =	stream.linear.gather [hbm4b:s20+s4], $0x80, $0x38;
	v63 =	vld [tilespmem:$0x0]  }
0x93: {  	_ =	swait.ge [sflag:s14], $0x4000  }
0x94: {  	s21 =	rddreg [dreg:$0x5];
	[sflag:s14] =	ssyncset.done $0x0  }
0x95: {  	[sflag:s14] =	ssyncadd.s32 $0xFFFFC000;
	s20 =	sadd.s32 $0x0, s21  }
0x96: {  	[tilespmem:s4], [sflag:$0x4] =	stream.linear.gather [hbm4b:s20+s4], $0x80, $0x38;
	v63 =	vld [tilespmem:$0x0]  }
0x97: {  	_ =	swait.ge [sflag:s15], $0x80  }
0x98: {  	[sflag:s15] =	ssyncset.done $0x0  }
0x99: {  	[sflag:s15] =	ssyncadd.s32 $0xFFFFFF80  }
0x9a: {  	_ =	swait.ge [sflag:s13], $0x4000  }
0x9b: {  	[sflag:s13] =	ssyncset.done $0x0  }
0x9c: {  	[sflag:s13] =	ssyncadd.s32 $0xFFFFC000  }
0x9d: {  	[tilespmem:s2], [sflag:$0x3] =	stream.indirect.gather [hbm4b:s1+s29], $0x80, s30, s29, $0xb8;
	v63 =	vld [tilespmem:$0x0]  }
0x9e: {  	_ =	swait.ge [sflag:s6], $0x80  }
0x9f: {  	[sflag:s6] =	ssyncset.done $0x0  }
0xa0: {  	s26 =	rddreg [dreg:$0x7];
	[sflag:s6] =	ssyncadd.s32 $0xFFFFFF80  }
0xa1: {  	[spmem:s3] =	stream.indirect.scatter.add.f32 [tilespmem:s8], [sflag:$0xA], $0x80, s31, s29, $0xb8;
	v63 =	vld [tilespmem:$0x0]  }
0xa2: {  	s20 =	sadd.s32 $0x0, s26  }
0xa3: {  	[tilespmem:s16], [sflag:$0x9] =	stream.linear.gather [hbm4b:s20+s4], $0x80, $0x38;
	v63 =	vld [tilespmem:$0x0]  }
0xa4: {  	_ =	swait.ge [sflag:s17], $0x4000  }
0xa5: {  	s28 =	sadd.s32 $0x180, s25;
	s21 =	rddreg [dreg:$0x4];
	[sflag:s17] =	ssyncset.done $0x0  }
0xa6: {  	s26 =	simm.s32 $0x30;
	[sflag:s17] =	ssyncadd.s32 $0xFFFFC000;
	s20 =	sadd.s32 $0x0, s21  }
.LBB2_4:
0xa7: {  	[tilespmem:s29], [sflag:$0x5] =	stream.linear.gather [hbm4b:s20+s4], $0x80, $0x38;
	v63 =	vld [tilespmem:$0x0]  }
0xa8: {  	_ =	swait.ge [sflag:s7], $0x80  }
0xa9: {  	[sflag:s7] =	ssyncset.done $0x0  }
0xaa: {  	[sflag:s7] =	ssyncadd.s32 $0xFFFFFF80  }
0xab: {  	_ =	swait.ge [sflag:s13], $0x4000  }
0xac: {  	[sflag:s13] =	ssyncset.done $0x0  }
0xad: {  	[sflag:s13] =	ssyncadd.s32 $0xFFFFC000  }
0xae: {  	[tilespmem:s8], [sflag:$0x1] =	stream.indirect.gather [hbm4b:s1+s29], $0x80, s4, s29, $0xb8;
	v63 =	vld [tilespmem:$0x0]  }
0xaf: {  	_ =	swait.ge [sflag:s18], $0x80  }
0xb0: {  	[sflag:s18] =	ssyncset.done $0x0  }
0xb1: {  	s21 =	sshrl.u32 s28, $0x3;
	[sflag:s18] =	ssyncadd.s32 $0xFFFFFF80  }
0xb2: {  	[spmem:s3] =	stream.indirect.scatter.add.f32 [tilespmem:s12], [sflag:$0xA], $0x80, s0, s29, $0xb8;
	v63 =	vld [tilespmem:$0x0]  }
0xb3: {  	s21 =	sadd.s32 s5, s21  }
0xb4: {  	[tilespmem:s31], [sflag:$0x7] =	stream.linear.gather [hbm4b:s21+s4], $0x80, $0x38;
	v63 =	vld [tilespmem:$0x0]  }
0xb5: {  	_ =	swait.ge [sflag:s9], $0x4000  }
0xb6: {  	s20 =	smov.u32 s26;
	s21 =	rddreg [dreg:$0x8];
	[sflag:s9] =	ssyncset.done $0x0  }
0xb7: {  	[sflag:s9] =	ssyncadd.s32 $0xFFFFC000;
	s21 =	sadd.s32 s20, s21  }
0xb8: {  	[tilespmem:s30], [sflag:$0x6] =	stream.linear.gather [hbm4b:s21+s4], $0x80, $0x38;
	v63 =	vld [tilespmem:$0x0]  }
0xb9: {  	_ =	swait.ge [sflag:s11], $0x80  }
0xba: {  	[sflag:s11] =	ssyncset.done $0x0  }
0xbb: {  	[sflag:s11] =	ssyncadd.s32 $0xFFFFFF80  }
0xbc: {  	_ =	swait.ge [sflag:s13], $0x4000  }
0xbd: {  	[sflag:s13] =	ssyncset.done $0x0  }
0xbe: {  	[sflag:s13] =	ssyncadd.s32 $0xFFFFC000  }
0xbf: {  	[tilespmem:s12], [sflag:$0x2] =	stream.indirect.gather [hbm4b:s1+s29], $0x80, s29, s29, $0xb8;
	v63 =	vld [tilespmem:$0x0]  }
0xc0: {  	_ =	swait.ge [sflag:s19], $0x80  }
0xc1: {  	[sflag:s19] =	ssyncset.done $0x0  }
0xc2: {  	s21 =	rddreg [dreg:$0x6];
	[sflag:s19] =	ssyncadd.s32 $0xFFFFFF80  }
0xc3: {  	[spmem:s3] =	stream.indirect.scatter.add.f32 [tilespmem:s2], [sflag:$0xA], $0x80, s16, s29, $0xb8;
	v63 =	vld [tilespmem:$0x0]  }
0xc4: {  	s21 =	sadd.s32 s20, s21  }
0xc5: {  	[tilespmem:s0], [sflag:$0x8] =	stream.linear.gather [hbm4b:s21+s4], $0x80, $0x38;
	v63 =	vld [tilespmem:$0x0]  }
0xc6: {  	_ =	swait.ge [sflag:s14], $0x4000  }
0xc7: {  	s21 =	rddreg [dreg:$0x5];
	[sflag:s14] =	ssyncset.done $0x0  }
0xc8: {  	[sflag:s14] =	ssyncadd.s32 $0xFFFFC000;
	s21 =	sadd.s32 s20, s21  }
0xc9: {  	[tilespmem:s4], [sflag:$0x4] =	stream.linear.gather [hbm4b:s21+s4], $0x80, $0x38;
	v63 =	vld [tilespmem:$0x0]  }
0xca: {  	_ =	swait.ge [sflag:s15], $0x80  }
0xcb: {  	[sflag:s15] =	ssyncset.done $0x0  }
0xcc: {  	[sflag:s15] =	ssyncadd.s32 $0xFFFFFF80  }
0xcd: {  	_ =	swait.ge [sflag:s13], $0x4000  }
0xce: {  	[sflag:s13] =	ssyncset.done $0x0  }
0xcf: {  	[sflag:s13] =	ssyncadd.s32 $0xFFFFC000  }
0xd0: {  	[tilespmem:s2], [sflag:$0x3] =	stream.indirect.gather [hbm4b:s1+s29], $0x80, s30, s29, $0xb8;
	v63 =	vld [tilespmem:$0x0]  }
0xd1: {  	_ =	swait.ge [sflag:s6], $0x80  }
0xd2: {  	[sflag:s6] =	ssyncset.done $0x0  }
0xd3: {  	p0 =	sne.s32 s26, $0x450;
	s21 =	rddreg [dreg:$0x7];
	[sflag:s6] =	ssyncadd.s32 $0xFFFFFF80  }
0xd4: {  	[spmem:s3] =	stream.indirect.scatter.add.f32 [tilespmem:s8], [sflag:$0xA], $0x80, s31, s29, $0xb8;
	v63 =	vld [tilespmem:$0x0]  }
.Ltmp1:
0xd5: {  	s21 =	sadd.s32 s20, s21;
	(pc) =	sbr.rel @p0 .LBB2_4-.Ltmp1, $4  }
0xd6: {  	[tilespmem:s16], [sflag:$0x9] =	stream.linear.gather [hbm4b:s21+s4], $0x80, $0x38;
	v63 =	vld [tilespmem:$0x0]  }
0xd7: {  	_ =	swait.ge [sflag:s17], $0x4000  }
0xd8: {  	s26 =	sadd.s32 $0x30, s26;
	[sflag:s17] =	ssyncset.done $0x0;
	s21 =	rddreg [dreg:$0x4]  }
0xd9: {  	s28 =	sadd.s32 $0x180, s28;
	[sflag:s17] =	ssyncadd.s32 $0xFFFFC000;
	s20 =	sadd.s32 s20, s21  }
0xda: {  	[tilespmem:s29], [sflag:$0x5] =	stream.linear.gather [hbm4b:s20+s4], $0x80, $0x38;
	v63 =	vld [tilespmem:$0x0]  }
0xdb: {  	_ =	swait.ge [sflag:s7], $0x80  }
0xdc: {  	[sflag:s7] =	ssyncset.done $0x0  }
0xdd: {  	[sflag:s7] =	ssyncadd.s32 $0xFFFFFF80  }
0xde: {  	_ =	swait.ge [sflag:s13], $0x4000  }
0xdf: {  	[sflag:s13] =	ssyncset.done $0x0  }
0xe0: {  	[sflag:s13] =	ssyncadd.s32 $0xFFFFC000  }
0xe1: {  	[tilespmem:s8], [sflag:$0x1] =	stream.indirect.gather [hbm4b:s1+s29], $0x80, s4, s29, $0xb8;
	v63 =	vld [tilespmem:$0x0]  }
0xe2: {  	_ =	swait.ge [sflag:s18], $0x80  }
0xe3: {  	[sflag:s18] =	ssyncset.done $0x0  }
0xe4: {  	[sflag:s18] =	ssyncadd.s32 $0xFFFFFF80  }
0xe5: {  	[spmem:s3] =	stream.indirect.scatter.add.f32 [tilespmem:s12], [sflag:$0xA], $0x80, s0, s29, $0xb8;
	v63 =	vld [tilespmem:$0x0]  }
0xe6: {  	s28 =	rddreg [dreg:$0x1b]  }
0xe7: {  	[tilespmem:s31], [sflag:$0x7] =	stream.linear.gather [hbm4b:s28+s4], $0x80, $0x38;
	v63 =	vld [tilespmem:$0x0]  }
0xe8: {  	_ =	swait.ge [sflag:s9], $0x4000  }
0xe9: {  	[sflag:s9] =	ssyncset.done $0x0  }
0xea: {  	s21 =	rddreg [dreg:$0x15];
	[sflag:s9] =	ssyncadd.s32 $0xFFFFC000  }
0xeb: {  	[tilespmem:s30], [sflag:$0x6] =	stream.linear.gather [hbm4b:s21+s4], $0x80, $0x38;
	v63 =	vld [tilespmem:$0x0]  }
0xec: {  	s26 =	rddreg [dreg:$0x16];
	s21 =	simm.s32 $0x300  }
0xed: {  	[tilespmem:s21], [sflag:$0x4] =	stream.linear.gather [hbm4b:s26+s4], $0x10, $0x38;
	v63 =	vld [tilespmem:$0x0]  }
0xee: {  	s28 =	rddreg [dreg:$0x17];
	s26 =	simm.s32 $0x380  }
0xef: {  	[tilespmem:s26], [sflag:$0x7] =	stream.linear.gather [hbm4b:s28+s4], $0x10, $0x38;
	v63 =	vld [tilespmem:$0x0]  }
0xf0: {  	_ =	swait.ge [sflag:s11], $0x80  }
0xf1: {  	[sflag:s11] =	ssyncset.done $0x0  }
0xf2: {  	[sflag:s11] =	ssyncadd.s32 $0xFFFFFF80  }
0xf3: {  	_ =	swait.ge [sflag:s13], $0x4000  }
0xf4: {  	[sflag:s13] =	ssyncset.done $0x0  }
0xf5: {  	[sflag:s13] =	ssyncadd.s32 $0xFFFFC000  }
0xf6: {  	[tilespmem:s12], [sflag:$0x2] =	stream.indirect.gather [hbm4b:s1+s29], $0x80, s29, s29, $0xb8;
	v63 =	vld [tilespmem:$0x0]  }
0xf7: {  	_ =	swait.ge [sflag:s19], $0x80  }
0xf8: {  	[sflag:s19] =	ssyncset.done $0x0  }
0xf9: {  	[sflag:s19] =	ssyncadd.s32 $0xFFFFFF80  }
0xfa: {  	[spmem:s3] =	stream.indirect.scatter.add.f32 [tilespmem:s2], [sflag:$0xA], $0x80, s16, s29, $0xb8;
	v63 =	vld [tilespmem:$0x0]  }
0xfb: {  	s28 =	rddreg [dreg:$0x1c]  }
0xfc: {  	[tilespmem:s0], [sflag:$0x8] =	stream.linear.gather [hbm4b:s28+s4], $0x80, $0x38;
	v63 =	vld [tilespmem:$0x0]  }
0xfd: {  	_ =	swait.ge [sflag:s14], $0x4000  }
0xfe: {  	[sflag:s14] =	ssyncset.done $0x0  }
0xff: {  	[sflag:s14] =	ssyncadd.s32 $0xFFFFC000  }
0x100: {  	_ =	swait.ge [sflag:s15], $0x80  }
0x101: {  	[sflag:s15] =	ssyncset.done $0x0  }
0x102: {  	[sflag:s15] =	ssyncadd.s32 $0xFFFFFF80  }
0x103: {  	_ =	swait.ge [sflag:s13], $0x4000  }
0x104: {  	[sflag:s13] =	ssyncset.done $0x0  }
0x105: {  	[sflag:s13] =	ssyncadd.s32 $0xFFFFC000  }
0x106: {  	[tilespmem:s2], [sflag:$0x3] =	stream.indirect.gather [hbm4b:s1+s29], $0x80, s30, s29, $0xb8;
	v63 =	vld [tilespmem:$0x0]  }
0x107: {  	_ =	swait.ge [sflag:s6], $0x80  }
0x108: {  	[sflag:s6] =	ssyncset.done $0x0  }
0x109: {  	[sflag:s6] =	ssyncadd.s32 $0xFFFFFF80  }
0x10a: {  	[spmem:s3] =	stream.indirect.scatter.add.f32 [tilespmem:s8], [sflag:$0xA], $0x80, s31, s29, $0xb8;
	v63 =	vld [tilespmem:$0x0]  }
0x10b: {  	s28 =	rddreg [dreg:$0x18]  }
0x10c: {  	[tilespmem:s16], [sflag:$0x9] =	stream.linear.gather [hbm4b:s28+s4], $0x80, $0x38;
	v63 =	vld [tilespmem:$0x0]  }
0x10d: {  	_ =	swait.ge [sflag:s17], $0x4000  }
0x10e: {  	[sflag:s17] =	ssyncset.done $0x0  }
0x10f: {  	[sflag:s17] =	ssyncadd.s32 $0xFFFFC000  }
0x110: {  	_ =	swait.ge [sflag:s13], $0x4000  }
0x111: {  	[sflag:s13] =	ssyncset.done $0x0  }
0x112: {  	[sflag:s13] =	ssyncadd.s32 $0xFFFFC000  }
0x113: {  	_ =	swait.ge [sflag:s18], $0x80  }
0x114: {  	[sflag:s18] =	ssyncset.done $0x0  }
0x115: {  	[sflag:s18] =	ssyncadd.s32 $0xFFFFFF80  }
0x116: {  	[spmem:s3] =	stream.indirect.scatter.add.f32 [tilespmem:s12], [sflag:$0xA], $0x80, s0, s29, $0xb8;
	v63 =	vld [tilespmem:$0x0]  }
0x117: {  	_ =	swait.ge [sflag:s9], $0x4000  }
0x118: {  	[sflag:s9] =	ssyncset.done $0x0  }
0x119: {  	[sflag:s9] =	ssyncadd.s32 $0xFFFFC000  }
0x11a: {  	_ =	swait.ge [sflag:s13], $0x4000  }
0x11b: {  	[sflag:s13] =	ssyncset.done $0x0  }
0x11c: {  	[sflag:s13] =	ssyncadd.s32 $0xFFFFC000  }
0x11d: {  	_ =	swait.ge [sflag:s19], $0x80  }
0x11e: {  	[sflag:s19] =	ssyncset.done $0x0  }
0x11f: {  	[sflag:s19] =	ssyncadd.s32 $0xFFFFFF80  }
0x120: {  	[spmem:s3] =	stream.indirect.scatter.add.f32 [tilespmem:s2], [sflag:$0xA], $0x80, s16, s29, $0xb8;
	v63 =	vld [tilespmem:$0x0]  }
0x121: {  	_ =	swait.ge [sflag:s7], $0x10  }
0x122: {  	[sflag:s7] =	ssyncset.done $0x0  }
0x123: {  	[sflag:s7] =	ssyncadd.s32 $0xFFFFFFF0  }
0x124: {  	[tilespmem:s8], [sflag:$0x1] =	stream.indirect.gather [hbm4b:s1+s22], $0x80, s21, s22, $0xb8;
	v63 =	vld [tilespmem:$0x0]  }
0x125: {  	_ =	swait.ge [sflag:s6], $0x10  }
0x126: {  	[sflag:s6] =	ssyncset.done $0x0  }
0x127: {  	[sflag:s6] =	ssyncadd.s32 $0xFFFFFFF0  }
0x128: {  	_ =	swait.ge [sflag:s14], $0x800  }
0x129: {  	[sflag:s14] =	ssyncset.done $0x0  }
0x12a: {  	[sflag:s14] =	ssyncadd.s32 $0xFFFFF800  }
0x12b: {  	_ =	swait.ge [sflag:s13], $0x4000  }
0x12c: {  	[sflag:s13] =	ssyncset.done $0x0  }
0x12d: {  	[sflag:s13] =	ssyncadd.s32 $0xFFFFC000  }
0x12e: {  	[spmem:s3] =	stream.indirect.scatter.add.f32 [tilespmem:s8], [sflag:$0xB], $0x80, s26, s22, $0xb8;
	v63 =	vld [tilespmem:$0x0]  }
0x12f: {  	_ =	swait.ge [sflag:s23], $0x800  }
0x130: {  	[sflag:s23] =	ssyncset.done $0x0  }
0x131: {  	s21 =	stileid.u32;
	[sflag:s23] =	ssyncadd.s32 $0xFFFFF800  }
0x132: {  	s20 =	sshll.u32 s21, $0x6;
	[bflag:$0x0] =	sbarrier.arrive $0xFFFF  }
0x133: {  	s20 =	sor.u32 $0x1C0B, s20;
	s26 =	sshrl.u32 s10, $0x3;
	s28 =	rddreg [dreg:$0x19]  }
0x134: {  	[hbm:s28], [sflag:s20] =	dma.local [spmem:s26], $0x2780  }
0x135: {  	_ =	swait.ge [sflag:s23], $0x2780  }
0x136: {  	s24 =	sadd.s32 $0x1, s24;
	s28 =	rddreg [dreg:$0x1a]  }
0x137: {  	p0 =	sne.s32 s24, s28  }
.Ltmp2:
0x138: {  	_ = 	snop;
	(pc) =	sbr.rel @p0 .LBB2_1-.Ltmp2, $3  }
0x139: {  	_ =	sdelay $0x1  }
0x13a: {  	[sflag:s23] =	ssyncset.done $0x0  }
0x13b: {  	[sflag:s23] =	ssyncadd.s32 $0xFFFFD880  }
0x13c: {  	_ =	sfence.sel $0x180000  }
0x13d: {  	[bflag:$0x0] =	sbarrier.arrive $0xFFFF  }
0x13e: {  	_ =	strace $0x90000047  }
0x13f: {  	s0 =	stileid.u32;
	[bflag:$0x2] =	sbarrier.arrive $0xFFFF  }
0x140: {  	p0 =	sne.s32 s0, $0x0;
	s0 =	rddreg [dreg:$0x3]  }
0x141: {  	s0 =	sadd.s32 @!p0 $0x100000, s0  }
0x142: {  	[sflag:s0] =	ssyncadd.tile.s32 @!p0 $0x1;
	_ =	shalt  }
.Lfunc_end2:
_tile_overlayer_lowered:
.L_overlay_start_2:
0x143: {  	(tag) =	ssettag $0x2  }
0x144: {  	s0 =	rddreg [dreg:$0x0];
	s2 =	stileid.u32  }
0x145: {  	s1 =	rddreg [dreg:$0x1];
	p0 =	sne.s32 s2, $0x0  }
0x146: {  	s3 =	rddreg [dreg:$0x2];
	[bflag:$0x3] =	sbarrier.arrive $0xFFFF;
	s2 =	simm.s32 @!p0 $0x1C0B  }
0x147: {  	[timem:s3], [sflag:s2] =	dma.local @!p0 [hbm:s0], s1  }
0x148: {  	s0 =	simm.s32 @!p0 $0xB  }
0x149: {  	_ =	swait.ge @!p0 [sflag:s0], s1  }
0x14a: {  	s1 =	ssub.s32 @!p0 $0x0, s1;
	[sflag:s0] =	ssyncset.done @!p0 $0x0  }
0x14b: {  	[sflag:s0] =	ssyncadd.s32 @!p0 s1  }
0x14c: {  	[bflag:$0x3] =	sbarrier.arrive $0xFFFF  }
0x14d: {  	_ =	shalt  }

// kernel: kernel.9.cloned.1.call-start
scs
__scs_entry_jumppad:
0x0: {  	(pc) =	sbr.rel $0x88, $3  }
0x1: {  	(tag) =	ssettag $0x0;
	lr =	simm.s32 $0x1  }
0x2: {  	[smem:$0x3F95] =	sst lr;
	_ =	strace $0xD0000000  }
0x3: {  	_ = 	snop  }
0x4: {  	_ = 	snop  }
0x5: {  	_ = 	snop  }
0x6: {  	_ = 	snop  }
0x7: {  	_ = 	snop  }
__scs_overlays_trampoline_lowered:
0x8: {  	[smem:$0x3FA4] =	sst s0  }
0x9: {  	[smem:$0x3FA5] =	sst s1  }
0xa: {  	[smem:$0x3FA6] =	sst s2  }
0xb: {  	[smem:$0x3FA7] =	sst s3  }
0xc: {  	[smem:$0x3FA8] =	sst s4  }
0xd: {  	[smem:$0x3FA9] =	sst s5  }
0xe: {  	[smem:$0x3FAA] =	sst s6  }
0xf: {  	[smem:$0x3FAB] =	sst s7  }
0x10: {  	[smem:$0x3FAC] =	sst s8  }
0x11: {  	[smem:$0x3FAD] =	sst s9;
	s0 =	simm.s32 @!p0 $0x0  }
0x12: {  	s1 =	sld [smem:$0x3F93];
	s0 =	simm.s32 @p0 $0x1  }
0x13: {  	[smem:$0x3FAE] =	sst s0;
	s0 =	simm.s32 @!p1 $0x0  }
0x14: {  	s2 =	sld [smem:$0x3F92];
	s0 =	simm.s32 @p1 $0x1  }
0x15: {  	[smem:$0x3FAF] =	sst s0;
	s0 =	simm.s32 @!p2 $0x0  }
0x16: {  	s3 =	sld [smem:$0x3FDB];
	s0 =	simm.s32 @p2 $0x1  }
0x17: {  	s4 =	simm.s32 $0x1BF5;
	[smem:$0x3FB1] =	sst s0  }
0x18: {  	s0 =	sld [smem:$0x3F94];
	_ =	swait.ge [sflag:s4], $0x0  }
0x19: {  	s7 =	sld [smem:$0x3F95]  }
0x1a: {  	s8 =	sadd.s32 $0xFFFFE003, lr  }
0x1b: {  	s9 =	sadd.s32 $0xFFFFFEF7, lr;
	s5 =	simm.s32 $0xFFFFFFFF;
	p2 =	slt.u32 s8, $0xFFFFF086  }
0x1c: {  	p1 =	slt.u32 s9, $0xF7A;
	s5 =	simm.s32 @!p2 $0x0  }
0x1d: {  	s5 =	simm.s32 @p1 $0x1;
	p0 =	seq.s32 s7, s2  }
0x1e: {  	s7 =	smul.u32 @!p0 $0xF7A, s2;
	p2 =	seq.s32 @!p0 s5, $0x0  }
0x1f: {  	s9 =	smul.u32 $0xF7A, s1;
	s8 =	simm.s32 @!p0 $0x1BF5;
	p2 =	por !p2, p0  }
0x20: {  	[sflag:s8] =	ssyncset.s32 @!p0 $0xFFFFF086;
	s6 =	sadd.s32 @!p0 s3, s7;
	s7 =	simm.s32 @!p0 $0x108  }
0x21: {  	s3 =	sadd.s32 s3, s9;
	s6 =	sadd.s32 @!p0 $0x88, s6;
	s7 =	simm.s32 @p2 $0x1082  }
0x22: {  	[simem:s7], [sflag:s8] =	dma.local @!p0 [hbm:s6], $0xF7A  }
0x23: {  	s9 =	sor.u32 $0xD0000000, s2;
	s6 =	simm.s32 $0x108;
	_ =	swait.ge @!p0 [sflag:s8], $0x0  }
0x24: {  	s3 =	sadd.s32 $0x88, s3;
	s6 =	simm.s32 @!p1 $0x1082;
	[sflag:s4] =	ssyncset.s32 $0xFFFFF086  }
0x25: {  	[simem:s6], [sflag:s4] =	dma.local [hbm:s3], $0xF7A  }
0x26: {  	[smem:$0x3F95] =	sst s1;
	(tag) =	ssettag s2;
	_ =	strace s9  }
0x27: {  	s1 =	sld [smem:$0x3FA5]  }
0x28: {  	s2 =	sld [smem:$0x3FA6]  }
0x29: {  	s4 =	sld [smem:$0x3FA8]  }
0x2a: {  	p0 =	seq.s32 s5, $0x0;
	s5 =	sld [smem:$0x3FA9]  }
0x2b: {  	s6 =	sld [smem:$0x3FAA]  }
0x2c: {  	s7 =	sld [smem:$0x3FAB]  }
0x2d: {  	s3 =	simm.s32 $0x108;
	s8 =	sld [smem:$0x3FAC]  }
0x2e: {  	s3 =	simm.s32 @!p0 $0x1082;
	s9 =	sld [smem:$0x3FAD]  }
0x2f: {  	lr =	sadd.s32 s0, s3;
	s0 =	sld [smem:$0x3FA4]  }
0x30: {  	s3 =	sld [smem:$0x3FA7]  }
0x31: {  	[smem:$0x3FB0] =	sst s10  }
0x32: {  	s10 =	sld [smem:$0x3FAE];
	_ =	sdelay $0x3  }
0x33: {  	p0 =	seq.s32 s10, $0x1;
	s10 =	sld [smem:$0x3FB0];
	_ =	sdelay $0x3  }
0x34: {  	[smem:$0x3FB0] =	sst s10  }
0x35: {  	s10 =	sld [smem:$0x3FAF];
	_ =	sdelay $0x3  }
0x36: {  	p1 =	seq.s32 s10, $0x1;
	s10 =	sld [smem:$0x3FB0];
	_ =	sdelay $0x3  }
0x37: {  	[smem:$0x3FB0] =	sst s10  }
0x38: {  	s10 =	sld [smem:$0x3FB1]  }
0x39: {  	_ = 	snop;
	(pc) =	sbr.ind lr, $3  }
0x3a: {  	_ = 	snop  }
0x3b: {  	_ = 	snop  }
0x3c: {  	p2 =	seq.s32 s10, $0x1;
	s10 =	sld [smem:$0x3FB0]  }
0x3d: {  	_ =	shalt  }
0x3e: {  	_ =	shalt  }
0x3f: {  	_ =	shalt  }
0x40: {  	_ =	shalt  }
0x41: {  	_ =	shalt  }
0x42: {  	_ =	shalt  }
0x43: {  	_ =	shalt  }
0x44: {  	_ =	shalt  }
0x45: {  	_ =	shalt  }
0x46: {  	_ =	shalt  }
0x47: {  	_ =	shalt  }
0x48: {  	_ =	shalt  }
0x49: {  	_ =	shalt  }
0x4a: {  	_ =	shalt  }
0x4b: {  	_ =	shalt  }
0x4c: {  	_ =	shalt  }
0x4d: {  	_ =	shalt  }
0x4e: {  	_ =	shalt  }
0x4f: {  	_ =	shalt  }
0x50: {  	_ =	shalt  }
0x51: {  	_ =	shalt  }
0x52: {  	_ =	shalt  }
0x53: {  	_ =	shalt  }
0x54: {  	_ =	shalt  }
0x55: {  	_ =	shalt  }
0x56: {  	_ =	shalt  }
0x57: {  	_ =	shalt  }
0x58: {  	_ =	shalt  }
0x59: {  	_ =	shalt  }
0x5a: {  	_ =	shalt  }
0x5b: {  	_ =	shalt  }
0x5c: {  	_ =	shalt  }
0x5d: {  	_ =	shalt  }
0x5e: {  	_ =	shalt  }
0x5f: {  	_ =	shalt  }
0x60: {  	_ =	shalt  }
0x61: {  	_ =	shalt  }
0x62: {  	_ =	shalt  }
0x63: {  	_ =	shalt  }
0x64: {  	_ =	shalt  }
0x65: {  	_ =	shalt  }
0x66: {  	_ =	shalt  }
0x67: {  	_ =	shalt  }
0x68: {  	_ =	shalt  }
0x69: {  	_ =	shalt  }
0x6a: {  	_ =	shalt  }
0x6b: {  	_ =	shalt  }
0x6c: {  	_ =	shalt  }
0x6d: {  	_ =	shalt  }
0x6e: {  	_ =	shalt  }
0x6f: {  	_ =	shalt  }
0x70: {  	_ =	shalt  }
0x71: {  	_ =	shalt  }
0x72: {  	_ =	shalt  }
0x73: {  	_ =	shalt  }
0x74: {  	_ =	shalt  }
0x75: {  	_ =	shalt  }
0x76: {  	_ =	shalt  }
0x77: {  	_ =	shalt  }
0x78: {  	_ =	shalt  }
0x79: {  	_ =	shalt  }
0x7a: {  	_ =	shalt  }
0x7b: {  	_ =	shalt  }
0x7c: {  	_ =	shalt  }
0x7d: {  	_ =	shalt  }
0x7e: {  	_ =	shalt  }
0x7f: {  	_ =	shalt  }
0x80: {  	_ =	shalt  }
0x81: {  	_ =	shalt  }
0x82: {  	_ =	shalt  }
0x83: {  	_ =	shalt  }
0x84: {  	_ =	shalt  }
0x85: {  	_ =	shalt  }
0x86: {  	_ =	shalt  }
0x87: {  	_ =	shalt  }
.Lfunc_end0:
.L_simem_size_0:
called_computation.1_lowered:
.L_overlay_start_0:
0x88: {  	s2 =	sld [smem:$0x3FD9]  }
0x89: {  	s3 =	sld [smem:$0x3FFE];
	_ =	sdelay $0x1  }
0x8a: {  	s1 =	srdreg.scid  }
0x8b: {  	s0 =	sand.u32 $0x1, s1  }
0x8c: {  	s17 =	sshll.u32 s0, $0xA;
	s2 =	sadd.s32 s3, s2  }
0x8d: {  	s2 =	sadd.s32 s2, s17  }
0x8e: {  	[smem:$0x3FBC] =	sst s2  }
0x8f: {  	_ = 	snop  }
0x90: {  	s2 =	sld [smem:$0x3FD0];
	(tm) =	ssettm $0x1  }
0x91: {  	s18 =	sld [smem:$0x3FFB];
	_ =	sdelay $0x3  }
0x92: {  	_ =	strace s18  }
0x93: {  	s3 =	sld [smem:$0x3FFC];
	_ =	sdelay $0x3  }
0x94: {  	_ =	strace s3  }
0x95: {  	s3 =	sld [smem:$0x3FFD];
	_ =	sdelay $0x3  }
0x96: {  	_ =	strace s3  }
0x97: {  	_ =	strace $0x8FFFFFFF  }
0x98: {  	s19 =	sld [smem:$0x3FDB];
	_ =	sdelay $0x1  }
0x99: {  	s4 =	simm.s32 $_scs_section_size  }
0x9a: {  	s5 =	simm.s32 $_size__tile_overlayer_lowered;
	s6 =	simm.s32 $_tile_overlayer_lowered  }
0x9b: {  	s22 =	simm.s32 $0x1BFF;
	s21 =	sshll.u32 s6, $0x1;
	s3 =	sadd.s32 s4, s19  }
0x9c: {  	s7 =	simm.s32 $0x0;
	s20 =	sshll.u32 s5, $0x1;
	s5 =	sadd.s32 s21, s3  }
0x9d: {  	[timem:s7], [sflag:s22] =	dma.local [hbm:s5], s20  }
0x9e: {  	_ =	swait.ge [sflag:s22], s20  }
0x9f: {  	s4 =	ssub.s32 $0x0, s20;
	[sflag:s22] =	ssyncset.done $0x0  }
0xa0: {  	[sflag:s22] =	ssyncadd.s32 s4;
	_ =	sdelay $0x1  }
0xa1: {  	s23 =	simm.s32 $0x1B8B  }
0xa2: {  	_ =	swait.ge [sflag:s23], $0x1  }
0xa3: {  	[sflag:s23] =	ssyncset.done $0x0  }
0xa4: {  	s25 =	simm.s32 $0x1B8E;
	s24 =	sld [smem:$0x3FFE];
	[sflag:s23] =	ssyncadd.s32 $0xFFFFFFFF  }
0xa5: {  	s26 =	simm.s32 $execute0_lowered;
	[smem:$0x3FD2] =	sst s25  }
0xa6: {  	s5 =	sshll.u32 s26, $0x1;
	_ =	strace $0x80000049;
	[dreg:$0x1] =	wrdreg $0xFFFFFFFF  }
0xa7: {  	s28 =	simm.s32 $_size_execute0_lowered;
	s3 =	sadd.s32 s3, s5;
	[dreg:$0x0] =	wrdreg $0x0  }
0xa8: {  	s5 =	sshll.u32 s28, $0x1;
	[dreg:$0x2] =	wrdreg s3  }
0xa9: {  	[dreg:$0x3] =	wrdreg s5  }
0xaa: {  	[dreg:$0x4] =	wrdreg $0xC0  }
0xab: {  	_ =	task [dreg:s7], $0x5FFFF  }
0xac: {  	[dreg:$0x1] =	wrdreg $0xFFFFFFFF  }
0xad: {  	[dreg:$0x0] =	wrdreg $0x60  }
0xae: {  	[dreg:$0x2] =	wrdreg s2  }
0xaf: {  	[dreg:$0x3] =	wrdreg s24  }
0xb0: {  	[dreg:$0x4] =	wrdreg $0xC4000  }
0xb1: {  	[dreg:$0x5] =	wrdreg $0x9  }
0xb2: {  	_ =	task.clear_ibuf [dreg:s7], $0x6FFFF;
	_ =	strace $0x90000049  }
0xb3: {  	s29 =	simm.s32 $0x9;
	_ =	strace $0x8000004B  }
0xb4: {  	_ =	swait.ge [sflag:s29], $0x1  }
0xb5: {  	[sflag:s29] =	ssyncadd.s32 $0xFFFFFFFF  }
0xb6: {  	_ =	strace $0x9000004B  }
0xb7: {  	_ =	sfence  }
0xb8: {  	s30 =	sld [smem:$0x0];
	_ =	sdelay $0x2  }
0xb9: {  	s31 =	sshll.u32 s1, $0xD;
	s1 =	sshrl.u32 s1, $0x2  }
0xba: {  	s3 =	sand.u32 $0x4000, s31;
	s1 =	sadd.s32 s1, s30  }
0xbb: {  	s0 =	sor.u32 s3, s0;
	s1 =	sshll.u32 s1, $0x11  }
0xbc: {  	s0 =	sor.u32 s1, s0  }
0xbd: {  	s0 =	sadd.s32 $0x8F2B, s0  }
0xbe: {  	[sflag:s0] =	ssyncadd.remote.s32 $0x1  }
0xbf: {  	_ =	sfence.sel $0xFFFF  }
0xc0: {  	[dreg:$0x0] =	wrdreg $0xFFFFFFFF;
	(pc) =	sbr.abs _section_cstart, $3  }
0xc1: {  	[dreg:$0x1] =	wrdreg $0xFFFFFFFF  }
0xc2: {  	_ =	task.clear_ibuf [dreg:s7], $0x2FFFF;
	_ =	strace $0x9FFFFFFF  }
0xc3: {  	(tm) =	ssettm $0x7FFFFFFF  }
tec
execute0_lowered:
.L_overlay_start_1:
0x0: {  	(tag) =	ssettag $0x1  }
0x1: {  	s1 =	rddreg [dreg:$0x0]  }
0x2: {  	s0 =	rddreg [dreg:$0x1]  }
0x3: {  	s3 =	rddreg [dreg:$0x2];
	s11 =	stileid.u32  }
0x4: {  	s2 =	srdreg.scid;
	s4 =	simm.s32 $0x0;
	s5 =	smul.u32 $0x2780, s11  }
0x5: {  	s29 =	simm.s32 $0x80;
	s30 =	simm.s32 $0x100;
	s10 =	smul.u32 $0x4F000, s11  }
0x6: {  	s31 =	simm.s32 $0x180;
	s2 =	sand.u32 $0x1, s2;
	s18 =	smul.u32 $0x4E20, s11  }
0x7: {  	[smem:$0x7FF] =	sst s4;
	s7 =	sshll.u32 s11, $0x1;
	s6 =	smul.u32 $0x27800, s2  }
0x8: {  	s7 =	sor.u32 s2, s7;
	s17 =	ssub.s32 $0x2, s2;
	s2 =	smul.u32 $0x2710, s2  }
0x9: {  	s8 =	sadd.s32 $0xC200, s0;
	_ =	strace $0x8000004A;
	s7 =	smul.u32 $0x2710, s7  }
0xa: {  	s9 =	sshrl.u32 s17, $0x1;
	s10 =	sshrl.u32 s10, $0x2;
	s6 =	sadd.s32 s5, s6  }
0xb: {  	s5 =	sadd.s32 $0x2400, s0;
	s10 =	sadd.s32 s10, s3;
	s2 =	sadd.s32 s2, s18  }
0xc: {  	s0 =	sadd.s32 s6, s0;
	s7 =	sshrl.u32 s7, $0x3;
	s6 =	ssub.s32 s17, s9  }
0xd: {  	s22 =	sadd.s32 $0x4000, s10;
	s23 =	sadd.s32 $0x380, s2;
	s24 =	sadd.s32 $0x8000, s10  }
0xe: {  	s25 =	sadd.s32 $0xC000, s10;
	s26 =	sadd.s32 $0x10000, s10;
	[dreg:$0xe] =	wrdreg s22  }
0xf: {  	s28 =	sadd.s32 $0x300, s2;
	s16 =	sadd.s32 $0x280, s2;
	[dreg:$0xf] =	wrdreg s24  }
0x10: {  	s14 =	sadd.s32 s8, s7;
	s19 =	sadd.s32 $0x10, s7;
	[dreg:$0x10] =	wrdreg s25  }
0x11: {  	s12 =	sadd.s32 $0x20, s7;
	s15 =	sadd.s32 s5, s7;
	[dreg:$0x11] =	wrdreg s26  }
0x12: {  	s9 =	sshrl.u32 s23, $0x3;
	s0 =	sadd.s32 $0x16000, s0;
	[dreg:$0x9] =	wrdreg s14  }
0x13: {  	s11 =	sshrl.u32 s28, $0x3;
	s25 =	smax.u32 s6, $0x1;
	[dreg:$0x19] =	wrdreg s0  }
0x14: {  	s18 =	sshrl.u32 s16, $0x3;
	s22 =	sadd.s32 $0x4D0, s7;
	[dreg:$0x1a] =	wrdreg s25  }
0x15: {  	s7 =	sadd.s32 $0x4E0, s7;
	s13 =	sadd.s32 s8, s19;
	[dreg:$0xc] =	wrdreg s15  }
0x16: {  	s6 =	simm.s32 $0x7;
	s20 =	sadd.s32 s8, s12;
	[dreg:$0xa] =	wrdreg s13  }
0x17: {  	s16 =	simm.s32 $0x280;
	s21 =	sadd.s32 s5, s19;
	[dreg:$0xb] =	wrdreg s20  }
0x18: {  	s9 =	sadd.s32 s9, s8;
	s19 =	sadd.s32 $0x30, s14;
	[dreg:$0xd] =	wrdreg s21  }
0x19: {  	s12 =	sadd.s32 s5, s12;
	s23 =	sadd.s32 s8, s22;
	[dreg:$0x4] =	wrdreg s9  }
0x1a: {  	s24 =	sadd.s32 s5, s22;
	s25 =	sadd.s32 $0x180, s2;
	[dreg:$0x12] =	wrdreg s19  }
0x1b: {  	s26 =	sadd.s32 $0x4B0, s15;
	s28 =	sadd.s32 $0x4C0, s15;
	[dreg:$0x13] =	wrdreg s12  }
0x1c: {  	s0 =	simm.s32 $0x200;
	s15 =	simm.s32 $0x6;
	[dreg:$0x15] =	wrdreg s23  }
0x1d: {  	s22 =	simm.s32 $0x10;
	s13 =	sadd.s32 $0x200, s2;
	[dreg:$0x18] =	wrdreg s24  }
0x1e: {  	s9 =	sadd.s32 s11, s8;
	s20 =	sadd.s32 s18, s5;
	[dreg:$0x1b] =	wrdreg s26  }
0x1f: {  	s21 =	sadd.s32 $0x40, s14;
	[dreg:$0x1c] =	wrdreg s28;
	s2 =	simm.s32 $0x8400  }
0x20: {  	s12 =	simm.s32 $0x4400;
	s14 =	simm.s32 $0x1;
	[dreg:$0x5] =	wrdreg s9  }
0x21: {  	s19 =	simm.s32 $0x9;
	s11 =	sshrl.u32 s13, $0x3;
	[dreg:$0x14] =	wrdreg s21  }
0x22: {  	s23 =	simm.s32 $0xB;
	[dreg:$0x7] =	wrdreg s20;
	s17 =	sadd.s32 s11, s5  }
0x23: {  	s24 =	simm.s32 $0x0;
	s11 =	sadd.s32 s18, s8;
	[dreg:$0x6] =	wrdreg s17  }
0x24: {  	s13 =	simm.s32 $0xA;
	s8 =	sadd.s32 s8, s7;
	[dreg:$0x8] =	wrdreg s11  }
0x25: {  	s9 =	simm.s32 $0x3;
	s7 =	sadd.s32 s5, s7;
	[dreg:$0x16] =	wrdreg s8  }
0x26: {  	s18 =	simm.s32 $0x8;
	[dreg:$0x17] =	wrdreg s7;
	s7 =	simm.s32 $0x4  }
0x27: {  	v0 =	vimm.f32 $0.0e+00;
	s8 =	simm.s32 $0x400;
	s11 =	simm.s32 $0x5;
	s17 =	simm.s32 $0x2  }
.LBB2_1:
0x28: {  	s20 =	rddreg [dreg:$0x9]  }
0x29: {  	[tilespmem:s4], [sflag:$0x4] =	stream.linear.gather [hbm4b:s20+s4], $0x80, $0x38;
	v63 =	vld [tilespmem:$0x0]  }
0x2a: {  	s28 =	rddreg [dreg:$0xa]  }
0x2b: {  	[tilespmem:s29], [sflag:$0x5] =	stream.linear.gather [hbm4b:s28+s4], $0x80, $0x38;
	v63 =	vld [tilespmem:$0x0]  }
0x2c: {  	s21 =	rddreg [dreg:$0xb]  }
0x2d: {  	[tilespmem:s30], [sflag:$0x6] =	stream.linear.gather [hbm4b:s21+s4], $0x80, $0x38;
	v63 =	vld [tilespmem:$0x0]  }
0x2e: {  	s26 =	rddreg [dreg:$0xc]  }
0x2f: {  	[tilespmem:s31], [sflag:$0x7] =	stream.linear.gather [hbm4b:s26+s4], $0x80, $0x38;
	v63 =	vld [tilespmem:$0x0]  }
0x30: {  	s20 =	simm.s32 $0x0;
	s28 =	rddreg [dreg:$0xd];
	s26 =	simm.s32 $0x200  }
0x31: {  	[tilespmem:s0], [sflag:$0x8] =	stream.linear.gather [hbm4b:s28+s4], $0x80, $0x38;
	v63 =	vld [tilespmem:$0x0]  }
.LBB2_2:
0x32: {  	p0 =	sne.s32 s26, $0xFE00;
	[tilespmem:s20+$0x8470] =	vst v0  }
0x33: {  	[tilespmem:s20+$0x8400] =	vst v0  }
0x34: {  	[tilespmem:s20+$0x8410] =	vst v0  }
.Ltmp0:
0x35: {  	[tilespmem:s20+$0x8420] =	vst v0;
	(pc) =	sbr.rel @p0 .LBB2_2-.Ltmp0, $4  }
0x36: {  	[tilespmem:s20+$0x8430] =	vst v0  }
0x37: {  	[tilespmem:s20+$0x8440] =	vst v0  }
0x38: {  	[tilespmem:s20+$0x8450] =	vst v0  }
0x39: {  	[tilespmem:s20+$0x8460] =	vst v0;
	s20 =	sshra.s32 s26, $0x2;
	s26 =	sadd.s32 $0x200, s26  }
0x3a: {  	[tilespmem:s20+$0x8470] =	vst v0  }
0x3b: {  	[tilespmem:s20+$0x8400] =	vst v0  }
0x3c: {  	[tilespmem:s20+$0x8410] =	vst v0  }
0x3d: {  	[tilespmem:s20+$0x8420] =	vst v0  }
0x3e: {  	[tilespmem:s20+$0x8430] =	vst v0  }
0x3f: {  	[tilespmem:s20+$0x8440] =	vst v0  }
0x40: {  	[tilespmem:s20+$0x8450] =	vst v0  }
0x41: {  	[tilespmem:s20+$0x8460] =	vst v0  }
0x42: {  	[spmem:s10] =	stream.linear.scatter [tilespmem:s2], [sflag:$0xA], $0x4000, $0x38;
	v63 =	vld [tilespmem:$0x0]  }
0x43: {  	s26 =	rddreg [dreg:$0xe]  }
0x44: {  	[spmem:s26] =	stream.linear.scatter [tilespmem:s2], [sflag:$0xA], $0x4000, $0x38;
	v63 =	vld [tilespmem:$0x0]  }
0x45: {  	s21 =	rddreg [dreg:$0xf]  }
0x46: {  	[spmem:s21] =	stream.linear.scatter [tilespmem:s2], [sflag:$0xA], $0x4000, $0x38;
	v63 =	vld [tilespmem:$0x0]  }
0x47: {  	s26 =	rddreg [dreg:$0x10]  }
0x48: {  	[spmem:s26] =	stream.linear.scatter [tilespmem:s2], [sflag:$0xA], $0x4000, $0x38;
	v63 =	vld [tilespmem:$0x0]  }
0x49: {  	s21 =	rddreg [dreg:$0x11]  }
0x4a: {  	[spmem:s21] =	stream.linear.scatter [tilespmem:s2], [sflag:$0xA], $0x3C00, $0x38;
	v63 =	vld [tilespmem:$0x0]  }
0x4b: {  	_ =	swait.ge [sflag:s7], $0x80  }
0x4c: {  	[sflag:s7] =	ssyncset.done $0x0  }
0x4d: {  	s20 =	simm.s32 $0x0;
	[sflag:s7] =	ssyncadd.s32 $0xFFFFFF80  }
0x4e: {  	[tilespmem:s8], [sflag:$0x1] =	stream.indirect.gather [hbm4b:s1+s29], $0x80, s20, s29, $0xb8;
	v63 =	vld [tilespmem:$0x0]  }
0x4f: {  	_ =	swait.ge [sflag:s11], $0x80  }
0x50: {  	[sflag:s11] =	ssyncset.done $0x0  }
0x51: {  	[sflag:s11] =	ssyncadd.s32 $0xFFFFFF80  }
0x52: {  	[tilespmem:s12], [sflag:$0x2] =	stream.indirect.gather [hbm4b:s1+s29], $0x80, s29, s29, $0xb8;
	v63 =	vld [tilespmem:$0x0]  }
0x53: {  	_ =	swait.ge [sflag:s13], $0x4000  }
0x54: {  	[sflag:s13] =	ssyncset.done $0x0  }
0x55: {  	[sflag:s13] =	ssyncadd.s32 $0xFFFFC000  }
0x56: {  	_ =	swait.ge [sflag:s13], $0x4000  }
0x57: {  	[sflag:s13] =	ssyncset.done $0x0  }
0x58: {  	[sflag:s13] =	ssyncadd.s32 $0xFFFFC000  }
0x59: {  	_ =	swait.ge [sflag:s13], $0x4000  }
0x5a: {  	[sflag:s13] =	ssyncset.done $0x0  }
0x5b: {  	[sflag:s13] =	ssyncadd.s32 $0xFFFFC000  }
0x5c: {  	_ =	swait.ge [sflag:s13], $0x4000  }
0x5d: {  	[sflag:s13] =	ssyncset.done $0x0  }
0x5e: {  	[sflag:s13] =	ssyncadd.s32 $0xFFFFC000  }
0x5f: {  	_ =	swait.ge [sflag:s13], $0x3C00  }
0x60: {  	[sflag:s13] =	ssyncset.done $0x0  }
0x61: {  	[sflag:s13] =	ssyncadd.s32 $0xFFFFC400  }
0x62: {  	[bflag:$0x0] =	sbarrier.arrive $0xFFFF  }
0x63: {  	_ =	swait.ge [sflag:s14], $0x4000  }
0x64: {  	[sflag:s14] =	ssyncset.done $0x0  }
0x65: {  	s21 =	rddreg [dreg:$0x12];
	[sflag:s14] =	ssyncadd.s32 $0xFFFFC000  }
0x66: {  	[tilespmem:s20], [sflag:$0x4] =	stream.linear.gather [hbm4b:s21+s20], $0x80, $0x38;
	v63 =	vld [tilespmem:$0x0]  }
0x67: {  	_ =	swait.ge [sflag:s15], $0x80  }
0x68: {  	[sflag:s15] =	ssyncset.done $0x0  }
0x69: {  	[sflag:s15] =	ssyncadd.s32 $0xFFFFFF80  }
0x6a: {  	[tilespmem:s2], [sflag:$0x3] =	stream.indirect.gather [hbm4b:s1+s29], $0x80, s30, s29, $0xb8;
	v63 =	vld [tilespmem:$0x0]  }
0x6b: {  	_ =	swait.ge [sflag:s6], $0x80  }
0x6c: {  	[sflag:s6] =	ssyncset.done $0x0  }
0x6d: {  	[sflag:s6] =	ssyncadd.s32 $0xFFFFFF80  }
0x6e: {  	[spmem:s3] =	stream.indirect.scatter.add.f32 [tilespmem:s8], [sflag:$0xA], $0x80, s31, s29, $0xb8;
	v63 =	vld [tilespmem:$0x0]  }
0x6f: {  	s26 =	rddreg [dreg:$0x13]  }
0x70: {  	[tilespmem:s16], [sflag:$0x9] =	stream.linear.gather [hbm4b:s26+s20], $0x80, $0x38;
	v63 =	vld [tilespmem:$0x0]  }
0x71: {  	_ =	swait.ge [sflag:s17], $0x4000  }
0x72: {  	[sflag:s17] =	ssyncset.done $0x0  }
0x73: {  	s26 =	rddreg [dreg:$0x14];
	[sflag:s17] =	ssyncadd.s32 $0xFFFFC000  }
0x74: {  	[tilespmem:s29], [sflag:$0x5] =	stream.linear.gather [hbm4b:s26+s20], $0x80, $0x38;
	v63 =	vld [tilespmem:$0x0]  }
0x75: {  	_ =	swait.ge [sflag:s7], $0x80  }
0x76: {  	[sflag:s7] =	ssyncset.done $0x0  }
0x77: {  	[sflag:s7] =	ssyncadd.s32 $0xFFFFFF80  }
0x78: {  	_ =	swait.ge [sflag:s13], $0x4000  }
0x79: {  	[sflag:s13] =	ssyncset.done $0x0  }
0x7a: {  	[sflag:s13] =	ssyncadd.s32 $0xFFFFC000  }
0x7b: {  	[tilespmem:s8], [sflag:$0x1] =	stream.indirect.gather [hbm4b:s1+s29], $0x80, s4, s29, $0xb8;
	v63 =	vld [tilespmem:$0x0]  }
0x7c: {  	_ =	swait.ge [sflag:s18], $0x80  }
0x7d: {  	[sflag:s18] =	ssyncset.done $0x0  }
0x7e: {  	s26 =	sshrl.u32 s25, $0x3;
	[sflag:s18] =	ssyncadd.s32 $0xFFFFFF80  }
0x7f: {  	[spmem:s3] =	stream.indirect.scatter.add.f32 [tilespmem:s12], [sflag:$0xA], $0x80, s0, s29, $0xb8;
	v63 =	vld [tilespmem:$0x0]  }
0x80: {  	s20 =	sadd.s32 s5, s26  }
0x81: {  	[tilespmem:s31], [sflag:$0x7] =	stream.linear.gather [hbm4b:s20+s4], $0x80, $0x38;
	v63 =	vld [tilespmem:$0x0]  }
0x82: {  	_ =	swait.ge [sflag:s9], $0x4000  }
0x83: {  	s21 =	rddreg [dreg:$0x8];
	[sflag:s9] =	ssyncset.done $0x0  }
0x84: {  	[sflag:s9] =	ssyncadd.s32 $0xFFFFC000;
	s20 =	sadd.s32 $0x0, s21  }
0x85: {  	[tilespmem:s30], [sflag:$0x6] =	stream.linear.gather [hbm4b:s20+s4], $0x80, $0x38;
	v63 =	vld [tilespmem:$0x0]  }
0x86: {  	_ =	swait.ge [sflag:s11], $0x80  }
0x87: {  	[sflag:s11] =	ssyncset.done $0x0  }
0x88: {  	[sflag:s11] =	ssyncadd.s32 $0xFFFFFF80  }
0x89: {  	_ =	swait.ge [sflag:s13], $0x4000  }
0x8a: {  	[sflag:s13] =	ssyncset.done $0x0  }
0x8b: {  	[sflag:s13] =	ssyncadd.s32 $0xFFFFC000  }
0x8c: {  	[tilespmem:s12], [sflag:$0x2] =	stream.indirect.gather [hbm4b:s1+s29], $0x80, s29, s29, $0xb8;
	v63 =	vld [tilespmem:$0x0]  }
0x8d: {  	_ =	swait.ge [sflag:s19], $0x80  }
0x8e: {  	[sflag:s19] =	ssyncset.done $0x0  }
0x8f: {  	s26 =	rddreg [dreg:$0x6];
	[sflag:s19] =	ssyncadd.s32 $0xFFFFFF80  }
0x90: {  	[spmem:s3] =	stream.indirect.scatter.add.f32 [tilespmem:s2], [sflag:$0xA], $0x80, s16, s29, $0xb8;
	v63 =	vld [tilespmem:$0x0]  }
0x91: {  	s20 =	sadd.s32 $0x0, s26  }
0x92: {  	[tilespmem:s0], [sflag:$0x8] =	stream.linear.gather [hbm4b:s20+s4], $0x80, $0x38;
	v63 =	vld [tilespmem:$0x0]  }
0x93: {  	_ =	swait.ge [sflag:s14], $0x4000  }
0x94: {  	s21 =	rddreg [dreg:$0x5];
	[sflag:s14] =	ssyncset.done $0x0  }
0x95: {  	[sflag:s14] =	ssyncadd.s32 $0xFFFFC000;
	s20 =	sadd.s32 $0x0, s21  }
0x96: {  	[tilespmem:s4], [sflag:$0x4] =	stream.linear.gather [hbm4b:s20+s4], $0x80, $0x38;
	v63 =	vld [tilespmem:$0x0]  }
0x97: {  	_ =	swait.ge [sflag:s15], $0x80  }
0x98: {  	[sflag:s15] =	ssyncset.done $0x0  }
0x99: {  	[sflag:s15] =	ssyncadd.s32 $0xFFFFFF80  }
0x9a: {  	_ =	swait.ge [sflag:s13], $0x4000  }
0x9b: {  	[sflag:s13] =	ssyncset.done $0x0  }
0x9c: {  	[sflag:s13] =	ssyncadd.s32 $0xFFFFC000  }
0x9d: {  	[tilespmem:s2], [sflag:$0x3] =	stream.indirect.gather [hbm4b:s1+s29], $0x80, s30, s29, $0xb8;
	v63 =	vld [tilespmem:$0x0]  }
0x9e: {  	_ =	swait.ge [sflag:s6], $0x80  }
0x9f: {  	[sflag:s6] =	ssyncset.done $0x0  }
0xa0: {  	s26 =	rddreg [dreg:$0x7];
	[sflag:s6] =	ssyncadd.s32 $0xFFFFFF80  }
0xa1: {  	[spmem:s3] =	stream.indirect.scatter.add.f32 [tilespmem:s8], [sflag:$0xA], $0x80, s31, s29, $0xb8;
	v63 =	vld [tilespmem:$0x0]  }
0xa2: {  	s20 =	sadd.s32 $0x0, s26  }
0xa3: {  	[tilespmem:s16], [sflag:$0x9] =	stream.linear.gather [hbm4b:s20+s4], $0x80, $0x38;
	v63 =	vld [tilespmem:$0x0]  }
0xa4: {  	_ =	swait.ge [sflag:s17], $0x4000  }
0xa5: {  	s28 =	sadd.s32 $0x180, s25;
	s21 =	rddreg [dreg:$0x4];
	[sflag:s17] =	ssyncset.done $0x0  }
0xa6: {  	s26 =	simm.s32 $0x30;
	[sflag:s17] =	ssyncadd.s32 $0xFFFFC000;
	s20 =	sadd.s32 $0x0, s21  }
.LBB2_4:
0xa7: {  	[tilespmem:s29], [sflag:$0x5] =	stream.linear.gather [hbm4b:s20+s4], $0x80, $0x38;
	v63 =	vld [tilespmem:$0x0]  }
0xa8: {  	_ =	swait.ge [sflag:s7], $0x80  }
0xa9: {  	[sflag:s7] =	ssyncset.done $0x0  }
0xaa: {  	[sflag:s7] =	ssyncadd.s32 $0xFFFFFF80  }
0xab: {  	_ =	swait.ge [sflag:s13], $0x4000  }
0xac: {  	[sflag:s13] =	ssyncset.done $0x0  }
0xad: {  	[sflag:s13] =	ssyncadd.s32 $0xFFFFC000  }
0xae: {  	[tilespmem:s8], [sflag:$0x1] =	stream.indirect.gather [hbm4b:s1+s29], $0x80, s4, s29, $0xb8;
	v63 =	vld [tilespmem:$0x0]  }
0xaf: {  	_ =	swait.ge [sflag:s18], $0x80  }
0xb0: {  	[sflag:s18] =	ssyncset.done $0x0  }
0xb1: {  	s21 =	sshrl.u32 s28, $0x3;
	[sflag:s18] =	ssyncadd.s32 $0xFFFFFF80  }
0xb2: {  	[spmem:s3] =	stream.indirect.scatter.add.f32 [tilespmem:s12], [sflag:$0xA], $0x80, s0, s29, $0xb8;
	v63 =	vld [tilespmem:$0x0]  }
0xb3: {  	s21 =	sadd.s32 s5, s21  }
0xb4: {  	[tilespmem:s31], [sflag:$0x7] =	stream.linear.gather [hbm4b:s21+s4], $0x80, $0x38;
	v63 =	vld [tilespmem:$0x0]  }
0xb5: {  	_ =	swait.ge [sflag:s9], $0x4000  }
0xb6: {  	s20 =	smov.u32 s26;
	s21 =	rddreg [dreg:$0x8];
	[sflag:s9] =	ssyncset.done $0x0  }
0xb7: {  	[sflag:s9] =	ssyncadd.s32 $0xFFFFC000;
	s21 =	sadd.s32 s20, s21  }
0xb8: {  	[tilespmem:s30], [sflag:$0x6] =	stream.linear.gather [hbm4b:s21+s4], $0x80, $0x38;
	v63 =	vld [tilespmem:$0x0]  }
0xb9: {  	_ =	swait.ge [sflag:s11], $0x80  }
0xba: {  	[sflag:s11] =	ssyncset.done $0x0  }
0xbb: {  	[sflag:s11] =	ssyncadd.s32 $0xFFFFFF80  }
0xbc: {  	_ =	swait.ge [sflag:s13], $0x4000  }
0xbd: {  	[sflag:s13] =	ssyncset.done $0x0  }
0xbe: {  	[sflag:s13] =	ssyncadd.s32 $0xFFFFC000  }
0xbf: {  	[tilespmem:s12], [sflag:$0x2] =	stream.indirect.gather [hbm4b:s1+s29], $0x80, s29, s29, $0xb8;
	v63 =	vld [tilespmem:$0x0]  }
0xc0: {  	_ =	swait.ge [sflag:s19], $0x80  }
0xc1: {  	[sflag:s19] =	ssyncset.done $0x0  }
0xc2: {  	s21 =	rddreg [dreg:$0x6];
	[sflag:s19] =	ssyncadd.s32 $0xFFFFFF80  }
0xc3: {  	[spmem:s3] =	stream.indirect.scatter.add.f32 [tilespmem:s2], [sflag:$0xA], $0x80, s16, s29, $0xb8;
	v63 =	vld [tilespmem:$0x0]  }
0xc4: {  	s21 =	sadd.s32 s20, s21  }
0xc5: {  	[tilespmem:s0], [sflag:$0x8] =	stream.linear.gather [hbm4b:s21+s4], $0x80, $0x38;
	v63 =	vld [tilespmem:$0x0]  }
0xc6: {  	_ =	swait.ge [sflag:s14], $0x4000  }
0xc7: {  	s21 =	rddreg [dreg:$0x5];
	[sflag:s14] =	ssyncset.done $0x0  }
0xc8: {  	[sflag:s14] =	ssyncadd.s32 $0xFFFFC000;
	s21 =	sadd.s32 s20, s21  }
0xc9: {  	[tilespmem:s4], [sflag:$0x4] =	stream.linear.gather [hbm4b:s21+s4], $0x80, $0x38;
	v63 =	vld [tilespmem:$0x0]  }
0xca: {  	_ =	swait.ge [sflag:s15], $0x80  }
0xcb: {  	[sflag:s15] =	ssyncset.done $0x0  }
0xcc: {  	[sflag:s15] =	ssyncadd.s32 $0xFFFFFF80  }
0xcd: {  	_ =	swait.ge [sflag:s13], $0x4000  }
0xce: {  	[sflag:s13] =	ssyncset.done $0x0  }
0xcf: {  	[sflag:s13] =	ssyncadd.s32 $0xFFFFC000  }
0xd0: {  	[tilespmem:s2], [sflag:$0x3] =	stream.indirect.gather [hbm4b:s1+s29], $0x80, s30, s29, $0xb8;
	v63 =	vld [tilespmem:$0x0]  }
0xd1: {  	_ =	swait.ge [sflag:s6], $0x80  }
0xd2: {  	[sflag:s6] =	ssyncset.done $0x0  }
0xd3: {  	p0 =	sne.s32 s26, $0x450;
	s21 =	rddreg [dreg:$0x7];
	[sflag:s6] =	ssyncadd.s32 $0xFFFFFF80  }
0xd4: {  	[spmem:s3] =	stream.indirect.scatter.add.f32 [tilespmem:s8], [sflag:$0xA], $0x80, s31, s29, $0xb8;
	v63 =	vld [tilespmem:$0x0]  }
.Ltmp1:
0xd5: {  	s21 =	sadd.s32 s20, s21;
	(pc) =	sbr.rel @p0 .LBB2_4-.Ltmp1, $4  }
0xd6: {  	[tilespmem:s16], [sflag:$0x9] =	stream.linear.gather [hbm4b:s21+s4], $0x80, $0x38;
	v63 =	vld [tilespmem:$0x0]  }
0xd7: {  	_ =	swait.ge [sflag:s17], $0x4000  }
0xd8: {  	s26 =	sadd.s32 $0x30, s26;
	[sflag:s17] =	ssyncset.done $0x0;
	s21 =	rddreg [dreg:$0x4]  }
0xd9: {  	s28 =	sadd.s32 $0x180, s28;
	[sflag:s17] =	ssyncadd.s32 $0xFFFFC000;
	s20 =	sadd.s32 s20, s21  }
0xda: {  	[tilespmem:s29], [sflag:$0x5] =	stream.linear.gather [hbm4b:s20+s4], $0x80, $0x38;
	v63 =	vld [tilespmem:$0x0]  }
0xdb: {  	_ =	swait.ge [sflag:s7], $0x80  }
0xdc: {  	[sflag:s7] =	ssyncset.done $0x0  }
0xdd: {  	[sflag:s7] =	ssyncadd.s32 $0xFFFFFF80  }
0xde: {  	_ =	swait.ge [sflag:s13], $0x4000  }
0xdf: {  	[sflag:s13] =	ssyncset.done $0x0  }
0xe0: {  	[sflag:s13] =	ssyncadd.s32 $0xFFFFC000  }
0xe1: {  	[tilespmem:s8], [sflag:$0x1] =	stream.indirect.gather [hbm4b:s1+s29], $0x80, s4, s29, $0xb8;
	v63 =	vld [tilespmem:$0x0]  }
0xe2: {  	_ =	swait.ge [sflag:s18], $0x80  }
0xe3: {  	[sflag:s18] =	ssyncset.done $0x0  }
0xe4: {  	[sflag:s18] =	ssyncadd.s32 $0xFFFFFF80  }
0xe5: {  	[spmem:s3] =	stream.indirect.scatter.add.f32 [tilespmem:s12], [sflag:$0xA], $0x80, s0, s29, $0xb8;
	v63 =	vld [tilespmem:$0x0]  }
0xe6: {  	s28 =	rddreg [dreg:$0x1b]  }
0xe7: {  	[tilespmem:s31], [sflag:$0x7] =	stream.linear.gather [hbm4b:s28+s4], $0x80, $0x38;
	v63 =	vld [tilespmem:$0x0]  }
0xe8: {  	_ =	swait.ge [sflag:s9], $0x4000  }
0xe9: {  	[sflag:s9] =	ssyncset.done $0x0  }
0xea: {  	s21 =	rddreg [dreg:$0x15];
	[sflag:s9] =	ssyncadd.s32 $0xFFFFC000  }
0xeb: {  	[tilespmem:s30], [sflag:$0x6] =	stream.linear.gather [hbm4b:s21+s4], $0x80, $0x38;
	v63 =	vld [tilespmem:$0x0]  }
0xec: {  	s26 =	rddreg [dreg:$0x16];
	s21 =	simm.s32 $0x300  }
0xed: {  	[tilespmem:s21], [sflag:$0x4] =	stream.linear.gather [hbm4b:s26+s4], $0x10, $0x38;
	v63 =	vld [tilespmem:$0x0]  }
0xee: {  	s28 =	rddreg [dreg:$0x17];
	s26 =	simm.s32 $0x380  }
0xef: {  	[tilespmem:s26], [sflag:$0x7] =	stream.linear.gather [hbm4b:s28+s4], $0x10, $0x38;
	v63 =	vld [tilespmem:$0x0]  }
0xf0: {  	_ =	swait.ge [sflag:s11], $0x80  }
0xf1: {  	[sflag:s11] =	ssyncset.done $0x0  }
0xf2: {  	[sflag:s11] =	ssyncadd.s32 $0xFFFFFF80  }
0xf3: {  	_ =	swait.ge [sflag:s13], $0x4000  }
0xf4: {  	[sflag:s13] =	ssyncset.done $0x0  }
0xf5: {  	[sflag:s13] =	ssyncadd.s32 $0xFFFFC000  }
0xf6: {  	[tilespmem:s12], [sflag:$0x2] =	stream.indirect.gather [hbm4b:s1+s29], $0x80, s29, s29, $0xb8;
	v63 =	vld [tilespmem:$0x0]  }
0xf7: {  	_ =	swait.ge [sflag:s19], $0x80  }
0xf8: {  	[sflag:s19] =	ssyncset.done $0x0  }
0xf9: {  	[sflag:s19] =	ssyncadd.s32 $0xFFFFFF80  }
0xfa: {  	[spmem:s3] =	stream.indirect.scatter.add.f32 [tilespmem:s2], [sflag:$0xA], $0x80, s16, s29, $0xb8;
	v63 =	vld [tilespmem:$0x0]  }
0xfb: {  	s28 =	rddreg [dreg:$0x1c]  }
0xfc: {  	[tilespmem:s0], [sflag:$0x8] =	stream.linear.gather [hbm4b:s28+s4], $0x80, $0x38;
	v63 =	vld [tilespmem:$0x0]  }
0xfd: {  	_ =	swait.ge [sflag:s14], $0x4000  }
0xfe: {  	[sflag:s14] =	ssyncset.done $0x0  }
0xff: {  	[sflag:s14] =	ssyncadd.s32 $0xFFFFC000  }
0x100: {  	_ =	swait.ge [sflag:s15], $0x80  }
0x101: {  	[sflag:s15] =	ssyncset.done $0x0  }
0x102: {  	[sflag:s15] =	ssyncadd.s32 $0xFFFFFF80  }
0x103: {  	_ =	swait.ge [sflag:s13], $0x4000  }
0x104: {  	[sflag:s13] =	ssyncset.done $0x0  }
0x105: {  	[sflag:s13] =	ssyncadd.s32 $0xFFFFC000  }
0x106: {  	[tilespmem:s2], [sflag:$0x3] =	stream.indirect.gather [hbm4b:s1+s29], $0x80, s30, s29, $0xb8;
	v63 =	vld [tilespmem:$0x0]  }
0x107: {  	_ =	swait.ge [sflag:s6], $0x80  }
0x108: {  	[sflag:s6] =	ssyncset.done $0x0  }
0x109: {  	[sflag:s6] =	ssyncadd.s32 $0xFFFFFF80  }
0x10a: {  	[spmem:s3] =	stream.indirect.scatter.add.f32 [tilespmem:s8], [sflag:$0xA], $0x80, s31, s29, $0xb8;
	v63 =	vld [tilespmem:$0x0]  }
0x10b: {  	s28 =	rddreg [dreg:$0x18]  }
0x10c: {  	[tilespmem:s16], [sflag:$0x9] =	stream.linear.gather [hbm4b:s28+s4], $0x80, $0x38;
	v63 =	vld [tilespmem:$0x0]  }
0x10d: {  	_ =	swait.ge [sflag:s17], $0x4000  }
0x10e: {  	[sflag:s17] =	ssyncset.done $0x0  }
0x10f: {  	[sflag:s17] =	ssyncadd.s32 $0xFFFFC000  }
0x110: {  	_ =	swait.ge [sflag:s13], $0x4000  }
0x111: {  	[sflag:s13] =	ssyncset.done $0x0  }
0x112: {  	[sflag:s13] =	ssyncadd.s32 $0xFFFFC000  }
0x113: {  	_ =	swait.ge [sflag:s18], $0x80  }
0x114: {  	[sflag:s18] =	ssyncset.done $0x0  }
0x115: {  	[sflag:s18] =	ssyncadd.s32 $0xFFFFFF80  }
0x116: {  	[spmem:s3] =	stream.indirect.scatter.add.f32 [tilespmem:s12], [sflag:$0xA], $0x80, s0, s29, $0xb8;
	v63 =	vld [tilespmem:$0x0]  }
0x117: {  	_ =	swait.ge [sflag:s9], $0x4000  }
0x118: {  	[sflag:s9] =	ssyncset.done $0x0  }
0x119: {  	[sflag:s9] =	ssyncadd.s32 $0xFFFFC000  }
0x11a: {  	_ =	swait.ge [sflag:s13], $0x4000  }
0x11b: {  	[sflag:s13] =	ssyncset.done $0x0  }
0x11c: {  	[sflag:s13] =	ssyncadd.s32 $0xFFFFC000  }
0x11d: {  	_ =	swait.ge [sflag:s19], $0x80  }
0x11e: {  	[sflag:s19] =	ssyncset.done $0x0  }
0x11f: {  	[sflag:s19] =	ssyncadd.s32 $0xFFFFFF80  }
0x120: {  	[spmem:s3] =	stream.indirect.scatter.add.f32 [tilespmem:s2], [sflag:$0xA], $0x80, s16, s29, $0xb8;
	v63 =	vld [tilespmem:$0x0]  }
0x121: {  	_ =	swait.ge [sflag:s7], $0x10  }
0x122: {  	[sflag:s7] =	ssyncset.done $0x0  }
0x123: {  	[sflag:s7] =	ssyncadd.s32 $0xFFFFFFF0  }
0x124: {  	[tilespmem:s8], [sflag:$0x1] =	stream.indirect.gather [hbm4b:s1+s22], $0x80, s21, s22, $0xb8;
	v63 =	vld [tilespmem:$0x0]  }
0x125: {  	_ =	swait.ge [sflag:s6], $0x10  }
0x126: {  	[sflag:s6] =	ssyncset.done $0x0  }
0x127: {  	[sflag:s6] =	ssyncadd.s32 $0xFFFFFFF0  }
0x128: {  	_ =	swait.ge [sflag:s14], $0x800  }
0x129: {  	[sflag:s14] =	ssyncset.done $0x0  }
0x12a: {  	[sflag:s14] =	ssyncadd.s32 $0xFFFFF800  }
0x12b: {  	_ =	swait.ge [sflag:s13], $0x4000  }
0x12c: {  	[sflag:s13] =	ssyncset.done $0x0  }
0x12d: {  	[sflag:s13] =	ssyncadd.s32 $0xFFFFC000  }
0x12e: {  	[spmem:s3] =	stream.indirect.scatter.add.f32 [tilespmem:s8], [sflag:$0xB], $0x80, s26, s22, $0xb8;
	v63 =	vld [tilespmem:$0x0]  }
0x12f: {  	_ =	swait.ge [sflag:s23], $0x800  }
0x130: {  	[sflag:s23] =	ssyncset.done $0x0  }
0x131: {  	s21 =	stileid.u32;
	[sflag:s23] =	ssyncadd.s32 $0xFFFFF800  }
0x132: {  	s20 =	sshll.u32 s21, $0x6;
	[bflag:$0x0] =	sbarrier.arrive $0xFFFF  }
0x133: {  	s20 =	sor.u32 $0x1C0B, s20;
	s26 =	sshrl.u32 s10, $0x3;
	s28 =	rddreg [dreg:$0x19]  }
0x134: {  	[hbm:s28], [sflag:s20] =	dma.local [spmem:s26], $0x2780  }
0x135: {  	_ =	swait.ge [sflag:s23], $0x2780  }
0x136: {  	s24 =	sadd.s32 $0x1, s24;
	s28 =	rddreg [dreg:$0x1a]  }
0x137: {  	p0 =	sne.s32 s24, s28  }
.Ltmp2:
0x138: {  	_ = 	snop;
	(pc) =	sbr.rel @p0 .LBB2_1-.Ltmp2, $3  }
0x139: {  	_ =	sdelay $0x1  }
0x13a: {  	[sflag:s23] =	ssyncset.done $0x0  }
0x13b: {  	[sflag:s23] =	ssyncadd.s32 $0xFFFFD880  }
0x13c: {  	_ =	sfence.sel $0x180000  }
0x13d: {  	[bflag:$0x0] =	sbarrier.arrive $0xFFFF  }
0x13e: {  	_ =	strace $0x9000004A  }
0x13f: {  	s0 =	stileid.u32;
	[bflag:$0x2] =	sbarrier.arrive $0xFFFF  }
0x140: {  	p0 =	sne.s32 s0, $0x0;
	s0 =	rddreg [dreg:$0x3]  }
0x141: {  	s0 =	sadd.s32 @!p0 $0x100000, s0  }
0x142: {  	[sflag:s0] =	ssyncadd.tile.s32 @!p0 $0x1;
	_ =	shalt  }
.Lfunc_end2:
_tile_overlayer_lowered:
.L_overlay_start_2:
0x143: {  	(tag) =	ssettag $0x2  }
0x144: {  	s0 =	rddreg [dreg:$0x0];
	s2 =	stileid.u32  }
0x145: {  	s1 =	rddreg [dreg:$0x1];
	p0 =	sne.s32 s2, $0x0  }
0x146: {  	s3 =	rddreg [dreg:$0x2];
	[bflag:$0x3] =	sbarrier.arrive $0xFFFF;
	s2 =	simm.s32 @!p0 $0x1C0B  }
0x147: {  	[timem:s3], [sflag:s2] =	dma.local @!p0 [hbm:s0], s1  }
0x148: {  	s0 =	simm.s32 @!p0 $0xB  }
0x149: {  	_ =	swait.ge @!p0 [sflag:s0], s1  }
0x14a: {  	s1 =	ssub.s32 @!p0 $0x0, s1;
	[sflag:s0] =	ssyncset.done @!p0 $0x0  }
0x14b: {  	[sflag:s0] =	ssyncadd.s32 @!p0 s1  }
0x14c: {  	[bflag:$0x3] =	sbarrier.arrive $0xFFFF  }
0x14d: {  	_ =	shalt  }

</sc_bundles>
